<compile_context>
chip_gen: v7x
topology: tpu7x:2x2x1
jax: 0.10.2.dev20260603
libtpu: 0.0.44.dev20260713+nightly
codegen_flags: <defaults>
</compile_context>

<pallas_src>
import functools

import jax
import jax.numpy as jnp
from jax import lax
from jax.experimental import pallas as pl
from jax.experimental.pallas import tpu as pltpu
from jax.experimental.pallas import tpu_sc as plsc

RADIUS = 0.2
K = 64
NC = 2
NS = 16
L = 16



def _cand_body(nxyz_t_ref, xyz_ref, cand_ref):
    nx = nxyz_t_ref[0]
    p = xyz_ref[0]
    qx = nx[:, 0:1]
    qy = nx[:, 1:2]
    qz = nx[:, 2:3]
    px = p[0:1, :]
    py = p[1:2, :]
    pz = p[2:3, :]
    cross = jax.lax.dot_general(nx, p, (((1,), (0,)), ((), ())),
                                preferred_element_type=jnp.float32)
    q2 = (qx * qx + qy * qy) + qz * qz
    p2 = (px * px + py * py) + pz * pz
    d2 = (q2 + p2) - 2.0 * cross
    iota = jax.lax.broadcasted_iota(jnp.int32, d2.shape, 1)
    r2 = jnp.float32(RADIUS * RADIUS)
    cand_ref[0] = jnp.where(d2 < r2, iota, -1)


def _ball_query_cand(new_xyz, xyz):
    B, _, M = new_xyz.shape
    N = xyz.shape[2]
    Mb = 256
    nxyz_t = jnp.transpose(new_xyz, (0, 2, 1))
    grid = (B, M // Mb)
    return pl.pallas_call(
        _cand_body,
        grid=grid,
        in_specs=[
            pl.BlockSpec((1, Mb, 3), lambda b, i: (b, i, 0)),
            pl.BlockSpec((1, 3, N), lambda b, i: (b, 0, 0)),
        ],
        out_specs=pl.BlockSpec((1, Mb, N), lambda b, i: (b, i, 0)),
        out_shape=jax.ShapeDtypeStruct((B, M, N), jnp.int32),
    )(nxyz_t, xyz)



def _make_select(B, M, n):
    rows = B * M
    ngroups = n // L
    rpw = rows // (NC * NS)
    npairs = rpw // 2
    UNROLL = 8
    mesh = plsc.VectorSubcoreMesh(core_axis_name="c", subcore_axis_name="s")

    @functools.partial(
        pl.kernel,
        out_type=jax.ShapeDtypeStruct((rows * K,), jnp.int32),
        mesh=mesh,
        compiler_params=pltpu.CompilerParams(
            needs_layout_passes=False, use_tc_tiling_on_sc=True),
        scratch_types=[
            pltpu.VMEM((n,), jnp.int32),
            pltpu.VMEM((n,), jnp.int32),
            pltpu.VMEM((n + L,), jnp.int32),
            pltpu.VMEM((rpw * K,), jnp.int32),
            pltpu.SemaphoreType.DMA,
            pltpu.SemaphoreType.DMA,
        ],
    )
    def select(cand_hbm, idx_hbm, cbuf0, cbuf1, rowbuf, outbuf, sem0, sem1):
        cid = lax.axis_index("c")
        sid = lax.axis_index("s")
        wid = sid * NC + cid
        base = wid * rpw

        zeros16 = jnp.zeros((L,), jnp.int32)

        def start_row_copy(r, cbuf, sem):
            pltpu.async_copy(cand_hbm.at[r // M, r % M], cbuf, sem)

        def wait_row_copy(r, cbuf, sem):
            pltpu.make_async_copy(cand_hbm.at[r // M, r % M], cbuf, sem).wait()

        BLK = 32

        def scan_row(cbuf, r_local):
            def body(w, ptrv):
                v = cbuf[pl.ds(w * L, L)]
                msk = v >= 0
                cum = plsc.cumsum(msk.astype(jnp.int32))
                pos = ptrv + cum - 1
                mske = jnp.logical_and(msk, pos < K)
                plsc.store_scatter(rowbuf, [pos], v, mask=mske)
                return ptrv + plsc.all_reduce_population_count(msk)

            def blk(bi, ptrv):
                return lax.cond(
                    ptrv[0] >= K,
                    lambda p: p,
                    lambda p: plsc.parallel_loop(
                        bi * BLK, (bi + 1) * BLK, 1, unroll=UNROLL, carry=p)(body),
                    ptrv)

            ptrv = lax.fori_loop(0, ngroups // BLK, blk, zeros16)
            v0 = rowbuf[pl.ds(0, L)]
            lanes0 = lax.iota(jnp.int32, L)
            firstv = plsc.cummax(jnp.where(lanes0 == 0, v0, jnp.int32(-2147483648)))
            fvec = jnp.where(ptrv > 0, firstv, 0)
            obase = r_local * K
            for g in range(K // L):
                cur = rowbuf[pl.ds(g * L, L)]
                lanes = lax.iota(jnp.int32, L) + (g * L)
                outbuf[pl.ds(obase + g * L, L)] = jnp.where(lanes < ptrv, cur, fvec)

        start_row_copy(base, cbuf0, sem0)

        def pair(j, _):
            r0 = base + 2 * j
            start_row_copy(r0 + 1, cbuf1, sem1)
            wait_row_copy(r0, cbuf0, sem0)
            scan_row(cbuf0, 2 * j)

            @pl.when(j < npairs - 1)
            def _():
                start_row_copy(r0 + 2, cbuf0, sem0)

            wait_row_copy(r0 + 1, cbuf1, sem1)
            scan_row(cbuf1, 2 * j + 1)
            return 0

        lax.fori_loop(0, npairs, pair, 0)
        pltpu.sync_copy(outbuf, idx_hbm.at[pl.ds(base * K, rpw * K)])

    return select



def _make_gather(B, C, M, N):
    MK = M * K
    HALF = MK // 2
    CTOT = C + 6
    NSLAB = 2 * B
    SPS = (NC * NS) // NSLAB
    CPS = (CTOT + SPS - 1) // SPS
    CHUNK = 8192
    NCHUNK = HALF // CHUNK
    NGRP = CHUNK // L
    NBUF = 4
    mesh = plsc.VectorSubcoreMesh(core_axis_name="c", subcore_axis_name="s")

    @functools.partial(
        pl.kernel,
        out_type=(
            jax.ShapeDtypeStruct((B * (C + 3) * MK,), jnp.float32),
            jax.ShapeDtypeStruct((B * 3 * MK,), jnp.float32),
        ),
        mesh=mesh,
        compiler_params=pltpu.CompilerParams(needs_layout_passes=False),
        scratch_types=[
            pltpu.VMEM((HALF,), jnp.int32),
            pltpu.VMEM((N,), jnp.float32),
            pltpu.VMEM((M,), jnp.float32),
            [pltpu.VMEM((CHUNK,), jnp.float32) for _ in range(NBUF)],
            [pltpu.SemaphoreType.DMA for _ in range(NBUF)],
            pltpu.SemaphoreType.DMA,
        ],
    )
    def gather(idx_hbm, feat_hbm, xyzg_hbm, xyz_hbm, nxg_hbm, nx_hbm,
               ofeat_hbm, ogxyz_hbm, ibuf, tbl, nxtbl, obufs, osems, sem0):
        cid = lax.axis_index("c")
        sid = lax.axis_index("s")
        wid = sid * NC + cid
        slab = wid // SPS
        lane = wid % SPS
        b = slab // 2
        h = slab % 2
        slab_off = h * HALF
        lanes0 = lax.iota(jnp.int32, L)

        pltpu.sync_copy(idx_hbm.at[pl.ds(b * MK + slab_off, HALF)], ibuf)

        def do_channel(ci, _):
            c_glob = lane * CPS + ci

            @pl.when(c_glob < CTOT)
            def _():
                is_feat = c_glob < C
                is_fxyz = jnp.logical_and(c_glob >= C, c_glob < C + 3)
                is_gxyz = c_glob >= C + 3
                cf = jnp.minimum(c_glob, C - 1)
                cx = jnp.clip(c_glob - C, 0, 2)
                cg = jnp.clip(c_glob - (C + 3), 0, 2)
                oc = jnp.minimum(c_glob, C + 2)

                @pl.when(is_feat)
                def _():
                    pltpu.sync_copy(feat_hbm.at[b, cf], tbl)

                @pl.when(is_fxyz)
                def _():
                    pltpu.sync_copy(xyzg_hbm.at[b, cx], tbl)
                    pltpu.sync_copy(nxg_hbm.at[b, cx], nxtbl)

                @pl.when(is_gxyz)
                def _():
                    pltpu.sync_copy(xyz_hbm.at[b, cg], tbl)
                    pltpu.sync_copy(nx_hbm.at[b, cg], nxtbl)

                def fill(obuf, ch):
                    base = ch * CHUNK

                    def grp(i):
                        o = i * L
                        iv = ibuf[pl.ds(base + o, L)]
                        g = plsc.load_gather(tbl, [iv])
                        obuf[pl.ds(o, L)] = g

                    def grp_sub(i):
                        o = i * L
                        iv = ibuf[pl.ds(base + o, L)]
                        g = plsc.load_gather(tbl, [iv])
                        mv = (slab_off + base + o + lanes0) // K
                        nxv = plsc.load_gather(nxtbl, [mv])
                        obuf[pl.ds(o, L)] = g - nxv

                    @pl.when(is_feat)
                    def _():
                        plsc.parallel_loop(0, NGRP, 1, unroll=8)(grp)

                    @pl.when(jnp.logical_not(is_feat))
                    def _():
                        plsc.parallel_loop(0, NGRP, 1, unroll=8)(grp_sub)

                def flush(obuf, ch, sem):
                    dst_off = slab_off + ch * CHUNK
                    feat_at = (b * (C + 3) + oc) * MK + dst_off
                    gxyz_at = (b * 3 + cg) * MK + dst_off

                    @pl.when(jnp.logical_not(is_gxyz))
                    def _():
                        pltpu.async_copy(
                            obuf, ofeat_hbm.at[pl.ds(feat_at, CHUNK)], sem)

                    @pl.when(is_gxyz)
                    def _():
                        pltpu.async_copy(
                            obuf, ogxyz_hbm.at[pl.ds(gxyz_at, CHUNK)], sem)

                def wait_flush(obuf, ch, sem):
                    dst_off = slab_off + ch * CHUNK
                    feat_at = (b * (C + 3) + oc) * MK + dst_off
                    gxyz_at = (b * 3 + cg) * MK + dst_off

                    @pl.when(jnp.logical_not(is_gxyz))
                    def _():
                        pltpu.make_async_copy(
                            obuf, ofeat_hbm.at[pl.ds(feat_at, CHUNK)],
                            sem).wait()

                    @pl.when(is_gxyz)
                    def _():
                        pltpu.make_async_copy(
                            obuf, ogxyz_hbm.at[pl.ds(gxyz_at, CHUNK)],
                            sem).wait()

                def ring(j, _):
                    for s in range(NBUF):
                        ch = j * NBUF + s

                        @pl.when(j > 0)
                        def _():
                            wait_flush(obufs[s], ch - NBUF, osems[s])

                        fill(obufs[s], ch)
                        flush(obufs[s], ch, osems[s])
                    return 0

                lax.fori_loop(0, NCHUNK // NBUF, ring, 0)
                for s in range(NBUF):
                    wait_flush(obufs[s], NCHUNK - NBUF + s, osems[s])

            return 0

        lax.fori_loop(0, CPS, do_channel, 0)

    return gather


def kernel(new_xyz, xyz, feature, use_xyz):
    B, _, M = new_xyz.shape
    C = feature.shape[1]
    N = xyz.shape[2]
    cand = _ball_query_cand(new_xyz, xyz)
    select = _make_select(B, M, N)
    idx = select(cand)
    gate = (jnp.asarray(use_xyz) != 0).astype(jnp.float32)
    xyz_g = xyz * gate
    nx_g = new_xyz * gate
    gather = _make_gather(B, C, M, N)
    ofeat, ogxyz = gather(idx, feature, xyz_g, xyz, nx_g, new_xyz)
    group_feature = ofeat.reshape(B, C + 3, M, K)
    group_xyz = ogxyz.reshape(B, 3, M, K)
    return (group_feature, group_xyz)

# --- scband reference (transcript-rebuilt; emitter-appended) ---
"""Pipeline reference for scband-query-grouper-57930518888876 (READ-ONLY COPY).

The authoritative reference and input builder live on the scoring server;
editing this copy changes nothing except your own understanding.
"""

import jax, jax.numpy as jnp
import numpy as np

RADIUS = 0.2
MAX_NEIGHBORS = 64


def ball_query(new_xyz, xyz, radius, k):
    # new_xyz: [B, 3, M], xyz: [B, 3, N] -> idx: [B, M, K] int32
    B, _, M = new_xyz.shape
    N = xyz.shape[2]
    q2 = jnp.sum(new_xyz * new_xyz, axis=1)              # [B, M]
    p2 = jnp.sum(xyz * xyz, axis=1)                      # [B, N]
    cross = jnp.einsum('bdm,bdn->bmn', new_xyz, xyz)     # [B, M, N]
    d2 = q2[:, :, None] + p2[:, None, :] - 2.0 * cross   # [B, M, N]
    mask = d2 < (radius * radius)
    cand = jnp.where(mask, jnp.arange(N, dtype=jnp.int32)[None, None, :], N)
    sidx = jnp.sort(cand, axis=-1)[:, :, :k]             # first k in-radius indices
    first = sidx[:, :, :1]
    first = jnp.where(first == N, 0, first)
    idx = jnp.where(sidx == N, first, sidx)               # pad with first valid (CUDA ball_query semantics)
    return idx.astype(jnp.int32)


def group_points(x, idx):
    # x: [B, C, N], idx: [B, M, K] -> [B, C, M, K]
    B, C, N = x.shape
    _, M, K = idx.shape
    flat = idx.reshape(B, 1, M * K)
    g = jnp.take_along_axis(x, jnp.broadcast_to(flat, (B, C, M * K)), axis=2)
    return g.reshape(B, C, M, K)


def setup_inputs(seed: int = 0) -> dict:
    key = jax.random.key(seed)
    k1, k2, k3 = jax.random.split(key, 3)
    new_xyz = jax.random.uniform(k1, (4, 3, 2048), dtype=jnp.float32)
    xyz = jax.random.uniform(k2, (4, 3, 8192), dtype=jnp.float32)
    feature = jax.random.normal(k3, (4, 128, 8192), dtype=jnp.float32)
    return {"new_xyz": new_xyz, "xyz": xyz, "feature": feature, "use_xyz": 1}


def reference(new_xyz, xyz, feature, use_xyz):
    idx = jax.lax.stop_gradient(ball_query(new_xyz, xyz, RADIUS, MAX_NEIGHBORS))
    group_xyz = group_points(xyz, idx)
    group_xyz = group_xyz - new_xyz[:, :, :, None]
    if feature is not None:
        group_feature = group_points(feature, idx)
        gate = (jnp.asarray(use_xyz) != 0).astype(group_xyz.dtype)
        group_feature = jnp.concatenate([group_feature, group_xyz * gate], axis=1)
    else:
        group_feature = group_xyz
    return (group_feature, group_xyz)

if __name__ == "__main__":
    import jax
    _d = setup_inputs()
    print(jax.jit(kernel)(*tuple(_d.values())))

</pallas_src>

<mosaic_0001>
#map = affine_map<(d0, d1) -> (0, 0, 0)>
#map1 = affine_map<(d0, d1) -> (0)>
module attributes {stable_mosaic.version = 14 : i64} {
  func.func @select(%arg0: i32, %arg1: i32, %arg2: memref<4x2048x8192xi32, #tpu.memory_space<hbm>>, %arg3: memref<524288xi32, #tpu.memory_space<hbm>>, %arg4: memref<8192xi32, #tpu.memory_space<vmem>>, %arg5: memref<8192xi32, #tpu.memory_space<vmem>>, %arg6: memref<8208xi32, #tpu.memory_space<vmem>>, %arg7: memref<16384xi32, #tpu.memory_space<vmem>>, %arg8: memref<!tpu.dma_semaphore, #tpu.memory_space<semaphore_mem>>, %arg9: memref<!tpu.dma_semaphore, #tpu.memory_space<semaphore_mem>>) attributes {dimension_semantics = [#tpu.dimension_semantics<core_parallel>, #tpu.dimension_semantics<subcore_parallel>], iteration_bounds = array<i64: 2, 16>, scalar_prefetch = 0 : i64, scratch_operands = 6 : i64, tpu.core_type = #tpu.core_type<sc_vector_subcore>, window_params = [{transform_indices = #map}, {transform_indices = #map1}]} {
    %mul3A = arith.constant 2 : i32
    %mul3A_0 = arith.muli %arg1, %mul3A : i32
    %add3A = arith.addi %mul3A_0, %arg0 : i32
    %mul3A_1 = arith.constant 256 : i32
    %mul3A_2 = arith.muli %add3A, %mul3A_1 : i32
    %broadcast_in_dim3A = arith.constant 0 : i32
    %broadcast_in_dim3A_3 = vector.broadcast %broadcast_in_dim3A : i32 to vector<16xi32>
    %jit3A = arith.constant 2048 : i32
    %div3A = arith.divsi %mul3A_2, %jit3A : i32
    %sign3A = arith.constant 0 : i32
    %sign3A_4 = arith.cmpi sgt, %mul3A_2, %sign3A : i32
    %sign3A_5 = arith.extui %sign3A_4 : i1 to i32
    %sign3A_6 = arith.constant 0 : i32
    %sign3A_7 = arith.cmpi slt, %mul3A_2, %sign3A_6 : i32
    %sign3A_8 = arith.extui %sign3A_7 : i1 to i32
    %sign3A_9 = arith.subi %sign3A_5, %sign3A_8 : i32
    %sign3A_10 = arith.constant 0 : i32
    %sign3A_11 = arith.cmpi sgt, %jit3A, %sign3A_10 : i32
    %sign3A_12 = arith.extui %sign3A_11 : i1 to i32
    %sign3A_13 = arith.constant 0 : i32
    %sign3A_14 = arith.cmpi slt, %jit3A, %sign3A_13 : i32
    %sign3A_15 = arith.extui %sign3A_14 : i1 to i32
    %sign3A_16 = arith.subi %sign3A_12, %sign3A_15 : i32
    %ne3A = arith.cmpi ne, %sign3A_9, %sign3A_16 : i32
    %rem3A = arith.remsi %mul3A_2, %jit3A : i32
    %ne3A_17 = arith.constant 0 : i32
    %ne3A_18 = arith.cmpi ne, %rem3A, %ne3A_17 : i32
    %and3A = arith.andi %ne3A, %ne3A_18 : i1
    %sub3A = arith.constant 1 : i32
    %sub3A_19 = arith.subi %div3A, %sub3A : i32
    %select_n3A = arith.select %and3A, %sub3A_19, %div3A : i32
    %jit3A_20 = arith.constant 2048 : i32
    %eq3A = arith.constant 0 : i32
    %eq3A_21 = arith.cmpi eq, %jit3A_20, %eq3A : i32
    %jit3A_22 = arith.constant 1 : i32
    %select_n3A_23 = arith.select %eq3A_21, %jit3A_22, %jit3A_20 : i32
    %rem3A_24 = arith.remsi %mul3A_2, %select_n3A_23 : i32
    %ne3A_25 = arith.constant 0 : i32
    %ne3A_26 = arith.cmpi ne, %rem3A_24, %ne3A_25 : i32
    %lt3A = arith.constant 0 : i32
    %lt3A_27 = arith.cmpi slt, %rem3A_24, %lt3A : i32
    %lt3A_28 = arith.constant 0 : i32
    %lt3A_29 = arith.cmpi slt, %select_n3A_23, %lt3A_28 : i32
    %ne3A_30 = arith.xori %lt3A_27, %lt3A_29 : i1
    %and3A_31 = arith.andi %ne3A_30, %ne3A_26 : i1
    %add3A_32 = arith.addi %rem3A_24, %select_n3A_23 : i32
    %select_n3A_33 = arith.select %and3A_31, %add3A_32, %rem3A_24 : i32
    %dma_start3A = arith.constant 0 : i32
    %dma_start3A_34 = tpu.memref_slice %arg2[%select_n3A, %select_n3A_33, %dma_start3A] : memref<4x2048x8192xi32, #tpu.memory_space<hbm>> -> memref<1x1x8192xi32, #tpu.memory_space<hbm>>
    %dma_start3A_35 = tpu.memref_squeeze %dma_start3A_34 : memref<1x1x8192xi32, #tpu.memory_space<hbm>> -> memref<8192xi32, #tpu.memory_space<hbm>>
    %dma_start3A_36 = arith.constant 0 : i32
    %dma_start3A_37 = tpu.memref_slice %arg2[%select_n3A, %select_n3A_33, %dma_start3A_36] : memref<4x2048x8192xi32, #tpu.memory_space<hbm>> -> memref<1x1x8192xi32, #tpu.memory_space<hbm>>
    %dma_start3A_38 = tpu.memref_squeeze %dma_start3A_37 : memref<1x1x8192xi32, #tpu.memory_space<hbm>> -> memref<8192xi32, #tpu.memory_space<hbm>>
    tpu.enqueue_dma source(%dma_start3A_38 : memref<8192xi32, #tpu.memory_space<hbm>>) target(%arg4 : memref<8192xi32, #tpu.memory_space<vmem>>) target_semaphore(%arg8 : memref<!tpu.dma_semaphore, #tpu.memory_space<semaphore_mem>>)
    %scan3A = arith.constant 0 : i32
    %scan3A_39 = arith.constant 0 : i32
    %scan3A_40 = arith.constant 128 : i32
    %scan3A_41 = arith.addi %scan3A_39, %scan3A_40 : i32
    %scan3A_42 = arith.constant 1 : i32
    %scan3A_43 = scf.for %scan3A_47 = %scan3A_39 to %scan3A_41 step %scan3A_42 iter_args(%scan3A_48 = %scan3A) -> (i32)  : i32 {
      %mul3A_49 = arith.constant 2 : i32
      %mul3A_50 = arith.muli %mul3A_49, %scan3A_47 : i32
      %add3A_51 = arith.addi %mul3A_2, %mul3A_50 : i32
      %add3A_52 = arith.constant 1 : i32
      %add3A_53 = arith.addi %add3A_51, %add3A_52 : i32
      %jit3A_54 = arith.constant 2048 : i32
      %div3A_55 = arith.divsi %add3A_53, %jit3A_54 : i32
      %sign3A_56 = arith.constant 0 : i32
      %sign3A_57 = arith.cmpi sgt, %add3A_53, %sign3A_56 : i32
      %sign3A_58 = arith.extui %sign3A_57 : i1 to i32
      %sign3A_59 = arith.constant 0 : i32
      %sign3A_60 = arith.cmpi slt, %add3A_53, %sign3A_59 : i32
      %sign3A_61 = arith.extui %sign3A_60 : i1 to i32
      %sign3A_62 = arith.subi %sign3A_58, %sign3A_61 : i32
      %sign3A_63 = arith.constant 0 : i32
      %sign3A_64 = arith.cmpi sgt, %jit3A_54, %sign3A_63 : i32
      %sign3A_65 = arith.extui %sign3A_64 : i1 to i32
      %sign3A_66 = arith.constant 0 : i32
      %sign3A_67 = arith.cmpi slt, %jit3A_54, %sign3A_66 : i32
      %sign3A_68 = arith.extui %sign3A_67 : i1 to i32
      %sign3A_69 = arith.subi %sign3A_65, %sign3A_68 : i32
      %ne3A_70 = arith.cmpi ne, %sign3A_62, %sign3A_69 : i32
      %rem3A_71 = arith.remsi %add3A_53, %jit3A_54 : i32
      %ne3A_72 = arith.constant 0 : i32
      %ne3A_73 = arith.cmpi ne, %rem3A_71, %ne3A_72 : i32
      %and3A_74 = arith.andi %ne3A_70, %ne3A_73 : i1
      %sub3A_75 = arith.constant 1 : i32
      %sub3A_76 = arith.subi %div3A_55, %sub3A_75 : i32
      %select_n3A_77 = arith.select %and3A_74, %sub3A_76, %div3A_55 : i32
      %jit3A_78 = arith.constant 2048 : i32
      %eq3A_79 = arith.constant 0 : i32
      %eq3A_80 = arith.cmpi eq, %jit3A_78, %eq3A_79 : i32
      %jit3A_81 = arith.constant 1 : i32
      %select_n3A_82 = arith.select %eq3A_80, %jit3A_81, %jit3A_78 : i32
      %rem3A_83 = arith.remsi %add3A_53, %select_n3A_82 : i32
      %ne3A_84 = arith.constant 0 : i32
      %ne3A_85 = arith.cmpi ne, %rem3A_83, %ne3A_84 : i32
      %lt3A_86 = arith.constant 0 : i32
      %lt3A_87 = arith.cmpi slt, %rem3A_83, %lt3A_86 : i32
      %lt3A_88 = arith.constant 0 : i32
      %lt3A_89 = arith.cmpi slt, %select_n3A_82, %lt3A_88 : i32
      %ne3A_90 = arith.xori %lt3A_87, %lt3A_89 : i1
      %and3A_91 = arith.andi %ne3A_90, %ne3A_85 : i1
      %add3A_92 = arith.addi %rem3A_83, %select_n3A_82 : i32
      %select_n3A_93 = arith.select %and3A_91, %add3A_92, %rem3A_83 : i32
      %dma_start3A_94 = arith.constant 0 : i32
      %dma_start3A_95 = tpu.memref_slice %arg2[%select_n3A_77, %select_n3A_93, %dma_start3A_94] : memref<4x2048x8192xi32, #tpu.memory_space<hbm>> -> memref<1x1x8192xi32, #tpu.memory_space<hbm>>
      %dma_start3A_96 = tpu.memref_squeeze %dma_start3A_95 : memref<1x1x8192xi32, #tpu.memory_space<hbm>> -> memref<8192xi32, #tpu.memory_space<hbm>>
      %dma_start3A_97 = arith.constant 0 : i32
      %dma_start3A_98 = tpu.memref_slice %arg2[%select_n3A_77, %select_n3A_93, %dma_start3A_97] : memref<4x2048x8192xi32, #tpu.memory_space<hbm>> -> memref<1x1x8192xi32, #tpu.memory_space<hbm>>
      %dma_start3A_99 = tpu.memref_squeeze %dma_start3A_98 : memref<1x1x8192xi32, #tpu.memory_space<hbm>> -> memref<8192xi32, #tpu.memory_space<hbm>>
      tpu.enqueue_dma source(%dma_start3A_99 : memref<8192xi32, #tpu.memory_space<hbm>>) target(%arg5 : memref<8192xi32, #tpu.memory_space<vmem>>) target_semaphore(%arg9 : memref<!tpu.dma_semaphore, #tpu.memory_space<semaphore_mem>>)
      %jit3A_100 = arith.constant 2048 : i32
      %div3A_101 = arith.divsi %add3A_51, %jit3A_100 : i32
      %sign3A_102 = arith.constant 0 : i32
      %sign3A_103 = arith.cmpi sgt, %add3A_51, %sign3A_102 : i32
      %sign3A_104 = arith.extui %sign3A_103 : i1 to i32
      %sign3A_105 = arith.constant 0 : i32
      %sign3A_106 = arith.cmpi slt, %add3A_51, %sign3A_105 : i32
      %sign3A_107 = arith.extui %sign3A_106 : i1 to i32
      %sign3A_108 = arith.subi %sign3A_104, %sign3A_107 : i32
      %sign3A_109 = arith.constant 0 : i32
      %sign3A_110 = arith.cmpi sgt, %jit3A_100, %sign3A_109 : i32
      %sign3A_111 = arith.extui %sign3A_110 : i1 to i32
      %sign3A_112 = arith.constant 0 : i32
      %sign3A_113 = arith.cmpi slt, %jit3A_100, %sign3A_112 : i32
      %sign3A_114 = arith.extui %sign3A_113 : i1 to i32
      %sign3A_115 = arith.subi %sign3A_111, %sign3A_114 : i32
      %ne3A_116 = arith.cmpi ne, %sign3A_108, %sign3A_115 : i32
      %rem3A_117 = arith.remsi %add3A_51, %jit3A_100 : i32
      %ne3A_118 = arith.constant 0 : i32
      %ne3A_119 = arith.cmpi ne, %rem3A_117, %ne3A_118 : i32
      %and3A_120 = arith.andi %ne3A_116, %ne3A_119 : i1
      %sub3A_121 = arith.constant 1 : i32
      %sub3A_122 = arith.subi %div3A_101, %sub3A_121 : i32
      %select_n3A_123 = arith.select %and3A_120, %sub3A_122, %div3A_101 : i32
      %jit3A_124 = arith.constant 2048 : i32
      %eq3A_125 = arith.constant 0 : i32
      %eq3A_126 = arith.cmpi eq, %jit3A_124, %eq3A_125 : i32
      %jit3A_127 = arith.constant 1 : i32
      %select_n3A_128 = arith.select %eq3A_126, %jit3A_127, %jit3A_124 : i32
      %rem3A_129 = arith.remsi %add3A_51, %select_n3A_128 : i32
      %ne3A_130 = arith.constant 0 : i32
      %ne3A_131 = arith.cmpi ne, %rem3A_129, %ne3A_130 : i32
      %lt3A_132 = arith.constant 0 : i32
      %lt3A_133 = arith.cmpi slt, %rem3A_129, %lt3A_132 : i32
      %lt3A_134 = arith.constant 0 : i32
      %lt3A_135 = arith.cmpi slt, %select_n3A_128, %lt3A_134 : i32
      %ne3A_136 = arith.xori %lt3A_133, %lt3A_135 : i1
      %and3A_137 = arith.andi %ne3A_136, %ne3A_131 : i1
      %add3A_138 = arith.addi %rem3A_129, %select_n3A_128 : i32
      %select_n3A_139 = arith.select %and3A_137, %add3A_138, %rem3A_129 : i32
      %dma_wait3A = arith.constant 0 : i32
      %dma_wait3A_140 = tpu.memref_slice %arg2[%select_n3A_123, %select_n3A_139, %dma_wait3A] : memref<4x2048x8192xi32, #tpu.memory_space<hbm>> -> memref<1x1x8192xi32, #tpu.memory_space<hbm>>
      %dma_wait3A_141 = tpu.memref_squeeze %dma_wait3A_140 : memref<1x1x8192xi32, #tpu.memory_space<hbm>> -> memref<8192xi32, #tpu.memory_space<hbm>>
      %dma_wait3A_142 = arith.constant 0 : i32
      %dma_wait3A_143 = tpu.memref_slice %arg2[%select_n3A_123, %select_n3A_139, %dma_wait3A_142] : memref<4x2048x8192xi32, #tpu.memory_space<hbm>> -> memref<1x1x8192xi32, #tpu.memory_space<hbm>>
      %dma_wait3A_144 = tpu.memref_squeeze %dma_wait3A_143 : memref<1x1x8192xi32, #tpu.memory_space<hbm>> -> memref<8192xi32, #tpu.memory_space<hbm>>
      tpu.wait_dma2 semaphore(%arg8 : memref<!tpu.dma_semaphore, #tpu.memory_space<semaphore_mem>>) src(%dma_wait3A_144 : memref<8192xi32, #tpu.memory_space<hbm>>) dst(%arg4 : memref<8192xi32, #tpu.memory_space<vmem>>)
      %mul3A_145 = arith.constant 2 : i32
      %mul3A_146 = arith.muli %mul3A_145, %scan3A_47 : i32
      %scan3A_147 = arith.constant 0 : i32
      %scan3A_148 = arith.constant 16 : i32
      %scan3A_149 = arith.addi %scan3A_147, %scan3A_148 : i32
      %scan3A_150 = arith.constant 1 : i32
      %scan3A_151 = scf.for %scan3A_354 = %scan3A_147 to %scan3A_149 step %scan3A_150 iter_args(%scan3A_355 = %broadcast_in_dim3A_3) -> (vector<16xi32>)  : i32 {
        %slice3A = vector.extract_strided_slice %scan3A_355 {offsets = [0], sizes = [1], strides = [1]} : vector<16xi32> to vector<1xi32>
        %squeeze3A = vector.extract %slice3A[0] : i32 from vector<1xi32>
        %ge3A = arith.constant 64 : i32
        %ge3A_356 = arith.cmpi sge, %squeeze3A, %ge3A : i32
        %convert_element_type3A_357 = arith.extui %ge3A_356 : i1 to i32
        %cond3A_358 = arith.constant 0 : i32
        %cond3A_359 = arith.cmpi ne, %convert_element_type3A_357, %cond3A_358 : i32
        %cond3A_360 = scf.if %cond3A_359 -> (vector<16xi32>) {
          scf.yield %scan3A_355 : vector<16xi32>
        } else {
          %mul3A_361 = arith.constant 32 : i32
          %mul3A_362 = arith.muli %scan3A_354, %mul3A_361 : i32
          %add3A_363 = arith.constant 1 : i32
          %add3A_364 = arith.addi %scan3A_354, %add3A_363 : i32
          %mul3A_365 = arith.constant 32 : i32
          %mul3A_366 = arith.muli %add3A_364, %mul3A_365 : i32
          %parallel_loop3A = arith.constant 1 : i32
          %parallel_loop3A_367 = scf.for %parallel_loop3A_368 = %mul3A_362 to %mul3A_366 step %parallel_loop3A iter_args(%parallel_loop3A_369 = %scan3A_355) -> (vector<16xi32>)  : i32 {
            %parallel_loop3A_370 = arith.constant 16 : i32
            %parallel_loop3A_371 = arith.muli %parallel_loop3A_368, %parallel_loop3A_370 : i32
            %parallel_loop3A_372 = arith.index_cast %parallel_loop3A_371 : i32 to index
            %parallel_loop3A_373 = tpu.vector_load %arg4[%parallel_loop3A_372] {strides = array<i32>} : memref<8192xi32, #tpu.memory_space<vmem>>, vector<16xi32>,
            %parallel_loop3A_374 = arith.constant 0 : i32
            %parallel_loop3A_375 = vector.broadcast %parallel_loop3A_374 : i32 to vector<16xi32>
            %parallel_loop3A_376 = arith.cmpi sge, %parallel_loop3A_373, %parallel_loop3A_375 : vector<16xi32>
            %parallel_loop3A_377 = arith.extui %parallel_loop3A_376 : vector<16xi1> to vector<16xi32>
            %parallel_loop3A_378 = arith.constant true
            %parallel_loop3A_379 = vector.broadcast %parallel_loop3A_378 : i1 to vector<16xi1>
            %parallel_loop3A_380 = tpu.scan <sum>, %parallel_loop3A_377 masked %parallel_loop3A_379 : vector<16xi32>, vector<16xi1> -> vector<16xi32>
            %parallel_loop3A_381 = arith.addi %parallel_loop3A_369, %parallel_loop3A_380 : vector<16xi32>
            %parallel_loop3A_382 = arith.constant 1 : i32
            %parallel_loop3A_383 = vector.broadcast %parallel_loop3A_382 : i32 to vector<16xi32>
            %parallel_loop3A_384 = arith.subi %parallel_loop3A_381, %parallel_loop3A_383 : vector<16xi32>
            %parallel_loop3A_385 = arith.constant 64 : i32
            %parallel_loop3A_386 = vector.broadcast %parallel_loop3A_385 : i32 to vector<16xi32>
            %parallel_loop3A_387 = arith.cmpi slt, %parallel_loop3A_384, %parallel_loop3A_386 : vector<16xi32>
            %parallel_loop3A_388 = arith.andi %parallel_loop3A_376, %parallel_loop3A_387 : vector<16xi1>
            tpu.vector_store_idx %arg6[%parallel_loop3A_384], %parallel_loop3A_373 masked %parallel_loop3A_388 : memref<8208xi32, #tpu.memory_space<vmem>>[vector<16xi32>], vector<16xi32>, vector<16xi1>
            %parallel_loop3A_389 = tpu.all_reduce %parallel_loop3A_376 {dim = 0 : i64, kind = #tpu.reduction_kind<sum>} : vector<16xi1> -> vector<16xi32>
            %parallel_loop3A_390 = arith.addi %parallel_loop3A_369, %parallel_loop3A_389 : vector<16xi32>
            scf.yield %parallel_loop3A_390 : vector<16xi32>
          } {sc.loop_unroll_factor = 8 : i64, sc.parallel_access}
          scf.yield %parallel_loop3A_367 : vector<16xi32>
        }
        scf.yield %cond3A_360 : vector<16xi32>
      }
      %scan3A_152 = arith.constant 16 : i32
      %get3A = arith.constant 0 : index
      %get3A_153 = tpu.vector_load %arg6[%get3A] {strides = array<i32>} : memref<8208xi32, #tpu.memory_space<vmem>>, vector<16xi32>,
      %iota3A = tpu.iota {dimensions = array<i32: 0>} : vector<16xi32>
      %eq3A_154 = arith.constant 0 : i32
      %eq3A_155 = vector.broadcast %eq3A_154 : i32 to vector<16xi32>
      %eq3A_156 = arith.cmpi eq, %iota3A, %eq3A_155 : vector<16xi32>
      %jit3A_157 = arith.constant -2147483648 : i32
      %broadcast_in_dim3A_158 = vector.broadcast %jit3A_157 : i32 to vector<16xi32>
      %select_n3A_159 = arith.select %eq3A_156, %get3A_153, %broadcast_in_dim3A_158 : vector<16xi1>, vector<16xi32>
      %broadcast_in_dim3A_160 = arith.constant true
      %broadcast_in_dim3A_161 = vector.broadcast %broadcast_in_dim3A_160 : i1 to vector<16xi1>
      %masked_cummax3A = arith.constant -2147483648 : i32
      %masked_cummax3A_162 = vector.broadcast %masked_cummax3A : i32 to vector<16xi32>
      %masked_cummax3A_163 = arith.xori %select_n3A_159, %masked_cummax3A_162 : vector<16xi32>
      %masked_cummax3A_164 = tpu.scan <max>, %masked_cummax3A_163 masked %broadcast_in_dim3A_161 : vector<16xi32>, vector<16xi1> -> vector<16xi32>
      %masked_cummax3A_165 = arith.xori %masked_cummax3A_164, %masked_cummax3A_162 : vector<16xi32>
      %gt3A = arith.constant 0 : i32
      %gt3A_166 = vector.broadcast %gt3A : i32 to vector<16xi32>
      %gt3A_167 = arith.cmpi sgt, %scan3A_151, %gt3A_166 : vector<16xi32>
      %jit3A_168 = arith.constant 0 : i32
      %broadcast_in_dim3A_169 = vector.broadcast %jit3A_168 : i32 to vector<16xi32>
      %select_n3A_170 = arith.select %gt3A_167, %masked_cummax3A_165, %broadcast_in_dim3A_169 : vector<16xi1>, vector<16xi32>
      %mul3A_171 = arith.constant 64 : i32
      %mul3A_172 = arith.muli %mul3A_146, %mul3A_171 : i32
      %get3A_173 = arith.constant 0 : index
      %get3A_174 = tpu.vector_load %arg6[%get3A_173] {strides = array<i32>} : memref<8208xi32, #tpu.memory_space<vmem>>, vector<16xi32>,
      %iota3A_175 = tpu.iota {dimensions = array<i32: 0>} : vector<16xi32>
      %add3A_176 = arith.constant 0 : i32
      %add3A_177 = vector.broadcast %add3A_176 : i32 to vector<16xi32>
      %add3A_178 = arith.addi %iota3A_175, %add3A_177 : vector<16xi32>
      %lt3A_179 = arith.cmpi slt, %add3A_178, %scan3A_151 : vector<16xi32>
      %select_n3A_180 = arith.select %lt3A_179, %get3A_174, %select_n3A_170 : vector<16xi1>, vector<16xi32>
      %add3A_181 = arith.constant 0 : i32
      %add3A_182 = arith.addi %mul3A_172, %add3A_181 : i32
      %swap3A = arith.index_cast %add3A_182 : i32 to index
      %swap3A_183 = tpu.vector_load %arg7[%swap3A] {strides = array<i32>} : memref<16384xi32, #tpu.memory_space<vmem>>, vector<16xi32>,
      tpu.vector_store %arg7[%swap3A], %select_n3A_180 {strides = array<i32>} : memref<16384xi32, #tpu.memory_space<vmem>>, vector<16xi32>,
      %get3A_184 = arith.constant 16 : index
      %get3A_185 = tpu.vector_load %arg6[%get3A_184] {strides = array<i32>} : memref<8208xi32, #tpu.memory_space<vmem>>, vector<16xi32>,
      %iota3A_186 = tpu.iota {dimensions = array<i32: 0>} : vector<16xi32>
      %add3A_187 = arith.constant 16 : i32
      %add3A_188 = vector.broadcast %add3A_187 : i32 to vector<16xi32>
      %add3A_189 = arith.addi %iota3A_186, %add3A_188 : vector<16xi32>
      %lt3A_190 = arith.cmpi slt, %add3A_189, %scan3A_151 : vector<16xi32>
      %select_n3A_191 = arith.select %lt3A_190, %get3A_185, %select_n3A_170 : vector<16xi1>, vector<16xi32>
      %add3A_192 = arith.constant 16 : i32
      %add3A_193 = arith.addi %mul3A_172, %add3A_192 : i32
      %swap3A_194 = arith.index_cast %add3A_193 : i32 to index
      %swap3A_195 = tpu.vector_load %arg7[%swap3A_194] {strides = array<i32>} : memref<16384xi32, #tpu.memory_space<vmem>>, vector<16xi32>,
      tpu.vector_store %arg7[%swap3A_194], %select_n3A_191 {strides = array<i32>} : memref<16384xi32, #tpu.memory_space<vmem>>, vector<16xi32>,
      %get3A_196 = arith.constant 32 : index
      %get3A_197 = tpu.vector_load %arg6[%get3A_196] {strides = array<i32>} : memref<8208xi32, #tpu.memory_space<vmem>>, vector<16xi32>,
      %iota3A_198 = tpu.iota {dimensions = array<i32: 0>} : vector<16xi32>
      %add3A_199 = arith.constant 32 : i32
      %add3A_200 = vector.broadcast %add3A_199 : i32 to vector<16xi32>
      %add3A_201 = arith.addi %iota3A_198, %add3A_200 : vector<16xi32>
      %lt3A_202 = arith.cmpi slt, %add3A_201, %scan3A_151 : vector<16xi32>
      %select_n3A_203 = arith.select %lt3A_202, %get3A_197, %select_n3A_170 : vector<16xi1>, vector<16xi32>
      %add3A_204 = arith.constant 32 : i32
      %add3A_205 = arith.addi %mul3A_172, %add3A_204 : i32
      %swap3A_206 = arith.index_cast %add3A_205 : i32 to index
      %swap3A_207 = tpu.vector_load %arg7[%swap3A_206] {strides = array<i32>} : memref<16384xi32, #tpu.memory_space<vmem>>, vector<16xi32>,
      tpu.vector_store %arg7[%swap3A_206], %select_n3A_203 {strides = array<i32>} : memref<16384xi32, #tpu.memory_space<vmem>>, vector<16xi32>,
      %get3A_208 = arith.constant 48 : index
      %get3A_209 = tpu.vector_load %arg6[%get3A_208] {strides = array<i32>} : memref<8208xi32, #tpu.memory_space<vmem>>, vector<16xi32>,
      %iota3A_210 = tpu.iota {dimensions = array<i32: 0>} : vector<16xi32>
      %add3A_211 = arith.constant 48 : i32
      %add3A_212 = vector.broadcast %add3A_211 : i32 to vector<16xi32>
      %add3A_213 = arith.addi %iota3A_210, %add3A_212 : vector<16xi32>
      %lt3A_214 = arith.cmpi slt, %add3A_213, %scan3A_151 : vector<16xi32>
      %select_n3A_215 = arith.select %lt3A_214, %get3A_209, %select_n3A_170 : vector<16xi1>, vector<16xi32>
      %add3A_216 = arith.constant 48 : i32
      %add3A_217 = arith.addi %mul3A_172, %add3A_216 : i32
      %swap3A_218 = arith.index_cast %add3A_217 : i32 to index
      %swap3A_219 = tpu.vector_load %arg7[%swap3A_218] {strides = array<i32>} : memref<16384xi32, #tpu.memory_space<vmem>>, vector<16xi32>,
      tpu.vector_store %arg7[%swap3A_218], %select_n3A_215 {strides = array<i32>} : memref<16384xi32, #tpu.memory_space<vmem>>, vector<16xi32>,
      %lt3A_220 = arith.constant 127 : i32
      %lt3A_221 = arith.cmpi slt, %scan3A_47, %lt3A_220 : i32
      %convert_element_type3A = arith.extui %lt3A_221 : i1 to i32
      %cond3A = arith.constant 0 : i32
      %cond3A_222 = arith.cmpi ne, %convert_element_type3A, %cond3A : i32
      scf.if %cond3A_222 {
        %add3A_354 = arith.constant 2 : i32
        %add3A_355 = arith.addi %add3A_51, %add3A_354 : i32
        %jit3A_356 = arith.constant 2048 : i32
        %div3A_357 = arith.divsi %add3A_355, %jit3A_356 : i32
        %sign3A_358 = arith.constant 0 : i32
        %sign3A_359 = arith.cmpi sgt, %add3A_355, %sign3A_358 : i32
        %sign3A_360 = arith.extui %sign3A_359 : i1 to i32
        %sign3A_361 = arith.constant 0 : i32
        %sign3A_362 = arith.cmpi slt, %add3A_355, %sign3A_361 : i32
        %sign3A_363 = arith.extui %sign3A_362 : i1 to i32
        %sign3A_364 = arith.subi %sign3A_360, %sign3A_363 : i32
        %sign3A_365 = arith.constant 0 : i32
        %sign3A_366 = arith.cmpi sgt, %jit3A_356, %sign3A_365 : i32
        %sign3A_367 = arith.extui %sign3A_366 : i1 to i32
        %sign3A_368 = arith.constant 0 : i32
        %sign3A_369 = arith.cmpi slt, %jit3A_356, %sign3A_368 : i32
        %sign3A_370 = arith.extui %sign3A_369 : i1 to i32
        %sign3A_371 = arith.subi %sign3A_367, %sign3A_370 : i32
        %ne3A_372 = arith.cmpi ne, %sign3A_364, %sign3A_371 : i32
        %rem3A_373 = arith.remsi %add3A_355, %jit3A_356 : i32
        %ne3A_374 = arith.constant 0 : i32
        %ne3A_375 = arith.cmpi ne, %rem3A_373, %ne3A_374 : i32
        %and3A_376 = arith.andi %ne3A_372, %ne3A_375 : i1
        %sub3A_377 = arith.constant 1 : i32
        %sub3A_378 = arith.subi %div3A_357, %sub3A_377 : i32
        %select_n3A_379 = arith.select %and3A_376, %sub3A_378, %div3A_357 : i32
        %jit3A_380 = arith.constant 2048 : i32
        %eq3A_381 = arith.constant 0 : i32
        %eq3A_382 = arith.cmpi eq, %jit3A_380, %eq3A_381 : i32
        %jit3A_383 = arith.constant 1 : i32
        %select_n3A_384 = arith.select %eq3A_382, %jit3A_383, %jit3A_380 : i32
        %rem3A_385 = arith.remsi %add3A_355, %select_n3A_384 : i32
        %ne3A_386 = arith.constant 0 : i32
        %ne3A_387 = arith.cmpi ne, %rem3A_385, %ne3A_386 : i32
        %lt3A_388 = arith.constant 0 : i32
        %lt3A_389 = arith.cmpi slt, %rem3A_385, %lt3A_388 : i32
        %lt3A_390 = arith.constant 0 : i32
        %lt3A_391 = arith.cmpi slt, %select_n3A_384, %lt3A_390 : i32
        %ne3A_392 = arith.xori %lt3A_389, %lt3A_391 : i1
        %and3A_393 = arith.andi %ne3A_392, %ne3A_387 : i1
        %add3A_394 = arith.addi %rem3A_385, %select_n3A_384 : i32
        %select_n3A_395 = arith.select %and3A_393, %add3A_394, %rem3A_385 : i32
        %dma_start3A_396 = arith.constant 0 : i32
        %dma_start3A_397 = tpu.memref_slice %arg2[%select_n3A_379, %select_n3A_395, %dma_start3A_396] : memref<4x2048x8192xi32, #tpu.memory_space<hbm>> -> memref<1x1x8192xi32, #tpu.memory_space<hbm>>
        %dma_start3A_398 = tpu.memref_squeeze %dma_start3A_397 : memref<1x1x8192xi32, #tpu.memory_space<hbm>> -> memref<8192xi32, #tpu.memory_space<hbm>>
        %dma_start3A_399 = arith.constant 0 : i32
        %dma_start3A_400 = tpu.memref_slice %arg2[%select_n3A_379, %select_n3A_395, %dma_start3A_399] : memref<4x2048x8192xi32, #tpu.memory_space<hbm>> -> memref<1x1x8192xi32, #tpu.memory_space<hbm>>
        %dma_start3A_401 = tpu.memref_squeeze %dma_start3A_400 : memref<1x1x8192xi32, #tpu.memory_space<hbm>> -> memref<8192xi32, #tpu.memory_space<hbm>>
        tpu.enqueue_dma source(%dma_start3A_401 : memref<8192xi32, #tpu.memory_space<hbm>>) target(%arg4 : memref<8192xi32, #tpu.memory_space<vmem>>) target_semaphore(%arg8 : memref<!tpu.dma_semaphore, #tpu.memory_space<semaphore_mem>>)
      } else {
      }
      %add3A_223 = arith.constant 1 : i32
      %add3A_224 = arith.addi %add3A_51, %add3A_223 : i32
      %jit3A_225 = arith.constant 2048 : i32
      %div3A_226 = arith.divsi %add3A_224, %jit3A_225 : i32
      %sign3A_227 = arith.constant 0 : i32
      %sign3A_228 = arith.cmpi sgt, %add3A_224, %sign3A_227 : i32
      %sign3A_229 = arith.extui %sign3A_228 : i1 to i32
      %sign3A_230 = arith.constant 0 : i32
      %sign3A_231 = arith.cmpi slt, %add3A_224, %sign3A_230 : i32
      %sign3A_232 = arith.extui %sign3A_231 : i1 to i32
      %sign3A_233 = arith.subi %sign3A_229, %sign3A_232 : i32
      %sign3A_234 = arith.constant 0 : i32
      %sign3A_235 = arith.cmpi sgt, %jit3A_225, %sign3A_234 : i32
      %sign3A_236 = arith.extui %sign3A_235 : i1 to i32
      %sign3A_237 = arith.constant 0 : i32
      %sign3A_238 = arith.cmpi slt, %jit3A_225, %sign3A_237 : i32
      %sign3A_239 = arith.extui %sign3A_238 : i1 to i32
      %sign3A_240 = arith.subi %sign3A_236, %sign3A_239 : i32
      %ne3A_241 = arith.cmpi ne, %sign3A_233, %sign3A_240 : i32
      %rem3A_242 = arith.remsi %add3A_224, %jit3A_225 : i32
      %ne3A_243 = arith.constant 0 : i32
      %ne3A_244 = arith.cmpi ne, %rem3A_242, %ne3A_243 : i32
      %and3A_245 = arith.andi %ne3A_241, %ne3A_244 : i1
      %sub3A_246 = arith.constant 1 : i32
      %sub3A_247 = arith.subi %div3A_226, %sub3A_246 : i32
      %select_n3A_248 = arith.select %and3A_245, %sub3A_247, %div3A_226 : i32
      %jit3A_249 = arith.constant 2048 : i32
      %eq3A_250 = arith.constant 0 : i32
      %eq3A_251 = arith.cmpi eq, %jit3A_249, %eq3A_250 : i32
      %jit3A_252 = arith.constant 1 : i32
      %select_n3A_253 = arith.select %eq3A_251, %jit3A_252, %jit3A_249 : i32
      %rem3A_254 = arith.remsi %add3A_224, %select_n3A_253 : i32
      %ne3A_255 = arith.constant 0 : i32
      %ne3A_256 = arith.cmpi ne, %rem3A_254, %ne3A_255 : i32
      %lt3A_257 = arith.constant 0 : i32
      %lt3A_258 = arith.cmpi slt, %rem3A_254, %lt3A_257 : i32
      %lt3A_259 = arith.constant 0 : i32
      %lt3A_260 = arith.cmpi slt, %select_n3A_253, %lt3A_259 : i32
      %ne3A_261 = arith.xori %lt3A_258, %lt3A_260 : i1
      %and3A_262 = arith.andi %ne3A_261, %ne3A_256 : i1
      %add3A_263 = arith.addi %rem3A_254, %select_n3A_253 : i32
      %select_n3A_264 = arith.select %and3A_262, %add3A_263, %rem3A_254 : i32
      %dma_wait3A_265 = arith.constant 0 : i32
      %dma_wait3A_266 = tpu.memref_slice %arg2[%select_n3A_248, %select_n3A_264, %dma_wait3A_265] : memref<4x2048x8192xi32, #tpu.memory_space<hbm>> -> memref<1x1x8192xi32, #tpu.memory_space<hbm>>
      %dma_wait3A_267 = tpu.memref_squeeze %dma_wait3A_266 : memref<1x1x8192xi32, #tpu.memory_space<hbm>> -> memref<8192xi32, #tpu.memory_space<hbm>>
      %dma_wait3A_268 = arith.constant 0 : i32
      %dma_wait3A_269 = tpu.memref_slice %arg2[%select_n3A_248, %select_n3A_264, %dma_wait3A_268] : memref<4x2048x8192xi32, #tpu.memory_space<hbm>> -> memref<1x1x8192xi32, #tpu.memory_space<hbm>>
      %dma_wait3A_270 = tpu.memref_squeeze %dma_wait3A_269 : memref<1x1x8192xi32, #tpu.memory_space<hbm>> -> memref<8192xi32, #tpu.memory_space<hbm>>
      tpu.wait_dma2 semaphore(%arg9 : memref<!tpu.dma_semaphore, #tpu.memory_space<semaphore_mem>>) src(%dma_wait3A_270 : memref<8192xi32, #tpu.memory_space<hbm>>) dst(%arg5 : memref<8192xi32, #tpu.memory_space<vmem>>)
      %mul3A_271 = arith.constant 2 : i32
      %mul3A_272 = arith.muli %mul3A_271, %scan3A_47 : i32
      %add3A_273 = arith.constant 1 : i32
      %add3A_274 = arith.addi %mul3A_272, %add3A_273 : i32
      %scan3A_275 = arith.constant 0 : i32
      %scan3A_276 = arith.constant 16 : i32
      %scan3A_277 = arith.addi %scan3A_275, %scan3A_276 : i32
      %scan3A_278 = arith.constant 1 : i32
      %scan3A_279 = scf.for %scan3A_354 = %scan3A_275 to %scan3A_277 step %scan3A_278 iter_args(%scan3A_355 = %broadcast_in_dim3A_3) -> (vector<16xi32>)  : i32 {
        %slice3A = vector.extract_strided_slice %scan3A_355 {offsets = [0], sizes = [1], strides = [1]} : vector<16xi32> to vector<1xi32>
        %squeeze3A = vector.extract %slice3A[0] : i32 from vector<1xi32>
        %ge3A = arith.constant 64 : i32
        %ge3A_356 = arith.cmpi sge, %squeeze3A, %ge3A : i32
        %convert_element_type3A_357 = arith.extui %ge3A_356 : i1 to i32
        %cond3A_358 = arith.constant 0 : i32
        %cond3A_359 = arith.cmpi ne, %convert_element_type3A_357, %cond3A_358 : i32
        %cond3A_360 = scf.if %cond3A_359 -> (vector<16xi32>) {
          scf.yield %scan3A_355 : vector<16xi32>
        } else {
          %mul3A_361 = arith.constant 32 : i32
          %mul3A_362 = arith.muli %scan3A_354, %mul3A_361 : i32
          %add3A_363 = arith.constant 1 : i32
          %add3A_364 = arith.addi %scan3A_354, %add3A_363 : i32
          %mul3A_365 = arith.constant 32 : i32
          %mul3A_366 = arith.muli %add3A_364, %mul3A_365 : i32
          %parallel_loop3A = arith.constant 1 : i32
          %parallel_loop3A_367 = scf.for %parallel_loop3A_368 = %mul3A_362 to %mul3A_366 step %parallel_loop3A iter_args(%parallel_loop3A_369 = %scan3A_355) -> (vector<16xi32>)  : i32 {
            %parallel_loop3A_370 = arith.constant 16 : i32
            %parallel_loop3A_371 = arith.muli %parallel_loop3A_368, %parallel_loop3A_370 : i32
            %parallel_loop3A_372 = arith.index_cast %parallel_loop3A_371 : i32 to index
            %parallel_loop3A_373 = tpu.vector_load %arg5[%parallel_loop3A_372] {strides = array<i32>} : memref<8192xi32, #tpu.memory_space<vmem>>, vector<16xi32>,
            %parallel_loop3A_374 = arith.constant 0 : i32
            %parallel_loop3A_375 = vector.broadcast %parallel_loop3A_374 : i32 to vector<16xi32>
            %parallel_loop3A_376 = arith.cmpi sge, %parallel_loop3A_373, %parallel_loop3A_375 : vector<16xi32>
            %parallel_loop3A_377 = arith.extui %parallel_loop3A_376 : vector<16xi1> to vector<16xi32>
            %parallel_loop3A_378 = arith.constant true
            %parallel_loop3A_379 = vector.broadcast %parallel_loop3A_378 : i1 to vector<16xi1>
            %parallel_loop3A_380 = tpu.scan <sum>, %parallel_loop3A_377 masked %parallel_loop3A_379 : vector<16xi32>, vector<16xi1> -> vector<16xi32>
            %parallel_loop3A_381 = arith.addi %parallel_loop3A_369, %parallel_loop3A_380 : vector<16xi32>
            %parallel_loop3A_382 = arith.constant 1 : i32
            %parallel_loop3A_383 = vector.broadcast %parallel_loop3A_382 : i32 to vector<16xi32>
            %parallel_loop3A_384 = arith.subi %parallel_loop3A_381, %parallel_loop3A_383 : vector<16xi32>
            %parallel_loop3A_385 = arith.constant 64 : i32
            %parallel_loop3A_386 = vector.broadcast %parallel_loop3A_385 : i32 to vector<16xi32>
            %parallel_loop3A_387 = arith.cmpi slt, %parallel_loop3A_384, %parallel_loop3A_386 : vector<16xi32>
            %parallel_loop3A_388 = arith.andi %parallel_loop3A_376, %parallel_loop3A_387 : vector<16xi1>
            tpu.vector_store_idx %arg6[%parallel_loop3A_384], %parallel_loop3A_373 masked %parallel_loop3A_388 : memref<8208xi32, #tpu.memory_space<vmem>>[vector<16xi32>], vector<16xi32>, vector<16xi1>
            %parallel_loop3A_389 = tpu.all_reduce %parallel_loop3A_376 {dim = 0 : i64, kind = #tpu.reduction_kind<sum>} : vector<16xi1> -> vector<16xi32>
            %parallel_loop3A_390 = arith.addi %parallel_loop3A_369, %parallel_loop3A_389 : vector<16xi32>
            scf.yield %parallel_loop3A_390 : vector<16xi32>
          } {sc.loop_unroll_factor = 8 : i64, sc.parallel_access}
          scf.yield %parallel_loop3A_367 : vector<16xi32>
        }
        scf.yield %cond3A_360 : vector<16xi32>
      }
      %scan3A_280 = arith.constant 16 : i32
      %get3A_281 = arith.constant 0 : index
      %get3A_282 = tpu.vector_load %arg6[%get3A_281] {strides = array<i32>} : memref<8208xi32, #tpu.memory_space<vmem>>, vector<16xi32>,
      %iota3A_283 = tpu.iota {dimensions = array<i32: 0>} : vector<16xi32>
      %eq3A_284 = arith.constant 0 : i32
      %eq3A_285 = vector.broadcast %eq3A_284 : i32 to vector<16xi32>
      %eq3A_286 = arith.cmpi eq, %iota3A_283, %eq3A_285 : vector<16xi32>
      %jit3A_287 = arith.constant -2147483648 : i32
      %broadcast_in_dim3A_288 = vector.broadcast %jit3A_287 : i32 to vector<16xi32>
      %select_n3A_289 = arith.select %eq3A_286, %get3A_282, %broadcast_in_dim3A_288 : vector<16xi1>, vector<16xi32>
      %broadcast_in_dim3A_290 = arith.constant true
      %broadcast_in_dim3A_291 = vector.broadcast %broadcast_in_dim3A_290 : i1 to vector<16xi1>
      %masked_cummax3A_292 = arith.constant -2147483648 : i32
      %masked_cummax3A_293 = vector.broadcast %masked_cummax3A_292 : i32 to vector<16xi32>
      %masked_cummax3A_294 = arith.xori %select_n3A_289, %masked_cummax3A_293 : vector<16xi32>
      %masked_cummax3A_295 = tpu.scan <max>, %masked_cummax3A_294 masked %broadcast_in_dim3A_291 : vector<16xi32>, vector<16xi1> -> vector<16xi32>
      %masked_cummax3A_296 = arith.xori %masked_cummax3A_295, %masked_cummax3A_293 : vector<16xi32>
      %gt3A_297 = arith.constant 0 : i32
      %gt3A_298 = vector.broadcast %gt3A_297 : i32 to vector<16xi32>
      %gt3A_299 = arith.cmpi sgt, %scan3A_279, %gt3A_298 : vector<16xi32>
      %jit3A_300 = arith.constant 0 : i32
      %broadcast_in_dim3A_301 = vector.broadcast %jit3A_300 : i32 to vector<16xi32>
      %select_n3A_302 = arith.select %gt3A_299, %masked_cummax3A_296, %broadcast_in_dim3A_301 : vector<16xi1>, vector<16xi32>
      %mul3A_303 = arith.constant 64 : i32
      %mul3A_304 = arith.muli %add3A_274, %mul3A_303 : i32
      %get3A_305 = arith.constant 0 : index
      %get3A_306 = tpu.vector_load %arg6[%get3A_305] {strides = array<i32>} : memref<8208xi32, #tpu.memory_space<vmem>>, vector<16xi32>,
      %iota3A_307 = tpu.iota {dimensions = array<i32: 0>} : vector<16xi32>
      %add3A_308 = arith.constant 0 : i32
      %add3A_309 = vector.broadcast %add3A_308 : i32 to vector<16xi32>
      %add3A_310 = arith.addi %iota3A_307, %add3A_309 : vector<16xi32>
      %lt3A_311 = arith.cmpi slt, %add3A_310, %scan3A_279 : vector<16xi32>
      %select_n3A_312 = arith.select %lt3A_311, %get3A_306, %select_n3A_302 : vector<16xi1>, vector<16xi32>
      %add3A_313 = arith.constant 0 : i32
      %add3A_314 = arith.addi %mul3A_304, %add3A_313 : i32
      %swap3A_315 = arith.index_cast %add3A_314 : i32 to index
      %swap3A_316 = tpu.vector_load %arg7[%swap3A_315] {strides = array<i32>} : memref<16384xi32, #tpu.memory_space<vmem>>, vector<16xi32>,
      tpu.vector_store %arg7[%swap3A_315], %select_n3A_312 {strides = array<i32>} : memref<16384xi32, #tpu.memory_space<vmem>>, vector<16xi32>,
      %get3A_317 = arith.constant 16 : index
      %get3A_318 = tpu.vector_load %arg6[%get3A_317] {strides = array<i32>} : memref<8208xi32, #tpu.memory_space<vmem>>, vector<16xi32>,
      %iota3A_319 = tpu.iota {dimensions = array<i32: 0>} : vector<16xi32>
      %add3A_320 = arith.constant 16 : i32
      %add3A_321 = vector.broadcast %add3A_320 : i32 to vector<16xi32>
      %add3A_322 = arith.addi %iota3A_319, %add3A_321 : vector<16xi32>
      %lt3A_323 = arith.cmpi slt, %add3A_322, %scan3A_279 : vector<16xi32>
      %select_n3A_324 = arith.select %lt3A_323, %get3A_318, %select_n3A_302 : vector<16xi1>, vector<16xi32>
      %add3A_325 = arith.constant 16 : i32
      %add3A_326 = arith.addi %mul3A_304, %add3A_325 : i32
      %swap3A_327 = arith.index_cast %add3A_326 : i32 to index
      %swap3A_328 = tpu.vector_load %arg7[%swap3A_327] {strides = array<i32>} : memref<16384xi32, #tpu.memory_space<vmem>>, vector<16xi32>,
      tpu.vector_store %arg7[%swap3A_327], %select_n3A_324 {strides = array<i32>} : memref<16384xi32, #tpu.memory_space<vmem>>, vector<16xi32>,
      %get3A_329 = arith.constant 32 : index
      %get3A_330 = tpu.vector_load %arg6[%get3A_329] {strides = array<i32>} : memref<8208xi32, #tpu.memory_space<vmem>>, vector<16xi32>,
      %iota3A_331 = tpu.iota {dimensions = array<i32: 0>} : vector<16xi32>
      %add3A_332 = arith.constant 32 : i32
      %add3A_333 = vector.broadcast %add3A_332 : i32 to vector<16xi32>
      %add3A_334 = arith.addi %iota3A_331, %add3A_333 : vector<16xi32>
      %lt3A_335 = arith.cmpi slt, %add3A_334, %scan3A_279 : vector<16xi32>
      %select_n3A_336 = arith.select %lt3A_335, %get3A_330, %select_n3A_302 : vector<16xi1>, vector<16xi32>
      %add3A_337 = arith.constant 32 : i32
      %add3A_338 = arith.addi %mul3A_304, %add3A_337 : i32
      %swap3A_339 = arith.index_cast %add3A_338 : i32 to index
      %swap3A_340 = tpu.vector_load %arg7[%swap3A_339] {strides = array<i32>} : memref<16384xi32, #tpu.memory_space<vmem>>, vector<16xi32>,
      tpu.vector_store %arg7[%swap3A_339], %select_n3A_336 {strides = array<i32>} : memref<16384xi32, #tpu.memory_space<vmem>>, vector<16xi32>,
      %get3A_341 = arith.constant 48 : index
      %get3A_342 = tpu.vector_load %arg6[%get3A_341] {strides = array<i32>} : memref<8208xi32, #tpu.memory_space<vmem>>, vector<16xi32>,
      %iota3A_343 = tpu.iota {dimensions = array<i32: 0>} : vector<16xi32>
      %add3A_344 = arith.constant 48 : i32
      %add3A_345 = vector.broadcast %add3A_344 : i32 to vector<16xi32>
      %add3A_346 = arith.addi %iota3A_343, %add3A_345 : vector<16xi32>
      %lt3A_347 = arith.cmpi slt, %add3A_346, %scan3A_279 : vector<16xi32>
      %select_n3A_348 = arith.select %lt3A_347, %get3A_342, %select_n3A_302 : vector<16xi1>, vector<16xi32>
      %add3A_349 = arith.constant 48 : i32
      %add3A_350 = arith.addi %mul3A_304, %add3A_349 : i32
      %swap3A_351 = arith.index_cast %add3A_350 : i32 to index
      %swap3A_352 = tpu.vector_load %arg7[%swap3A_351] {strides = array<i32>} : memref<16384xi32, #tpu.memory_space<vmem>>, vector<16xi32>,
      tpu.vector_store %arg7[%swap3A_351], %select_n3A_348 {strides = array<i32>} : memref<16384xi32, #tpu.memory_space<vmem>>, vector<16xi32>,
      %scan3A_353 = arith.constant 0 : i32
      scf.yield %scan3A_353 : i32
    }
    %scan3A_44 = arith.constant 128 : i32
    %mul3A_45 = arith.constant 64 : i32
    %mul3A_46 = arith.muli %mul3A_2, %mul3A_45 : i32
    "tpu.region"() ({
      %run_scoped3A = tpu.sem_alloc : memref<!tpu.dma_semaphore, #tpu.memory_space<semaphore_mem>>
      %dma_start3A_47 = tpu.memref_slice %arg3[%mul3A_46] : memref<524288xi32, #tpu.memory_space<hbm>> -> memref<16384xi32, #tpu.memory_space<hbm>>
      %dma_start3A_48 = tpu.memref_slice %arg3[%mul3A_46] : memref<524288xi32, #tpu.memory_space<hbm>> -> memref<16384xi32, #tpu.memory_space<hbm>>
      tpu.enqueue_dma source(%arg7 : memref<16384xi32, #tpu.memory_space<vmem>>) target(%dma_start3A_48 : memref<16384xi32, #tpu.memory_space<hbm>>) target_semaphore(%run_scoped3A : memref<!tpu.dma_semaphore, #tpu.memory_space<semaphore_mem>>)
      %dma_wait3A = tpu.memref_slice %arg3[%mul3A_46] : memref<524288xi32, #tpu.memory_space<hbm>> -> memref<16384xi32, #tpu.memory_space<hbm>>
      %dma_wait3A_49 = tpu.memref_slice %arg3[%mul3A_46] : memref<524288xi32, #tpu.memory_space<hbm>> -> memref<16384xi32, #tpu.memory_space<hbm>>
      tpu.wait_dma2 semaphore(%run_scoped3A : memref<!tpu.dma_semaphore, #tpu.memory_space<semaphore_mem>>) src(%arg7 : memref<16384xi32, #tpu.memory_space<vmem>>) dst(%dma_wait3A_49 : memref<16384xi32, #tpu.memory_space<hbm>>)
      tpu.yield
    }) : () -> ()
    return
  }
}

#map = affine_map<(d0, d1) -> (0)>
#map1 = affine_map<(d0, d1) -> (0, 0, 0)>
module attributes {stable_mosaic.version = 14 : i64} {
  func.func @gather(%arg0: i32, %arg1: i32, %arg2: memref<524288xi32, #tpu.memory_space<hbm>>, %arg3: memref<4x128x8192xf32, #tpu.memory_space<hbm>>, %arg4: memref<4x3x8192xf32, #tpu.memory_space<hbm>>, %arg5: memref<4x3x8192xf32, #tpu.memory_space<hbm>>, %arg6: memref<4x3x2048xf32, #tpu.memory_space<hbm>>, %arg7: memref<4x3x2048xf32, #tpu.memory_space<hbm>>, %arg8: memref<68681728xf32, #tpu.memory_space<hbm>>, %arg9: memref<1572864xf32, #tpu.memory_space<hbm>>, %arg10: memref<65536xi32, #tpu.memory_space<vmem>>, %arg11: memref<8192xf32, #tpu.memory_space<vmem>>, %arg12: memref<2048xf32, #tpu.memory_space<vmem>>, %arg13: memref<8192xf32, #tpu.memory_space<vmem>>, %arg14: memref<8192xf32, #tpu.memory_space<vmem>>, %arg15: memref<8192xf32, #tpu.memory_space<vmem>>, %arg16: memref<8192xf32, #tpu.memory_space<vmem>>, %arg17: memref<!tpu.dma_semaphore, #tpu.memory_space<semaphore_mem>>, %arg18: memref<!tpu.dma_semaphore, #tpu.memory_space<semaphore_mem>>, %arg19: memref<!tpu.dma_semaphore, #tpu.memory_space<semaphore_mem>>, %arg20: memref<!tpu.dma_semaphore, #tpu.memory_space<semaphore_mem>>, %arg21: memref<!tpu.dma_semaphore, #tpu.memory_space<semaphore_mem>>) attributes {dimension_semantics = [#tpu.dimension_semantics<core_parallel>, #tpu.dimension_semantics<subcore_parallel>], iteration_bounds = array<i64: 2, 16>, scalar_prefetch = 0 : i64, scratch_operands = 12 : i64, tpu.core_type = #tpu.core_type<sc_vector_subcore>, window_params = [{transform_indices = #map}, {transform_indices = #map1}, {transform_indices = #map1}, {transform_indices = #map1}, {transform_indices = #map1}, {transform_indices = #map1}, {transform_indices = #map}, {transform_indices = #map}]} {
    %mul3A = arith.constant 2 : i32
    %mul3A_0 = arith.muli %arg1, %mul3A : i32
    %add3A = arith.addi %mul3A_0, %arg0 : i32
    %jit3A = arith.constant 4 : i32
    %div3A = arith.divsi %add3A, %jit3A : i32
    %sign3A = arith.constant 0 : i32
    %sign3A_1 = arith.cmpi sgt, %add3A, %sign3A : i32
    %sign3A_2 = arith.extui %sign3A_1 : i1 to i32
    %sign3A_3 = arith.constant 0 : i32
    %sign3A_4 = arith.cmpi slt, %add3A, %sign3A_3 : i32
    %sign3A_5 = arith.extui %sign3A_4 : i1 to i32
    %sign3A_6 = arith.subi %sign3A_2, %sign3A_5 : i32
    %sign3A_7 = arith.constant 0 : i32
    %sign3A_8 = arith.cmpi sgt, %jit3A, %sign3A_7 : i32
    %sign3A_9 = arith.extui %sign3A_8 : i1 to i32
    %sign3A_10 = arith.constant 0 : i32
    %sign3A_11 = arith.cmpi slt, %jit3A, %sign3A_10 : i32
    %sign3A_12 = arith.extui %sign3A_11 : i1 to i32
    %sign3A_13 = arith.subi %sign3A_9, %sign3A_12 : i32
    %ne3A = arith.cmpi ne, %sign3A_6, %sign3A_13 : i32
    %rem3A = arith.remsi %add3A, %jit3A : i32
    %ne3A_14 = arith.constant 0 : i32
    %ne3A_15 = arith.cmpi ne, %rem3A, %ne3A_14 : i32
    %and3A = arith.andi %ne3A, %ne3A_15 : i1
    %sub3A = arith.constant 1 : i32
    %sub3A_16 = arith.subi %div3A, %sub3A : i32
    %select_n3A = arith.select %and3A, %sub3A_16, %div3A : i32
    %jit3A_17 = arith.constant 4 : i32
    %eq3A = arith.constant 0 : i32
    %eq3A_18 = arith.cmpi eq, %jit3A_17, %eq3A : i32
    %jit3A_19 = arith.constant 1 : i32
    %select_n3A_20 = arith.select %eq3A_18, %jit3A_19, %jit3A_17 : i32
    %rem3A_21 = arith.remsi %add3A, %select_n3A_20 : i32
    %ne3A_22 = arith.constant 0 : i32
    %ne3A_23 = arith.cmpi ne, %rem3A_21, %ne3A_22 : i32
    %lt3A = arith.constant 0 : i32
    %lt3A_24 = arith.cmpi slt, %rem3A_21, %lt3A : i32
    %lt3A_25 = arith.constant 0 : i32
    %lt3A_26 = arith.cmpi slt, %select_n3A_20, %lt3A_25 : i32
    %ne3A_27 = arith.xori %lt3A_24, %lt3A_26 : i1
    %and3A_28 = arith.andi %ne3A_27, %ne3A_23 : i1
    %add3A_29 = arith.addi %rem3A_21, %select_n3A_20 : i32
    %select_n3A_30 = arith.select %and3A_28, %add3A_29, %rem3A_21 : i32
    %jit3A_31 = arith.constant 2 : i32
    %div3A_32 = arith.divsi %select_n3A, %jit3A_31 : i32
    %sign3A_33 = arith.constant 0 : i32
    %sign3A_34 = arith.cmpi sgt, %select_n3A, %sign3A_33 : i32
    %sign3A_35 = arith.extui %sign3A_34 : i1 to i32
    %sign3A_36 = arith.constant 0 : i32
    %sign3A_37 = arith.cmpi slt, %select_n3A, %sign3A_36 : i32
    %sign3A_38 = arith.extui %sign3A_37 : i1 to i32
    %sign3A_39 = arith.subi %sign3A_35, %sign3A_38 : i32
    %sign3A_40 = arith.constant 0 : i32
    %sign3A_41 = arith.cmpi sgt, %jit3A_31, %sign3A_40 : i32
    %sign3A_42 = arith.extui %sign3A_41 : i1 to i32
    %sign3A_43 = arith.constant 0 : i32
    %sign3A_44 = arith.cmpi slt, %jit3A_31, %sign3A_43 : i32
    %sign3A_45 = arith.extui %sign3A_44 : i1 to i32
    %sign3A_46 = arith.subi %sign3A_42, %sign3A_45 : i32
    %ne3A_47 = arith.cmpi ne, %sign3A_39, %sign3A_46 : i32
    %rem3A_48 = arith.remsi %select_n3A, %jit3A_31 : i32
    %ne3A_49 = arith.constant 0 : i32
    %ne3A_50 = arith.cmpi ne, %rem3A_48, %ne3A_49 : i32
    %and3A_51 = arith.andi %ne3A_47, %ne3A_50 : i1
    %sub3A_52 = arith.constant 1 : i32
    %sub3A_53 = arith.subi %div3A_32, %sub3A_52 : i32
    %select_n3A_54 = arith.select %and3A_51, %sub3A_53, %div3A_32 : i32
    %jit3A_55 = arith.constant 2 : i32
    %eq3A_56 = arith.constant 0 : i32
    %eq3A_57 = arith.cmpi eq, %jit3A_55, %eq3A_56 : i32
    %jit3A_58 = arith.constant 1 : i32
    %select_n3A_59 = arith.select %eq3A_57, %jit3A_58, %jit3A_55 : i32
    %rem3A_60 = arith.remsi %select_n3A, %select_n3A_59 : i32
    %ne3A_61 = arith.constant 0 : i32
    %ne3A_62 = arith.cmpi ne, %rem3A_60, %ne3A_61 : i32
    %lt3A_63 = arith.constant 0 : i32
    %lt3A_64 = arith.cmpi slt, %rem3A_60, %lt3A_63 : i32
    %lt3A_65 = arith.constant 0 : i32
    %lt3A_66 = arith.cmpi slt, %select_n3A_59, %lt3A_65 : i32
    %ne3A_67 = arith.xori %lt3A_64, %lt3A_66 : i1
    %and3A_68 = arith.andi %ne3A_67, %ne3A_62 : i1
    %add3A_69 = arith.addi %rem3A_60, %select_n3A_59 : i32
    %select_n3A_70 = arith.select %and3A_68, %add3A_69, %rem3A_60 : i32
    %mul3A_71 = arith.constant 65536 : i32
    %mul3A_72 = arith.muli %select_n3A_70, %mul3A_71 : i32
    %iota3A = tpu.iota {dimensions = array<i32: 0>} : vector<16xi32>
    %mul3A_73 = arith.constant 131072 : i32
    %mul3A_74 = arith.muli %select_n3A_54, %mul3A_73 : i32
    %add3A_75 = arith.addi %mul3A_74, %mul3A_72 : i32
    "tpu.region"() ({
      %run_scoped3A = tpu.sem_alloc : memref<!tpu.dma_semaphore, #tpu.memory_space<semaphore_mem>>
      %dma_start3A = tpu.memref_slice %arg2[%add3A_75] : memref<524288xi32, #tpu.memory_space<hbm>> -> memref<65536xi32, #tpu.memory_space<hbm>>
      %dma_start3A_82 = tpu.memref_slice %arg2[%add3A_75] : memref<524288xi32, #tpu.memory_space<hbm>> -> memref<65536xi32, #tpu.memory_space<hbm>>
      tpu.enqueue_dma source(%dma_start3A_82 : memref<65536xi32, #tpu.memory_space<hbm>>) target(%arg10 : memref<65536xi32, #tpu.memory_space<vmem>>) target_semaphore(%run_scoped3A : memref<!tpu.dma_semaphore, #tpu.memory_space<semaphore_mem>>)
      %dma_wait3A = tpu.memref_slice %arg2[%add3A_75] : memref<524288xi32, #tpu.memory_space<hbm>> -> memref<65536xi32, #tpu.memory_space<hbm>>
      %dma_wait3A_83 = tpu.memref_slice %arg2[%add3A_75] : memref<524288xi32, #tpu.memory_space<hbm>> -> memref<65536xi32, #tpu.memory_space<hbm>>
      tpu.wait_dma2 semaphore(%run_scoped3A : memref<!tpu.dma_semaphore, #tpu.memory_space<semaphore_mem>>) src(%dma_wait3A_83 : memref<65536xi32, #tpu.memory_space<hbm>>) dst(%arg10 : memref<65536xi32, #tpu.memory_space<vmem>>)
      tpu.yield
    }) : () -> ()
    %scan3A = arith.constant 0 : i32
    %scan3A_76 = arith.constant 0 : i32
    %scan3A_77 = arith.constant 34 : i32
    %scan3A_78 = arith.addi %scan3A_76, %scan3A_77 : i32
    %scan3A_79 = arith.constant 1 : i32
    %scan3A_80 = scf.for %scan3A_82 = %scan3A_76 to %scan3A_78 step %scan3A_79 iter_args(%scan3A_83 = %scan3A) -> (i32)  : i32 {
      %mul3A_84 = arith.constant 34 : i32
      %mul3A_85 = arith.muli %select_n3A_30, %mul3A_84 : i32
      %add3A_86 = arith.addi %mul3A_85, %scan3A_82 : i32
      %lt3A_87 = arith.constant 134 : i32
      %lt3A_88 = arith.cmpi slt, %add3A_86, %lt3A_87 : i32
      %convert_element_type3A = arith.extui %lt3A_88 : i1 to i32
      %cond3A = arith.constant 0 : i32
      %cond3A_89 = arith.cmpi ne, %convert_element_type3A, %cond3A : i32
      scf.if %cond3A_89 {
        %lt3A_91 = arith.constant 128 : i32
        %lt3A_92 = arith.cmpi slt, %add3A_86, %lt3A_91 : i32
        %ge3A = arith.constant 128 : i32
        %ge3A_93 = arith.cmpi sge, %add3A_86, %ge3A : i32
        %lt3A_94 = arith.constant 131 : i32
        %lt3A_95 = arith.cmpi slt, %add3A_86, %lt3A_94 : i32
        %and3A_96 = arith.andi %ge3A_93, %lt3A_95 : i1
        %ge3A_97 = arith.constant 131 : i32
        %ge3A_98 = arith.cmpi sge, %add3A_86, %ge3A_97 : i32
        %min3A = arith.constant 127 : i32
        %min3A_99 = arith.minsi %add3A_86, %min3A : i32
        %sub3A_100 = arith.constant 128 : i32
        %sub3A_101 = arith.subi %add3A_86, %sub3A_100 : i32
        %jit3A_102 = arith.constant 0 : i32
        %jit3A_103 = arith.constant 2 : i32
        %max3A = arith.maxsi %jit3A_102, %sub3A_101 : i32
        %min3A_104 = arith.minsi %jit3A_103, %max3A : i32
        %sub3A_105 = arith.constant 131 : i32
        %sub3A_106 = arith.subi %add3A_86, %sub3A_105 : i32
        %jit3A_107 = arith.constant 0 : i32
        %jit3A_108 = arith.constant 2 : i32
        %max3A_109 = arith.maxsi %jit3A_107, %sub3A_106 : i32
        %min3A_110 = arith.minsi %jit3A_108, %max3A_109 : i32
        %min3A_111 = arith.constant 130 : i32
        %min3A_112 = arith.minsi %add3A_86, %min3A_111 : i32
        %convert_element_type3A_113 = arith.extui %lt3A_92 : i1 to i32
        %cond3A_114 = arith.constant 0 : i32
        %cond3A_115 = arith.cmpi ne, %convert_element_type3A_113, %cond3A_114 : i32
        scf.if %cond3A_115 {
          "tpu.region"() ({
            %run_scoped3A = tpu.sem_alloc : memref<!tpu.dma_semaphore, #tpu.memory_space<semaphore_mem>>
            %dma_start3A = arith.constant 0 : i32
            %dma_start3A_216 = tpu.memref_slice %arg3[%select_n3A_54, %min3A_99, %dma_start3A] : memref<4x128x8192xf32, #tpu.memory_space<hbm>> -> memref<1x1x8192xf32, #tpu.memory_space<hbm>>
            %dma_start3A_217 = tpu.memref_squeeze %dma_start3A_216 : memref<1x1x8192xf32, #tpu.memory_space<hbm>> -> memref<8192xf32, #tpu.memory_space<hbm>>
            %dma_start3A_218 = arith.constant 0 : i32
            %dma_start3A_219 = tpu.memref_slice %arg3[%select_n3A_54, %min3A_99, %dma_start3A_218] : memref<4x128x8192xf32, #tpu.memory_space<hbm>> -> memref<1x1x8192xf32, #tpu.memory_space<hbm>>
            %dma_start3A_220 = tpu.memref_squeeze %dma_start3A_219 : memref<1x1x8192xf32, #tpu.memory_space<hbm>> -> memref<8192xf32, #tpu.memory_space<hbm>>
            tpu.enqueue_dma source(%dma_start3A_220 : memref<8192xf32, #tpu.memory_space<hbm>>) target(%arg11 : memref<8192xf32, #tpu.memory_space<vmem>>) target_semaphore(%run_scoped3A : memref<!tpu.dma_semaphore, #tpu.memory_space<semaphore_mem>>)
            %dma_wait3A = arith.constant 0 : i32
            %dma_wait3A_221 = tpu.memref_slice %arg3[%select_n3A_54, %min3A_99, %dma_wait3A] : memref<4x128x8192xf32, #tpu.memory_space<hbm>> -> memref<1x1x8192xf32, #tpu.memory_space<hbm>>
            %dma_wait3A_222 = tpu.memref_squeeze %dma_wait3A_221 : memref<1x1x8192xf32, #tpu.memory_space<hbm>> -> memref<8192xf32, #tpu.memory_space<hbm>>
            %dma_wait3A_223 = arith.constant 0 : i32
            %dma_wait3A_224 = tpu.memref_slice %arg3[%select_n3A_54, %min3A_99, %dma_wait3A_223] : memref<4x128x8192xf32, #tpu.memory_space<hbm>> -> memref<1x1x8192xf32, #tpu.memory_space<hbm>>
            %dma_wait3A_225 = tpu.memref_squeeze %dma_wait3A_224 : memref<1x1x8192xf32, #tpu.memory_space<hbm>> -> memref<8192xf32, #tpu.memory_space<hbm>>
            tpu.wait_dma2 semaphore(%run_scoped3A : memref<!tpu.dma_semaphore, #tpu.memory_space<semaphore_mem>>) src(%dma_wait3A_225 : memref<8192xf32, #tpu.memory_space<hbm>>) dst(%arg11 : memref<8192xf32, #tpu.memory_space<vmem>>)
            tpu.yield
          }) : () -> ()
        } else {
        }
        %convert_element_type3A_116 = arith.extui %and3A_96 : i1 to i32
        %cond3A_117 = arith.constant 0 : i32
        %cond3A_118 = arith.cmpi ne, %convert_element_type3A_116, %cond3A_117 : i32
        scf.if %cond3A_118 {
          "tpu.region"() ({
            %run_scoped3A = tpu.sem_alloc : memref<!tpu.dma_semaphore, #tpu.memory_space<semaphore_mem>>
            %dma_start3A = arith.constant 0 : i32
            %dma_start3A_216 = tpu.memref_slice %arg4[%select_n3A_54, %min3A_104, %dma_start3A] : memref<4x3x8192xf32, #tpu.memory_space<hbm>> -> memref<1x1x8192xf32, #tpu.memory_space<hbm>>
            %dma_start3A_217 = tpu.memref_squeeze %dma_start3A_216 : memref<1x1x8192xf32, #tpu.memory_space<hbm>> -> memref<8192xf32, #tpu.memory_space<hbm>>
            %dma_start3A_218 = arith.constant 0 : i32
            %dma_start3A_219 = tpu.memref_slice %arg4[%select_n3A_54, %min3A_104, %dma_start3A_218] : memref<4x3x8192xf32, #tpu.memory_space<hbm>> -> memref<1x1x8192xf32, #tpu.memory_space<hbm>>
            %dma_start3A_220 = tpu.memref_squeeze %dma_start3A_219 : memref<1x1x8192xf32, #tpu.memory_space<hbm>> -> memref<8192xf32, #tpu.memory_space<hbm>>
            tpu.enqueue_dma source(%dma_start3A_220 : memref<8192xf32, #tpu.memory_space<hbm>>) target(%arg11 : memref<8192xf32, #tpu.memory_space<vmem>>) target_semaphore(%run_scoped3A : memref<!tpu.dma_semaphore, #tpu.memory_space<semaphore_mem>>)
            %dma_wait3A = arith.constant 0 : i32
            %dma_wait3A_221 = tpu.memref_slice %arg4[%select_n3A_54, %min3A_104, %dma_wait3A] : memref<4x3x8192xf32, #tpu.memory_space<hbm>> -> memref<1x1x8192xf32, #tpu.memory_space<hbm>>
            %dma_wait3A_222 = tpu.memref_squeeze %dma_wait3A_221 : memref<1x1x8192xf32, #tpu.memory_space<hbm>> -> memref<8192xf32, #tpu.memory_space<hbm>>
            %dma_wait3A_223 = arith.constant 0 : i32
            %dma_wait3A_224 = tpu.memref_slice %arg4[%select_n3A_54, %min3A_104, %dma_wait3A_223] : memref<4x3x8192xf32, #tpu.memory_space<hbm>> -> memref<1x1x8192xf32, #tpu.memory_space<hbm>>
            %dma_wait3A_225 = tpu.memref_squeeze %dma_wait3A_224 : memref<1x1x8192xf32, #tpu.memory_space<hbm>> -> memref<8192xf32, #tpu.memory_space<hbm>>
            tpu.wait_dma2 semaphore(%run_scoped3A : memref<!tpu.dma_semaphore, #tpu.memory_space<semaphore_mem>>) src(%dma_wait3A_225 : memref<8192xf32, #tpu.memory_space<hbm>>) dst(%arg11 : memref<8192xf32, #tpu.memory_space<vmem>>)
            tpu.yield
          }) : () -> ()
          "tpu.region"() ({
            %run_scoped3A = tpu.sem_alloc : memref<!tpu.dma_semaphore, #tpu.memory_space<semaphore_mem>>
            %dma_start3A = arith.constant 0 : i32
            %dma_start3A_216 = tpu.memref_slice %arg6[%select_n3A_54, %min3A_104, %dma_start3A] : memref<4x3x2048xf32, #tpu.memory_space<hbm>> -> memref<1x1x2048xf32, #tpu.memory_space<hbm>>
            %dma_start3A_217 = tpu.memref_squeeze %dma_start3A_216 : memref<1x1x2048xf32, #tpu.memory_space<hbm>> -> memref<2048xf32, #tpu.memory_space<hbm>>
            %dma_start3A_218 = arith.constant 0 : i32
            %dma_start3A_219 = tpu.memref_slice %arg6[%select_n3A_54, %min3A_104, %dma_start3A_218] : memref<4x3x2048xf32, #tpu.memory_space<hbm>> -> memref<1x1x2048xf32, #tpu.memory_space<hbm>>
            %dma_start3A_220 = tpu.memref_squeeze %dma_start3A_219 : memref<1x1x2048xf32, #tpu.memory_space<hbm>> -> memref<2048xf32, #tpu.memory_space<hbm>>
            tpu.enqueue_dma source(%dma_start3A_220 : memref<2048xf32, #tpu.memory_space<hbm>>) target(%arg12 : memref<2048xf32, #tpu.memory_space<vmem>>) target_semaphore(%run_scoped3A : memref<!tpu.dma_semaphore, #tpu.memory_space<semaphore_mem>>)
            %dma_wait3A = arith.constant 0 : i32
            %dma_wait3A_221 = tpu.memref_slice %arg6[%select_n3A_54, %min3A_104, %dma_wait3A] : memref<4x3x2048xf32, #tpu.memory_space<hbm>> -> memref<1x1x2048xf32, #tpu.memory_space<hbm>>
            %dma_wait3A_222 = tpu.memref_squeeze %dma_wait3A_221 : memref<1x1x2048xf32, #tpu.memory_space<hbm>> -> memref<2048xf32, #tpu.memory_space<hbm>>
            %dma_wait3A_223 = arith.constant 0 : i32
            %dma_wait3A_224 = tpu.memref_slice %arg6[%select_n3A_54, %min3A_104, %dma_wait3A_223] : memref<4x3x2048xf32, #tpu.memory_space<hbm>> -> memref<1x1x2048xf32, #tpu.memory_space<hbm>>
            %dma_wait3A_225 = tpu.memref_squeeze %dma_wait3A_224 : memref<1x1x2048xf32, #tpu.memory_space<hbm>> -> memref<2048xf32, #tpu.memory_space<hbm>>
            tpu.wait_dma2 semaphore(%run_scoped3A : memref<!tpu.dma_semaphore, #tpu.memory_space<semaphore_mem>>) src(%dma_wait3A_225 : memref<2048xf32, #tpu.memory_space<hbm>>) dst(%arg12 : memref<2048xf32, #tpu.memory_space<vmem>>)
            tpu.yield
          }) : () -> ()
        } else {
        }
        %convert_element_type3A_119 = arith.extui %ge3A_98 : i1 to i32
        %cond3A_120 = arith.constant 0 : i32
        %cond3A_121 = arith.cmpi ne, %convert_element_type3A_119, %cond3A_120 : i32
        scf.if %cond3A_121 {
          "tpu.region"() ({
            %run_scoped3A = tpu.sem_alloc : memref<!tpu.dma_semaphore, #tpu.memory_space<semaphore_mem>>
            %dma_start3A = arith.constant 0 : i32
            %dma_start3A_216 = tpu.memref_slice %arg5[%select_n3A_54, %min3A_110, %dma_start3A] : memref<4x3x8192xf32, #tpu.memory_space<hbm>> -> memref<1x1x8192xf32, #tpu.memory_space<hbm>>
            %dma_start3A_217 = tpu.memref_squeeze %dma_start3A_216 : memref<1x1x8192xf32, #tpu.memory_space<hbm>> -> memref<8192xf32, #tpu.memory_space<hbm>>
            %dma_start3A_218 = arith.constant 0 : i32
            %dma_start3A_219 = tpu.memref_slice %arg5[%select_n3A_54, %min3A_110, %dma_start3A_218] : memref<4x3x8192xf32, #tpu.memory_space<hbm>> -> memref<1x1x8192xf32, #tpu.memory_space<hbm>>
            %dma_start3A_220 = tpu.memref_squeeze %dma_start3A_219 : memref<1x1x8192xf32, #tpu.memory_space<hbm>> -> memref<8192xf32, #tpu.memory_space<hbm>>
            tpu.enqueue_dma source(%dma_start3A_220 : memref<8192xf32, #tpu.memory_space<hbm>>) target(%arg11 : memref<8192xf32, #tpu.memory_space<vmem>>) target_semaphore(%run_scoped3A : memref<!tpu.dma_semaphore, #tpu.memory_space<semaphore_mem>>)
            %dma_wait3A = arith.constant 0 : i32
            %dma_wait3A_221 = tpu.memref_slice %arg5[%select_n3A_54, %min3A_110, %dma_wait3A] : memref<4x3x8192xf32, #tpu.memory_space<hbm>> -> memref<1x1x8192xf32, #tpu.memory_space<hbm>>
            %dma_wait3A_222 = tpu.memref_squeeze %dma_wait3A_221 : memref<1x1x8192xf32, #tpu.memory_space<hbm>> -> memref<8192xf32, #tpu.memory_space<hbm>>
            %dma_wait3A_223 = arith.constant 0 : i32
            %dma_wait3A_224 = tpu.memref_slice %arg5[%select_n3A_54, %min3A_110, %dma_wait3A_223] : memref<4x3x8192xf32, #tpu.memory_space<hbm>> -> memref<1x1x8192xf32, #tpu.memory_space<hbm>>
            %dma_wait3A_225 = tpu.memref_squeeze %dma_wait3A_224 : memref<1x1x8192xf32, #tpu.memory_space<hbm>> -> memref<8192xf32, #tpu.memory_space<hbm>>
            tpu.wait_dma2 semaphore(%run_scoped3A : memref<!tpu.dma_semaphore, #tpu.memory_space<semaphore_mem>>) src(%dma_wait3A_225 : memref<8192xf32, #tpu.memory_space<hbm>>) dst(%arg11 : memref<8192xf32, #tpu.memory_space<vmem>>)
            tpu.yield
          }) : () -> ()
          "tpu.region"() ({
            %run_scoped3A = tpu.sem_alloc : memref<!tpu.dma_semaphore, #tpu.memory_space<semaphore_mem>>
            %dma_start3A = arith.constant 0 : i32
            %dma_start3A_216 = tpu.memref_slice %arg7[%select_n3A_54, %min3A_110, %dma_start3A] : memref<4x3x2048xf32, #tpu.memory_space<hbm>> -> memref<1x1x2048xf32, #tpu.memory_space<hbm>>
            %dma_start3A_217 = tpu.memref_squeeze %dma_start3A_216 : memref<1x1x2048xf32, #tpu.memory_space<hbm>> -> memref<2048xf32, #tpu.memory_space<hbm>>
            %dma_start3A_218 = arith.constant 0 : i32
            %dma_start3A_219 = tpu.memref_slice %arg7[%select_n3A_54, %min3A_110, %dma_start3A_218] : memref<4x3x2048xf32, #tpu.memory_space<hbm>> -> memref<1x1x2048xf32, #tpu.memory_space<hbm>>
            %dma_start3A_220 = tpu.memref_squeeze %dma_start3A_219 : memref<1x1x2048xf32, #tpu.memory_space<hbm>> -> memref<2048xf32, #tpu.memory_space<hbm>>
            tpu.enqueue_dma source(%dma_start3A_220 : memref<2048xf32, #tpu.memory_space<hbm>>) target(%arg12 : memref<2048xf32, #tpu.memory_space<vmem>>) target_semaphore(%run_scoped3A : memref<!tpu.dma_semaphore, #tpu.memory_space<semaphore_mem>>)
            %dma_wait3A = arith.constant 0 : i32
            %dma_wait3A_221 = tpu.memref_slice %arg7[%select_n3A_54, %min3A_110, %dma_wait3A] : memref<4x3x2048xf32, #tpu.memory_space<hbm>> -> memref<1x1x2048xf32, #tpu.memory_space<hbm>>
            %dma_wait3A_222 = tpu.memref_squeeze %dma_wait3A_221 : memref<1x1x2048xf32, #tpu.memory_space<hbm>> -> memref<2048xf32, #tpu.memory_space<hbm>>
            %dma_wait3A_223 = arith.constant 0 : i32
            %dma_wait3A_224 = tpu.memref_slice %arg7[%select_n3A_54, %min3A_110, %dma_wait3A_223] : memref<4x3x2048xf32, #tpu.memory_space<hbm>> -> memref<1x1x2048xf32, #tpu.memory_space<hbm>>
            %dma_wait3A_225 = tpu.memref_squeeze %dma_wait3A_224 : memref<1x1x2048xf32, #tpu.memory_space<hbm>> -> memref<2048xf32, #tpu.memory_space<hbm>>
            tpu.wait_dma2 semaphore(%run_scoped3A : memref<!tpu.dma_semaphore, #tpu.memory_space<semaphore_mem>>) src(%dma_wait3A_225 : memref<2048xf32, #tpu.memory_space<hbm>>) dst(%arg12 : memref<2048xf32, #tpu.memory_space<vmem>>)
            tpu.yield
          }) : () -> ()
        } else {
        }
        %scan3A_122 = arith.constant 0 : i32
        %scan3A_123 = arith.constant 0 : i32
        %scan3A_124 = arith.constant 2 : i32
        %scan3A_125 = arith.addi %scan3A_123, %scan3A_124 : i32
        %scan3A_126 = arith.constant 1 : i32
        %scan3A_127 = scf.for %scan3A_216 = %scan3A_123 to %scan3A_125 step %scan3A_126 iter_args(%scan3A_217 = %scan3A_122) -> (i32)  : i32 {
          %mul3A_218 = arith.constant 4 : i32
          %mul3A_219 = arith.muli %scan3A_216, %mul3A_218 : i32
          %add3A_220 = arith.constant 0 : i32
          %add3A_221 = arith.addi %mul3A_219, %add3A_220 : i32
          %gt3A = arith.constant 0 : i32
          %gt3A_222 = arith.cmpi sgt, %scan3A_216, %gt3A : i32
          %convert_element_type3A_223 = arith.extui %gt3A_222 : i1 to i32
          %cond3A_224 = arith.constant 0 : i32
          %cond3A_225 = arith.cmpi ne, %convert_element_type3A_223, %cond3A_224 : i32
          scf.if %cond3A_225 {
            %sub3A_386 = arith.constant 4 : i32
            %sub3A_387 = arith.subi %add3A_221, %sub3A_386 : i32
            %mul3A_388 = arith.constant 8192 : i32
            %mul3A_389 = arith.muli %sub3A_387, %mul3A_388 : i32
            %add3A_390 = arith.addi %mul3A_72, %mul3A_389 : i32
            %mul3A_391 = arith.constant 131 : i32
            %mul3A_392 = arith.muli %select_n3A_54, %mul3A_391 : i32
            %add3A_393 = arith.addi %mul3A_392, %min3A_112 : i32
            %mul3A_394 = arith.constant 131072 : i32
            %mul3A_395 = arith.muli %add3A_393, %mul3A_394 : i32
            %add3A_396 = arith.addi %mul3A_395, %add3A_390 : i32
            %mul3A_397 = arith.constant 3 : i32
            %mul3A_398 = arith.muli %select_n3A_54, %mul3A_397 : i32
            %add3A_399 = arith.addi %mul3A_398, %min3A_110 : i32
            %mul3A_400 = arith.constant 131072 : i32
            %mul3A_401 = arith.muli %add3A_399, %mul3A_400 : i32
            %add3A_402 = arith.addi %mul3A_401, %add3A_390 : i32
            %not3A_403 = arith.constant true
            %not3A_404 = arith.xori %ge3A_98, %not3A_403 : i1
            %convert_element_type3A_405 = arith.extui %not3A_404 : i1 to i32
            %cond3A_406 = arith.constant 0 : i32
            %cond3A_407 = arith.cmpi ne, %convert_element_type3A_405, %cond3A_406 : i32
            scf.if %cond3A_407 {
              %dma_wait3A = tpu.memref_slice %arg8[%add3A_396] : memref<68681728xf32, #tpu.memory_space<hbm>> -> memref<8192xf32, #tpu.memory_space<hbm>>
              %dma_wait3A_411 = tpu.memref_slice %arg8[%add3A_396] : memref<68681728xf32, #tpu.memory_space<hbm>> -> memref<8192xf32, #tpu.memory_space<hbm>>
              tpu.wait_dma2 semaphore(%arg17 : memref<!tpu.dma_semaphore, #tpu.memory_space<semaphore_mem>>) src(%arg13 : memref<8192xf32, #tpu.memory_space<vmem>>) dst(%dma_wait3A_411 : memref<8192xf32, #tpu.memory_space<hbm>>)
            } else {
            }
            %convert_element_type3A_408 = arith.extui %ge3A_98 : i1 to i32
            %cond3A_409 = arith.constant 0 : i32
            %cond3A_410 = arith.cmpi ne, %convert_element_type3A_408, %cond3A_409 : i32
            scf.if %cond3A_410 {
              %dma_wait3A = tpu.memref_slice %arg9[%add3A_402] : memref<1572864xf32, #tpu.memory_space<hbm>> -> memref<8192xf32, #tpu.memory_space<hbm>>
              %dma_wait3A_411 = tpu.memref_slice %arg9[%add3A_402] : memref<1572864xf32, #tpu.memory_space<hbm>> -> memref<8192xf32, #tpu.memory_space<hbm>>
              tpu.wait_dma2 semaphore(%arg17 : memref<!tpu.dma_semaphore, #tpu.memory_space<semaphore_mem>>) src(%arg13 : memref<8192xf32, #tpu.memory_space<vmem>>) dst(%dma_wait3A_411 : memref<8192xf32, #tpu.memory_space<hbm>>)
            } else {
            }
          } else {
          }
          %mul3A_226 = arith.constant 8192 : i32
          %mul3A_227 = arith.muli %add3A_221, %mul3A_226 : i32
          %convert_element_type3A_228 = arith.extui %lt3A_92 : i1 to i32
          %cond3A_229 = arith.constant 0 : i32
          %cond3A_230 = arith.cmpi ne, %convert_element_type3A_228, %cond3A_229 : i32
          scf.if %cond3A_230 {
            %parallel_loop3A = arith.constant 0 : i32
            %parallel_loop3A_386 = arith.constant 512 : i32
            %parallel_loop3A_387 = arith.constant 1 : i32
            scf.for %parallel_loop3A_388 = %parallel_loop3A to %parallel_loop3A_386 step %parallel_loop3A_387  : i32 {
              %parallel_loop3A_389 = arith.constant 16 : i32
              %parallel_loop3A_390 = arith.muli %parallel_loop3A_388, %parallel_loop3A_389 : i32
              %parallel_loop3A_391 = arith.addi %mul3A_227, %parallel_loop3A_390 : i32
              %parallel_loop3A_392 = arith.index_cast %parallel_loop3A_391 : i32 to index
              %parallel_loop3A_393 = tpu.vector_load %arg10[%parallel_loop3A_392] {strides = array<i32>} : memref<65536xi32, #tpu.memory_space<vmem>>, vector<16xi32>,
              %parallel_loop3A_394 = tpu.vector_load_idx %arg11[%parallel_loop3A_393] : memref<8192xf32, #tpu.memory_space<vmem>>[vector<16xi32>], vector<16xf32>,
              %parallel_loop3A_395 = arith.index_cast %parallel_loop3A_390 : i32 to index
              %parallel_loop3A_396 = tpu.vector_load %arg13[%parallel_loop3A_395] {strides = array<i32>} : memref<8192xf32, #tpu.memory_space<vmem>>, vector<16xf32>,
              tpu.vector_store %arg13[%parallel_loop3A_395], %parallel_loop3A_394 {strides = array<i32>} : memref<8192xf32, #tpu.memory_space<vmem>>, vector<16xf32>,
            } {sc.loop_unroll_factor = 8 : i64, sc.parallel_access}
          } else {
          }
          %not3A_231 = arith.constant true
          %not3A_232 = arith.xori %lt3A_92, %not3A_231 : i1
          %convert_element_type3A_233 = arith.extui %not3A_232 : i1 to i32
          %cond3A_234 = arith.constant 0 : i32
          %cond3A_235 = arith.cmpi ne, %convert_element_type3A_233, %cond3A_234 : i32
          scf.if %cond3A_235 {
            %parallel_loop3A = arith.constant 0 : i32
            %parallel_loop3A_386 = arith.constant 512 : i32
            %parallel_loop3A_387 = arith.constant 1 : i32
            scf.for %parallel_loop3A_388 = %parallel_loop3A to %parallel_loop3A_386 step %parallel_loop3A_387  : i32 {
              %parallel_loop3A_389 = arith.constant 16 : i32
              %parallel_loop3A_390 = arith.muli %parallel_loop3A_388, %parallel_loop3A_389 : i32
              %parallel_loop3A_391 = arith.addi %mul3A_227, %parallel_loop3A_390 : i32
              %parallel_loop3A_392 = arith.index_cast %parallel_loop3A_391 : i32 to index
              %parallel_loop3A_393 = tpu.vector_load %arg10[%parallel_loop3A_392] {strides = array<i32>} : memref<65536xi32, #tpu.memory_space<vmem>>, vector<16xi32>,
              %parallel_loop3A_394 = tpu.vector_load_idx %arg11[%parallel_loop3A_393] : memref<8192xf32, #tpu.memory_space<vmem>>[vector<16xi32>], vector<16xf32>,
              %parallel_loop3A_395 = arith.addi %mul3A_72, %mul3A_227 : i32
              %parallel_loop3A_396 = arith.addi %parallel_loop3A_395, %parallel_loop3A_390 : i32
              %parallel_loop3A_397 = vector.broadcast %parallel_loop3A_396 : i32 to vector<16xi32>
              %parallel_loop3A_398 = arith.addi %parallel_loop3A_397, %iota3A : vector<16xi32>
              %parallel_loop3A_399 = arith.constant 64 : i32
              %parallel_loop3A_400 = vector.broadcast %parallel_loop3A_399 : i32 to vector<16xi32>
              %parallel_loop3A_401 = arith.divsi %parallel_loop3A_398, %parallel_loop3A_400 : vector<16xi32>
              %parallel_loop3A_402 = arith.constant 0 : i32
              %parallel_loop3A_403 = vector.broadcast %parallel_loop3A_402 : i32 to vector<16xi32>
              %parallel_loop3A_404 = arith.cmpi sgt, %parallel_loop3A_398, %parallel_loop3A_403 : vector<16xi32>
              %parallel_loop3A_405 = arith.extui %parallel_loop3A_404 : vector<16xi1> to vector<16xi32>
              %parallel_loop3A_406 = arith.constant 0 : i32
              %parallel_loop3A_407 = vector.broadcast %parallel_loop3A_406 : i32 to vector<16xi32>
              %parallel_loop3A_408 = arith.cmpi slt, %parallel_loop3A_398, %parallel_loop3A_407 : vector<16xi32>
              %parallel_loop3A_409 = arith.extui %parallel_loop3A_408 : vector<16xi1> to vector<16xi32>
              %parallel_loop3A_410 = arith.subi %parallel_loop3A_405, %parallel_loop3A_409 : vector<16xi32>
              %parallel_loop3A_411 = arith.constant 0 : i32
              %parallel_loop3A_412 = arith.cmpi sgt, %parallel_loop3A_399, %parallel_loop3A_411 : i32
              %parallel_loop3A_413 = arith.extui %parallel_loop3A_412 : i1 to i32
              %parallel_loop3A_414 = arith.constant 0 : i32
              %parallel_loop3A_415 = arith.cmpi slt, %parallel_loop3A_399, %parallel_loop3A_414 : i32
              %parallel_loop3A_416 = arith.extui %parallel_loop3A_415 : i1 to i32
              %parallel_loop3A_417 = arith.subi %parallel_loop3A_413, %parallel_loop3A_416 : i32
              %parallel_loop3A_418 = vector.broadcast %parallel_loop3A_417 : i32 to vector<16xi32>
              %parallel_loop3A_419 = arith.cmpi ne, %parallel_loop3A_410, %parallel_loop3A_418 : vector<16xi32>
              %parallel_loop3A_420 = vector.broadcast %parallel_loop3A_399 : i32 to vector<16xi32>
              %parallel_loop3A_421 = arith.remsi %parallel_loop3A_398, %parallel_loop3A_420 : vector<16xi32>
              %parallel_loop3A_422 = arith.constant 0 : i32
              %parallel_loop3A_423 = vector.broadcast %parallel_loop3A_422 : i32 to vector<16xi32>
              %parallel_loop3A_424 = arith.cmpi ne, %parallel_loop3A_421, %parallel_loop3A_423 : vector<16xi32>
              %parallel_loop3A_425 = arith.andi %parallel_loop3A_419, %parallel_loop3A_424 : vector<16xi1>
              %parallel_loop3A_426 = arith.constant 1 : i32
              %parallel_loop3A_427 = vector.broadcast %parallel_loop3A_426 : i32 to vector<16xi32>
              %parallel_loop3A_428 = arith.subi %parallel_loop3A_401, %parallel_loop3A_427 : vector<16xi32>
              %parallel_loop3A_429 = arith.select %parallel_loop3A_425, %parallel_loop3A_428, %parallel_loop3A_401 : vector<16xi1>, vector<16xi32>
              %parallel_loop3A_430 = tpu.vector_load_idx %arg12[%parallel_loop3A_429] : memref<2048xf32, #tpu.memory_space<vmem>>[vector<16xi32>], vector<16xf32>,
              %parallel_loop3A_431 = arith.subf %parallel_loop3A_394, %parallel_loop3A_430 : vector<16xf32>
              %parallel_loop3A_432 = arith.index_cast %parallel_loop3A_390 : i32 to index
              %parallel_loop3A_433 = tpu.vector_load %arg13[%parallel_loop3A_432] {strides = array<i32>} : memref<8192xf32, #tpu.memory_space<vmem>>, vector<16xf32>,
              tpu.vector_store %arg13[%parallel_loop3A_432], %parallel_loop3A_431 {strides = array<i32>} : memref<8192xf32, #tpu.memory_space<vmem>>, vector<16xf32>,
            } {sc.loop_unroll_factor = 8 : i64, sc.parallel_access}
          } else {
          }
          %mul3A_236 = arith.constant 8192 : i32
          %mul3A_237 = arith.muli %add3A_221, %mul3A_236 : i32
          %add3A_238 = arith.addi %mul3A_72, %mul3A_237 : i32
          %mul3A_239 = arith.constant 131 : i32
          %mul3A_240 = arith.muli %select_n3A_54, %mul3A_239 : i32
          %add3A_241 = arith.addi %mul3A_240, %min3A_112 : i32
          %mul3A_242 = arith.constant 131072 : i32
          %mul3A_243 = arith.muli %add3A_241, %mul3A_242 : i32
          %add3A_244 = arith.addi %mul3A_243, %add3A_238 : i32
          %mul3A_245 = arith.constant 3 : i32
          %mul3A_246 = arith.muli %select_n3A_54, %mul3A_245 : i32
          %add3A_247 = arith.addi %mul3A_246, %min3A_110 : i32
          %mul3A_248 = arith.constant 131072 : i32
          %mul3A_249 = arith.muli %add3A_247, %mul3A_248 : i32
          %add3A_250 = arith.addi %mul3A_249, %add3A_238 : i32
          %not3A_251 = arith.constant true
          %not3A_252 = arith.xori %ge3A_98, %not3A_251 : i1
          %convert_element_type3A_253 = arith.extui %not3A_252 : i1 to i32
          %cond3A_254 = arith.constant 0 : i32
          %cond3A_255 = arith.cmpi ne, %convert_element_type3A_253, %cond3A_254 : i32
          scf.if %cond3A_255 {
            %dma_start3A = tpu.memref_slice %arg8[%add3A_244] : memref<68681728xf32, #tpu.memory_space<hbm>> -> memref<8192xf32, #tpu.memory_space<hbm>>
            %dma_start3A_386 = tpu.memref_slice %arg8[%add3A_244] : memref<68681728xf32, #tpu.memory_space<hbm>> -> memref<8192xf32, #tpu.memory_space<hbm>>
            tpu.enqueue_dma source(%arg13 : memref<8192xf32, #tpu.memory_space<vmem>>) target(%dma_start3A_386 : memref<8192xf32, #tpu.memory_space<hbm>>) target_semaphore(%arg17 : memref<!tpu.dma_semaphore, #tpu.memory_space<semaphore_mem>>)
          } else {
          }
          %convert_element_type3A_256 = arith.extui %ge3A_98 : i1 to i32
          %cond3A_257 = arith.constant 0 : i32
          %cond3A_258 = arith.cmpi ne, %convert_element_type3A_256, %cond3A_257 : i32
          scf.if %cond3A_258 {
            %dma_start3A = tpu.memref_slice %arg9[%add3A_250] : memref<1572864xf32, #tpu.memory_space<hbm>> -> memref<8192xf32, #tpu.memory_space<hbm>>
            %dma_start3A_386 = tpu.memref_slice %arg9[%add3A_250] : memref<1572864xf32, #tpu.memory_space<hbm>> -> memref<8192xf32, #tpu.memory_space<hbm>>
            tpu.enqueue_dma source(%arg13 : memref<8192xf32, #tpu.memory_space<vmem>>) target(%dma_start3A_386 : memref<8192xf32, #tpu.memory_space<hbm>>) target_semaphore(%arg17 : memref<!tpu.dma_semaphore, #tpu.memory_space<semaphore_mem>>)
          } else {
          }
          %mul3A_259 = arith.constant 4 : i32
          %mul3A_260 = arith.muli %scan3A_216, %mul3A_259 : i32
          %add3A_261 = arith.constant 1 : i32
          %add3A_262 = arith.addi %mul3A_260, %add3A_261 : i32
          %gt3A_263 = arith.constant 0 : i32
          %gt3A_264 = arith.cmpi sgt, %scan3A_216, %gt3A_263 : i32
          %convert_element_type3A_265 = arith.extui %gt3A_264 : i1 to i32
          %cond3A_266 = arith.constant 0 : i32
          %cond3A_267 = arith.cmpi ne, %convert_element_type3A_265, %cond3A_266 : i32
          scf.if %cond3A_267 {
            %sub3A_386 = arith.constant 4 : i32
            %sub3A_387 = arith.subi %add3A_262, %sub3A_386 : i32
            %mul3A_388 = arith.constant 8192 : i32
            %mul3A_389 = arith.muli %sub3A_387, %mul3A_388 : i32
            %add3A_390 = arith.addi %mul3A_72, %mul3A_389 : i32
            %mul3A_391 = arith.constant 131 : i32
            %mul3A_392 = arith.muli %select_n3A_54, %mul3A_391 : i32
            %add3A_393 = arith.addi %mul3A_392, %min3A_112 : i32
            %mul3A_394 = arith.constant 131072 : i32
            %mul3A_395 = arith.muli %add3A_393, %mul3A_394 : i32
            %add3A_396 = arith.addi %mul3A_395, %add3A_390 : i32
            %mul3A_397 = arith.constant 3 : i32
            %mul3A_398 = arith.muli %select_n3A_54, %mul3A_397 : i32
            %add3A_399 = arith.addi %mul3A_398, %min3A_110 : i32
            %mul3A_400 = arith.constant 131072 : i32
            %mul3A_401 = arith.muli %add3A_399, %mul3A_400 : i32
            %add3A_402 = arith.addi %mul3A_401, %add3A_390 : i32
            %not3A_403 = arith.constant true
            %not3A_404 = arith.xori %ge3A_98, %not3A_403 : i1
            %convert_element_type3A_405 = arith.extui %not3A_404 : i1 to i32
            %cond3A_406 = arith.constant 0 : i32
            %cond3A_407 = arith.cmpi ne, %convert_element_type3A_405, %cond3A_406 : i32
            scf.if %cond3A_407 {
              %dma_wait3A = tpu.memref_slice %arg8[%add3A_396] : memref<68681728xf32, #tpu.memory_space<hbm>> -> memref<8192xf32, #tpu.memory_space<hbm>>
              %dma_wait3A_411 = tpu.memref_slice %arg8[%add3A_396] : memref<68681728xf32, #tpu.memory_space<hbm>> -> memref<8192xf32, #tpu.memory_space<hbm>>
              tpu.wait_dma2 semaphore(%arg18 : memref<!tpu.dma_semaphore, #tpu.memory_space<semaphore_mem>>) src(%arg14 : memref<8192xf32, #tpu.memory_space<vmem>>) dst(%dma_wait3A_411 : memref<8192xf32, #tpu.memory_space<hbm>>)
            } else {
            }
            %convert_element_type3A_408 = arith.extui %ge3A_98 : i1 to i32
            %cond3A_409 = arith.constant 0 : i32
            %cond3A_410 = arith.cmpi ne, %convert_element_type3A_408, %cond3A_409 : i32
            scf.if %cond3A_410 {
              %dma_wait3A = tpu.memref_slice %arg9[%add3A_402] : memref<1572864xf32, #tpu.memory_space<hbm>> -> memref<8192xf32, #tpu.memory_space<hbm>>
              %dma_wait3A_411 = tpu.memref_slice %arg9[%add3A_402] : memref<1572864xf32, #tpu.memory_space<hbm>> -> memref<8192xf32, #tpu.memory_space<hbm>>
              tpu.wait_dma2 semaphore(%arg18 : memref<!tpu.dma_semaphore, #tpu.memory_space<semaphore_mem>>) src(%arg14 : memref<8192xf32, #tpu.memory_space<vmem>>) dst(%dma_wait3A_411 : memref<8192xf32, #tpu.memory_space<hbm>>)
            } else {
            }
          } else {
          }
          %mul3A_268 = arith.constant 8192 : i32
          %mul3A_269 = arith.muli %add3A_262, %mul3A_268 : i32
          %convert_element_type3A_270 = arith.extui %lt3A_92 : i1 to i32
          %cond3A_271 = arith.constant 0 : i32
          %cond3A_272 = arith.cmpi ne, %convert_element_type3A_270, %cond3A_271 : i32
          scf.if %cond3A_272 {
            %parallel_loop3A = arith.constant 0 : i32
            %parallel_loop3A_386 = arith.constant 512 : i32
            %parallel_loop3A_387 = arith.constant 1 : i32
            scf.for %parallel_loop3A_388 = %parallel_loop3A to %parallel_loop3A_386 step %parallel_loop3A_387  : i32 {
              %parallel_loop3A_389 = arith.constant 16 : i32
              %parallel_loop3A_390 = arith.muli %parallel_loop3A_388, %parallel_loop3A_389 : i32
              %parallel_loop3A_391 = arith.addi %mul3A_269, %parallel_loop3A_390 : i32
              %parallel_loop3A_392 = arith.index_cast %parallel_loop3A_391 : i32 to index
              %parallel_loop3A_393 = tpu.vector_load %arg10[%parallel_loop3A_392] {strides = array<i32>} : memref<65536xi32, #tpu.memory_space<vmem>>, vector<16xi32>,
              %parallel_loop3A_394 = tpu.vector_load_idx %arg11[%parallel_loop3A_393] : memref<8192xf32, #tpu.memory_space<vmem>>[vector<16xi32>], vector<16xf32>,
              %parallel_loop3A_395 = arith.index_cast %parallel_loop3A_390 : i32 to index
              %parallel_loop3A_396 = tpu.vector_load %arg14[%parallel_loop3A_395] {strides = array<i32>} : memref<8192xf32, #tpu.memory_space<vmem>>, vector<16xf32>,
              tpu.vector_store %arg14[%parallel_loop3A_395], %parallel_loop3A_394 {strides = array<i32>} : memref<8192xf32, #tpu.memory_space<vmem>>, vector<16xf32>,
            } {sc.loop_unroll_factor = 8 : i64, sc.parallel_access}
          } else {
          }
          %not3A_273 = arith.constant true
          %not3A_274 = arith.xori %lt3A_92, %not3A_273 : i1
          %convert_element_type3A_275 = arith.extui %not3A_274 : i1 to i32
          %cond3A_276 = arith.constant 0 : i32
          %cond3A_277 = arith.cmpi ne, %convert_element_type3A_275, %cond3A_276 : i32
          scf.if %cond3A_277 {
            %parallel_loop3A = arith.constant 0 : i32
            %parallel_loop3A_386 = arith.constant 512 : i32
            %parallel_loop3A_387 = arith.constant 1 : i32
            scf.for %parallel_loop3A_388 = %parallel_loop3A to %parallel_loop3A_386 step %parallel_loop3A_387  : i32 {
              %parallel_loop3A_389 = arith.constant 16 : i32
              %parallel_loop3A_390 = arith.muli %parallel_loop3A_388, %parallel_loop3A_389 : i32
              %parallel_loop3A_391 = arith.addi %mul3A_269, %parallel_loop3A_390 : i32
              %parallel_loop3A_392 = arith.index_cast %parallel_loop3A_391 : i32 to index
              %parallel_loop3A_393 = tpu.vector_load %arg10[%parallel_loop3A_392] {strides = array<i32>} : memref<65536xi32, #tpu.memory_space<vmem>>, vector<16xi32>,
              %parallel_loop3A_394 = tpu.vector_load_idx %arg11[%parallel_loop3A_393] : memref<8192xf32, #tpu.memory_space<vmem>>[vector<16xi32>], vector<16xf32>,
              %parallel_loop3A_395 = arith.addi %mul3A_72, %mul3A_269 : i32
              %parallel_loop3A_396 = arith.addi %parallel_loop3A_395, %parallel_loop3A_390 : i32
              %parallel_loop3A_397 = vector.broadcast %parallel_loop3A_396 : i32 to vector<16xi32>
              %parallel_loop3A_398 = arith.addi %parallel_loop3A_397, %iota3A : vector<16xi32>
              %parallel_loop3A_399 = arith.constant 64 : i32
              %parallel_loop3A_400 = vector.broadcast %parallel_loop3A_399 : i32 to vector<16xi32>
              %parallel_loop3A_401 = arith.divsi %parallel_loop3A_398, %parallel_loop3A_400 : vector<16xi32>
              %parallel_loop3A_402 = arith.constant 0 : i32
              %parallel_loop3A_403 = vector.broadcast %parallel_loop3A_402 : i32 to vector<16xi32>
              %parallel_loop3A_404 = arith.cmpi sgt, %parallel_loop3A_398, %parallel_loop3A_403 : vector<16xi32>
              %parallel_loop3A_405 = arith.extui %parallel_loop3A_404 : vector<16xi1> to vector<16xi32>
              %parallel_loop3A_406 = arith.constant 0 : i32
              %parallel_loop3A_407 = vector.broadcast %parallel_loop3A_406 : i32 to vector<16xi32>
              %parallel_loop3A_408 = arith.cmpi slt, %parallel_loop3A_398, %parallel_loop3A_407 : vector<16xi32>
              %parallel_loop3A_409 = arith.extui %parallel_loop3A_408 : vector<16xi1> to vector<16xi32>
              %parallel_loop3A_410 = arith.subi %parallel_loop3A_405, %parallel_loop3A_409 : vector<16xi32>
              %parallel_loop3A_411 = arith.constant 0 : i32
              %parallel_loop3A_412 = arith.cmpi sgt, %parallel_loop3A_399, %parallel_loop3A_411 : i32
              %parallel_loop3A_413 = arith.extui %parallel_loop3A_412 : i1 to i32
              %parallel_loop3A_414 = arith.constant 0 : i32
              %parallel_loop3A_415 = arith.cmpi slt, %parallel_loop3A_399, %parallel_loop3A_414 : i32
              %parallel_loop3A_416 = arith.extui %parallel_loop3A_415 : i1 to i32
              %parallel_loop3A_417 = arith.subi %parallel_loop3A_413, %parallel_loop3A_416 : i32
              %parallel_loop3A_418 = vector.broadcast %parallel_loop3A_417 : i32 to vector<16xi32>
              %parallel_loop3A_419 = arith.cmpi ne, %parallel_loop3A_410, %parallel_loop3A_418 : vector<16xi32>
              %parallel_loop3A_420 = vector.broadcast %parallel_loop3A_399 : i32 to vector<16xi32>
              %parallel_loop3A_421 = arith.remsi %parallel_loop3A_398, %parallel_loop3A_420 : vector<16xi32>
              %parallel_loop3A_422 = arith.constant 0 : i32
              %parallel_loop3A_423 = vector.broadcast %parallel_loop3A_422 : i32 to vector<16xi32>
              %parallel_loop3A_424 = arith.cmpi ne, %parallel_loop3A_421, %parallel_loop3A_423 : vector<16xi32>
              %parallel_loop3A_425 = arith.andi %parallel_loop3A_419, %parallel_loop3A_424 : vector<16xi1>
              %parallel_loop3A_426 = arith.constant 1 : i32
              %parallel_loop3A_427 = vector.broadcast %parallel_loop3A_426 : i32 to vector<16xi32>
              %parallel_loop3A_428 = arith.subi %parallel_loop3A_401, %parallel_loop3A_427 : vector<16xi32>
              %parallel_loop3A_429 = arith.select %parallel_loop3A_425, %parallel_loop3A_428, %parallel_loop3A_401 : vector<16xi1>, vector<16xi32>
              %parallel_loop3A_430 = tpu.vector_load_idx %arg12[%parallel_loop3A_429] : memref<2048xf32, #tpu.memory_space<vmem>>[vector<16xi32>], vector<16xf32>,
              %parallel_loop3A_431 = arith.subf %parallel_loop3A_394, %parallel_loop3A_430 : vector<16xf32>
              %parallel_loop3A_432 = arith.index_cast %parallel_loop3A_390 : i32 to index
              %parallel_loop3A_433 = tpu.vector_load %arg14[%parallel_loop3A_432] {strides = array<i32>} : memref<8192xf32, #tpu.memory_space<vmem>>, vector<16xf32>,
              tpu.vector_store %arg14[%parallel_loop3A_432], %parallel_loop3A_431 {strides = array<i32>} : memref<8192xf32, #tpu.memory_space<vmem>>, vector<16xf32>,
            } {sc.loop_unroll_factor = 8 : i64, sc.parallel_access}
          } else {
          }
          %mul3A_278 = arith.constant 8192 : i32
          %mul3A_279 = arith.muli %add3A_262, %mul3A_278 : i32
          %add3A_280 = arith.addi %mul3A_72, %mul3A_279 : i32
          %mul3A_281 = arith.constant 131 : i32
          %mul3A_282 = arith.muli %select_n3A_54, %mul3A_281 : i32
          %add3A_283 = arith.addi %mul3A_282, %min3A_112 : i32
          %mul3A_284 = arith.constant 131072 : i32
          %mul3A_285 = arith.muli %add3A_283, %mul3A_284 : i32
          %add3A_286 = arith.addi %mul3A_285, %add3A_280 : i32
          %mul3A_287 = arith.constant 3 : i32
          %mul3A_288 = arith.muli %select_n3A_54, %mul3A_287 : i32
          %add3A_289 = arith.addi %mul3A_288, %min3A_110 : i32
          %mul3A_290 = arith.constant 131072 : i32
          %mul3A_291 = arith.muli %add3A_289, %mul3A_290 : i32
          %add3A_292 = arith.addi %mul3A_291, %add3A_280 : i32
          %not3A_293 = arith.constant true
          %not3A_294 = arith.xori %ge3A_98, %not3A_293 : i1
          %convert_element_type3A_295 = arith.extui %not3A_294 : i1 to i32
          %cond3A_296 = arith.constant 0 : i32
          %cond3A_297 = arith.cmpi ne, %convert_element_type3A_295, %cond3A_296 : i32
          scf.if %cond3A_297 {
            %dma_start3A = tpu.memref_slice %arg8[%add3A_286] : memref<68681728xf32, #tpu.memory_space<hbm>> -> memref<8192xf32, #tpu.memory_space<hbm>>
            %dma_start3A_386 = tpu.memref_slice %arg8[%add3A_286] : memref<68681728xf32, #tpu.memory_space<hbm>> -> memref<8192xf32, #tpu.memory_space<hbm>>
            tpu.enqueue_dma source(%arg14 : memref<8192xf32, #tpu.memory_space<vmem>>) target(%dma_start3A_386 : memref<8192xf32, #tpu.memory_space<hbm>>) target_semaphore(%arg18 : memref<!tpu.dma_semaphore, #tpu.memory_space<semaphore_mem>>)
          } else {
          }
          %convert_element_type3A_298 = arith.extui %ge3A_98 : i1 to i32
          %cond3A_299 = arith.constant 0 : i32
          %cond3A_300 = arith.cmpi ne, %convert_element_type3A_298, %cond3A_299 : i32
          scf.if %cond3A_300 {
            %dma_start3A = tpu.memref_slice %arg9[%add3A_292] : memref<1572864xf32, #tpu.memory_space<hbm>> -> memref<8192xf32, #tpu.memory_space<hbm>>
            %dma_start3A_386 = tpu.memref_slice %arg9[%add3A_292] : memref<1572864xf32, #tpu.memory_space<hbm>> -> memref<8192xf32, #tpu.memory_space<hbm>>
            tpu.enqueue_dma source(%arg14 : memref<8192xf32, #tpu.memory_space<vmem>>) target(%dma_start3A_386 : memref<8192xf32, #tpu.memory_space<hbm>>) target_semaphore(%arg18 : memref<!tpu.dma_semaphore, #tpu.memory_space<semaphore_mem>>)
          } else {
          }
          %mul3A_301 = arith.constant 4 : i32
          %mul3A_302 = arith.muli %scan3A_216, %mul3A_301 : i32
          %add3A_303 = arith.constant 2 : i32
          %add3A_304 = arith.addi %mul3A_302, %add3A_303 : i32
          %gt3A_305 = arith.constant 0 : i32
          %gt3A_306 = arith.cmpi sgt, %scan3A_216, %gt3A_305 : i32
          %convert_element_type3A_307 = arith.extui %gt3A_306 : i1 to i32
          %cond3A_308 = arith.constant 0 : i32
          %cond3A_309 = arith.cmpi ne, %convert_element_type3A_307, %cond3A_308 : i32
          scf.if %cond3A_309 {
            %sub3A_386 = arith.constant 4 : i32
            %sub3A_387 = arith.subi %add3A_304, %sub3A_386 : i32
            %mul3A_388 = arith.constant 8192 : i32
            %mul3A_389 = arith.muli %sub3A_387, %mul3A_388 : i32
            %add3A_390 = arith.addi %mul3A_72, %mul3A_389 : i32
            %mul3A_391 = arith.constant 131 : i32
            %mul3A_392 = arith.muli %select_n3A_54, %mul3A_391 : i32
            %add3A_393 = arith.addi %mul3A_392, %min3A_112 : i32
            %mul3A_394 = arith.constant 131072 : i32
            %mul3A_395 = arith.muli %add3A_393, %mul3A_394 : i32
            %add3A_396 = arith.addi %mul3A_395, %add3A_390 : i32
            %mul3A_397 = arith.constant 3 : i32
            %mul3A_398 = arith.muli %select_n3A_54, %mul3A_397 : i32
            %add3A_399 = arith.addi %mul3A_398, %min3A_110 : i32
            %mul3A_400 = arith.constant 131072 : i32
            %mul3A_401 = arith.muli %add3A_399, %mul3A_400 : i32
            %add3A_402 = arith.addi %mul3A_401, %add3A_390 : i32
            %not3A_403 = arith.constant true
            %not3A_404 = arith.xori %ge3A_98, %not3A_403 : i1
            %convert_element_type3A_405 = arith.extui %not3A_404 : i1 to i32
            %cond3A_406 = arith.constant 0 : i32
            %cond3A_407 = arith.cmpi ne, %convert_element_type3A_405, %cond3A_406 : i32
            scf.if %cond3A_407 {
              %dma_wait3A = tpu.memref_slice %arg8[%add3A_396] : memref<68681728xf32, #tpu.memory_space<hbm>> -> memref<8192xf32, #tpu.memory_space<hbm>>
              %dma_wait3A_411 = tpu.memref_slice %arg8[%add3A_396] : memref<68681728xf32, #tpu.memory_space<hbm>> -> memref<8192xf32, #tpu.memory_space<hbm>>
              tpu.wait_dma2 semaphore(%arg19 : memref<!tpu.dma_semaphore, #tpu.memory_space<semaphore_mem>>) src(%arg15 : memref<8192xf32, #tpu.memory_space<vmem>>) dst(%dma_wait3A_411 : memref<8192xf32, #tpu.memory_space<hbm>>)
            } else {
            }
            %convert_element_type3A_408 = arith.extui %ge3A_98 : i1 to i32
            %cond3A_409 = arith.constant 0 : i32
            %cond3A_410 = arith.cmpi ne, %convert_element_type3A_408, %cond3A_409 : i32
            scf.if %cond3A_410 {
              %dma_wait3A = tpu.memref_slice %arg9[%add3A_402] : memref<1572864xf32, #tpu.memory_space<hbm>> -> memref<8192xf32, #tpu.memory_space<hbm>>
              %dma_wait3A_411 = tpu.memref_slice %arg9[%add3A_402] : memref<1572864xf32, #tpu.memory_space<hbm>> -> memref<8192xf32, #tpu.memory_space<hbm>>
              tpu.wait_dma2 semaphore(%arg19 : memref<!tpu.dma_semaphore, #tpu.memory_space<semaphore_mem>>) src(%arg15 : memref<8192xf32, #tpu.memory_space<vmem>>) dst(%dma_wait3A_411 : memref<8192xf32, #tpu.memory_space<hbm>>)
            } else {
            }
          } else {
          }
          %mul3A_310 = arith.constant 8192 : i32
          %mul3A_311 = arith.muli %add3A_304, %mul3A_310 : i32
          %convert_element_type3A_312 = arith.extui %lt3A_92 : i1 to i32
          %cond3A_313 = arith.constant 0 : i32
          %cond3A_314 = arith.cmpi ne, %convert_element_type3A_312, %cond3A_313 : i32
          scf.if %cond3A_314 {
            %parallel_loop3A = arith.constant 0 : i32
            %parallel_loop3A_386 = arith.constant 512 : i32
            %parallel_loop3A_387 = arith.constant 1 : i32
            scf.for %parallel_loop3A_388 = %parallel_loop3A to %parallel_loop3A_386 step %parallel_loop3A_387  : i32 {
              %parallel_loop3A_389 = arith.constant 16 : i32
              %parallel_loop3A_390 = arith.muli %parallel_loop3A_388, %parallel_loop3A_389 : i32
              %parallel_loop3A_391 = arith.addi %mul3A_311, %parallel_loop3A_390 : i32
              %parallel_loop3A_392 = arith.index_cast %parallel_loop3A_391 : i32 to index
              %parallel_loop3A_393 = tpu.vector_load %arg10[%parallel_loop3A_392] {strides = array<i32>} : memref<65536xi32, #tpu.memory_space<vmem>>, vector<16xi32>,
              %parallel_loop3A_394 = tpu.vector_load_idx %arg11[%parallel_loop3A_393] : memref<8192xf32, #tpu.memory_space<vmem>>[vector<16xi32>], vector<16xf32>,
              %parallel_loop3A_395 = arith.index_cast %parallel_loop3A_390 : i32 to index
              %parallel_loop3A_396 = tpu.vector_load %arg15[%parallel_loop3A_395] {strides = array<i32>} : memref<8192xf32, #tpu.memory_space<vmem>>, vector<16xf32>,
              tpu.vector_store %arg15[%parallel_loop3A_395], %parallel_loop3A_394 {strides = array<i32>} : memref<8192xf32, #tpu.memory_space<vmem>>, vector<16xf32>,
            } {sc.loop_unroll_factor = 8 : i64, sc.parallel_access}
          } else {
          }
          %not3A_315 = arith.constant true
          %not3A_316 = arith.xori %lt3A_92, %not3A_315 : i1
          %convert_element_type3A_317 = arith.extui %not3A_316 : i1 to i32
          %cond3A_318 = arith.constant 0 : i32
          %cond3A_319 = arith.cmpi ne, %convert_element_type3A_317, %cond3A_318 : i32
          scf.if %cond3A_319 {
            %parallel_loop3A = arith.constant 0 : i32
            %parallel_loop3A_386 = arith.constant 512 : i32
            %parallel_loop3A_387 = arith.constant 1 : i32
            scf.for %parallel_loop3A_388 = %parallel_loop3A to %parallel_loop3A_386 step %parallel_loop3A_387  : i32 {
              %parallel_loop3A_389 = arith.constant 16 : i32
              %parallel_loop3A_390 = arith.muli %parallel_loop3A_388, %parallel_loop3A_389 : i32
              %parallel_loop3A_391 = arith.addi %mul3A_311, %parallel_loop3A_390 : i32
              %parallel_loop3A_392 = arith.index_cast %parallel_loop3A_391 : i32 to index
              %parallel_loop3A_393 = tpu.vector_load %arg10[%parallel_loop3A_392] {strides = array<i32>} : memref<65536xi32, #tpu.memory_space<vmem>>, vector<16xi32>,
              %parallel_loop3A_394 = tpu.vector_load_idx %arg11[%parallel_loop3A_393] : memref<8192xf32, #tpu.memory_space<vmem>>[vector<16xi32>], vector<16xf32>,
              %parallel_loop3A_395 = arith.addi %mul3A_72, %mul3A_311 : i32
              %parallel_loop3A_396 = arith.addi %parallel_loop3A_395, %parallel_loop3A_390 : i32
              %parallel_loop3A_397 = vector.broadcast %parallel_loop3A_396 : i32 to vector<16xi32>
              %parallel_loop3A_398 = arith.addi %parallel_loop3A_397, %iota3A : vector<16xi32>
              %parallel_loop3A_399 = arith.constant 64 : i32
              %parallel_loop3A_400 = vector.broadcast %parallel_loop3A_399 : i32 to vector<16xi32>
              %parallel_loop3A_401 = arith.divsi %parallel_loop3A_398, %parallel_loop3A_400 : vector<16xi32>
              %parallel_loop3A_402 = arith.constant 0 : i32
              %parallel_loop3A_403 = vector.broadcast %parallel_loop3A_402 : i32 to vector<16xi32>
              %parallel_loop3A_404 = arith.cmpi sgt, %parallel_loop3A_398, %parallel_loop3A_403 : vector<16xi32>
              %parallel_loop3A_405 = arith.extui %parallel_loop3A_404 : vector<16xi1> to vector<16xi32>
              %parallel_loop3A_406 = arith.constant 0 : i32
              %parallel_loop3A_407 = vector.broadcast %parallel_loop3A_406 : i32 to vector<16xi32>
              %parallel_loop3A_408 = arith.cmpi slt, %parallel_loop3A_398, %parallel_loop3A_407 : vector<16xi32>
              %parallel_loop3A_409 = arith.extui %parallel_loop3A_408 : vector<16xi1> to vector<16xi32>
              %parallel_loop3A_410 = arith.subi %parallel_loop3A_405, %parallel_loop3A_409 : vector<16xi32>
              %parallel_loop3A_411 = arith.constant 0 : i32
              %parallel_loop3A_412 = arith.cmpi sgt, %parallel_loop3A_399, %parallel_loop3A_411 : i32
              %parallel_loop3A_413 = arith.extui %parallel_loop3A_412 : i1 to i32
              %parallel_loop3A_414 = arith.constant 0 : i32
              %parallel_loop3A_415 = arith.cmpi slt, %parallel_loop3A_399, %parallel_loop3A_414 : i32
              %parallel_loop3A_416 = arith.extui %parallel_loop3A_415 : i1 to i32
              %parallel_loop3A_417 = arith.subi %parallel_loop3A_413, %parallel_loop3A_416 : i32
              %parallel_loop3A_418 = vector.broadcast %parallel_loop3A_417 : i32 to vector<16xi32>
              %parallel_loop3A_419 = arith.cmpi ne, %parallel_loop3A_410, %parallel_loop3A_418 : vector<16xi32>
              %parallel_loop3A_420 = vector.broadcast %parallel_loop3A_399 : i32 to vector<16xi32>
              %parallel_loop3A_421 = arith.remsi %parallel_loop3A_398, %parallel_loop3A_420 : vector<16xi32>
              %parallel_loop3A_422 = arith.constant 0 : i32
              %parallel_loop3A_423 = vector.broadcast %parallel_loop3A_422 : i32 to vector<16xi32>
              %parallel_loop3A_424 = arith.cmpi ne, %parallel_loop3A_421, %parallel_loop3A_423 : vector<16xi32>
              %parallel_loop3A_425 = arith.andi %parallel_loop3A_419, %parallel_loop3A_424 : vector<16xi1>
              %parallel_loop3A_426 = arith.constant 1 : i32
              %parallel_loop3A_427 = vector.broadcast %parallel_loop3A_426 : i32 to vector<16xi32>
              %parallel_loop3A_428 = arith.subi %parallel_loop3A_401, %parallel_loop3A_427 : vector<16xi32>
              %parallel_loop3A_429 = arith.select %parallel_loop3A_425, %parallel_loop3A_428, %parallel_loop3A_401 : vector<16xi1>, vector<16xi32>
              %parallel_loop3A_430 = tpu.vector_load_idx %arg12[%parallel_loop3A_429] : memref<2048xf32, #tpu.memory_space<vmem>>[vector<16xi32>], vector<16xf32>,
              %parallel_loop3A_431 = arith.subf %parallel_loop3A_394, %parallel_loop3A_430 : vector<16xf32>
              %parallel_loop3A_432 = arith.index_cast %parallel_loop3A_390 : i32 to index
              %parallel_loop3A_433 = tpu.vector_load %arg15[%parallel_loop3A_432] {strides = array<i32>} : memref<8192xf32, #tpu.memory_space<vmem>>, vector<16xf32>,
              tpu.vector_store %arg15[%parallel_loop3A_432], %parallel_loop3A_431 {strides = array<i32>} : memref<8192xf32, #tpu.memory_space<vmem>>, vector<16xf32>,
            } {sc.loop_unroll_factor = 8 : i64, sc.parallel_access}
          } else {
          }
          %mul3A_320 = arith.constant 8192 : i32
          %mul3A_321 = arith.muli %add3A_304, %mul3A_320 : i32
          %add3A_322 = arith.addi %mul3A_72, %mul3A_321 : i32
          %mul3A_323 = arith.constant 131 : i32
          %mul3A_324 = arith.muli %select_n3A_54, %mul3A_323 : i32
          %add3A_325 = arith.addi %mul3A_324, %min3A_112 : i32
          %mul3A_326 = arith.constant 131072 : i32
          %mul3A_327 = arith.muli %add3A_325, %mul3A_326 : i32
          %add3A_328 = arith.addi %mul3A_327, %add3A_322 : i32
          %mul3A_329 = arith.constant 3 : i32
          %mul3A_330 = arith.muli %select_n3A_54, %mul3A_329 : i32
          %add3A_331 = arith.addi %mul3A_330, %min3A_110 : i32
          %mul3A_332 = arith.constant 131072 : i32
          %mul3A_333 = arith.muli %add3A_331, %mul3A_332 : i32
          %add3A_334 = arith.addi %mul3A_333, %add3A_322 : i32
          %not3A_335 = arith.constant true
          %not3A_336 = arith.xori %ge3A_98, %not3A_335 : i1
          %convert_element_type3A_337 = arith.extui %not3A_336 : i1 to i32
          %cond3A_338 = arith.constant 0 : i32
          %cond3A_339 = arith.cmpi ne, %convert_element_type3A_337, %cond3A_338 : i32
          scf.if %cond3A_339 {
            %dma_start3A = tpu.memref_slice %arg8[%add3A_328] : memref<68681728xf32, #tpu.memory_space<hbm>> -> memref<8192xf32, #tpu.memory_space<hbm>>
            %dma_start3A_386 = tpu.memref_slice %arg8[%add3A_328] : memref<68681728xf32, #tpu.memory_space<hbm>> -> memref<8192xf32, #tpu.memory_space<hbm>>
            tpu.enqueue_dma source(%arg15 : memref<8192xf32, #tpu.memory_space<vmem>>) target(%dma_start3A_386 : memref<8192xf32, #tpu.memory_space<hbm>>) target_semaphore(%arg19 : memref<!tpu.dma_semaphore, #tpu.memory_space<semaphore_mem>>)
          } else {
          }
          %convert_element_type3A_340 = arith.extui %ge3A_98 : i1 to i32
          %cond3A_341 = arith.constant 0 : i32
          %cond3A_342 = arith.cmpi ne, %convert_element_type3A_340, %cond3A_341 : i32
          scf.if %cond3A_342 {
            %dma_start3A = tpu.memref_slice %arg9[%add3A_334] : memref<1572864xf32, #tpu.memory_space<hbm>> -> memref<8192xf32, #tpu.memory_space<hbm>>
            %dma_start3A_386 = tpu.memref_slice %arg9[%add3A_334] : memref<1572864xf32, #tpu.memory_space<hbm>> -> memref<8192xf32, #tpu.memory_space<hbm>>
            tpu.enqueue_dma source(%arg15 : memref<8192xf32, #tpu.memory_space<vmem>>) target(%dma_start3A_386 : memref<8192xf32, #tpu.memory_space<hbm>>) target_semaphore(%arg19 : memref<!tpu.dma_semaphore, #tpu.memory_space<semaphore_mem>>)
          } else {
          }
          %mul3A_343 = arith.constant 4 : i32
          %mul3A_344 = arith.muli %scan3A_216, %mul3A_343 : i32
          %add3A_345 = arith.constant 3 : i32
          %add3A_346 = arith.addi %mul3A_344, %add3A_345 : i32
          %gt3A_347 = arith.constant 0 : i32
          %gt3A_348 = arith.cmpi sgt, %scan3A_216, %gt3A_347 : i32
          %convert_element_type3A_349 = arith.extui %gt3A_348 : i1 to i32
          %cond3A_350 = arith.constant 0 : i32
          %cond3A_351 = arith.cmpi ne, %convert_element_type3A_349, %cond3A_350 : i32
          scf.if %cond3A_351 {
            %sub3A_386 = arith.constant 4 : i32
            %sub3A_387 = arith.subi %add3A_346, %sub3A_386 : i32
            %mul3A_388 = arith.constant 8192 : i32
            %mul3A_389 = arith.muli %sub3A_387, %mul3A_388 : i32
            %add3A_390 = arith.addi %mul3A_72, %mul3A_389 : i32
            %mul3A_391 = arith.constant 131 : i32
            %mul3A_392 = arith.muli %select_n3A_54, %mul3A_391 : i32
            %add3A_393 = arith.addi %mul3A_392, %min3A_112 : i32
            %mul3A_394 = arith.constant 131072 : i32
            %mul3A_395 = arith.muli %add3A_393, %mul3A_394 : i32
            %add3A_396 = arith.addi %mul3A_395, %add3A_390 : i32
            %mul3A_397 = arith.constant 3 : i32
            %mul3A_398 = arith.muli %select_n3A_54, %mul3A_397 : i32
            %add3A_399 = arith.addi %mul3A_398, %min3A_110 : i32
            %mul3A_400 = arith.constant 131072 : i32
            %mul3A_401 = arith.muli %add3A_399, %mul3A_400 : i32
            %add3A_402 = arith.addi %mul3A_401, %add3A_390 : i32
            %not3A_403 = arith.constant true
            %not3A_404 = arith.xori %ge3A_98, %not3A_403 : i1
            %convert_element_type3A_405 = arith.extui %not3A_404 : i1 to i32
            %cond3A_406 = arith.constant 0 : i32
            %cond3A_407 = arith.cmpi ne, %convert_element_type3A_405, %cond3A_406 : i32
            scf.if %cond3A_407 {
              %dma_wait3A = tpu.memref_slice %arg8[%add3A_396] : memref<68681728xf32, #tpu.memory_space<hbm>> -> memref<8192xf32, #tpu.memory_space<hbm>>
              %dma_wait3A_411 = tpu.memref_slice %arg8[%add3A_396] : memref<68681728xf32, #tpu.memory_space<hbm>> -> memref<8192xf32, #tpu.memory_space<hbm>>
              tpu.wait_dma2 semaphore(%arg20 : memref<!tpu.dma_semaphore, #tpu.memory_space<semaphore_mem>>) src(%arg16 : memref<8192xf32, #tpu.memory_space<vmem>>) dst(%dma_wait3A_411 : memref<8192xf32, #tpu.memory_space<hbm>>)
            } else {
            }
            %convert_element_type3A_408 = arith.extui %ge3A_98 : i1 to i32
            %cond3A_409 = arith.constant 0 : i32
            %cond3A_410 = arith.cmpi ne, %convert_element_type3A_408, %cond3A_409 : i32
            scf.if %cond3A_410 {
              %dma_wait3A = tpu.memref_slice %arg9[%add3A_402] : memref<1572864xf32, #tpu.memory_space<hbm>> -> memref<8192xf32, #tpu.memory_space<hbm>>
              %dma_wait3A_411 = tpu.memref_slice %arg9[%add3A_402] : memref<1572864xf32, #tpu.memory_space<hbm>> -> memref<8192xf32, #tpu.memory_space<hbm>>
              tpu.wait_dma2 semaphore(%arg20 : memref<!tpu.dma_semaphore, #tpu.memory_space<semaphore_mem>>) src(%arg16 : memref<8192xf32, #tpu.memory_space<vmem>>) dst(%dma_wait3A_411 : memref<8192xf32, #tpu.memory_space<hbm>>)
            } else {
            }
          } else {
          }
          %mul3A_352 = arith.constant 8192 : i32
          %mul3A_353 = arith.muli %add3A_346, %mul3A_352 : i32
          %convert_element_type3A_354 = arith.extui %lt3A_92 : i1 to i32
          %cond3A_355 = arith.constant 0 : i32
          %cond3A_356 = arith.cmpi ne, %convert_element_type3A_354, %cond3A_355 : i32
          scf.if %cond3A_356 {
            %parallel_loop3A = arith.constant 0 : i32
            %parallel_loop3A_386 = arith.constant 512 : i32
            %parallel_loop3A_387 = arith.constant 1 : i32
            scf.for %parallel_loop3A_388 = %parallel_loop3A to %parallel_loop3A_386 step %parallel_loop3A_387  : i32 {
              %parallel_loop3A_389 = arith.constant 16 : i32
              %parallel_loop3A_390 = arith.muli %parallel_loop3A_388, %parallel_loop3A_389 : i32
              %parallel_loop3A_391 = arith.addi %mul3A_353, %parallel_loop3A_390 : i32
              %parallel_loop3A_392 = arith.index_cast %parallel_loop3A_391 : i32 to index
              %parallel_loop3A_393 = tpu.vector_load %arg10[%parallel_loop3A_392] {strides = array<i32>} : memref<65536xi32, #tpu.memory_space<vmem>>, vector<16xi32>,
              %parallel_loop3A_394 = tpu.vector_load_idx %arg11[%parallel_loop3A_393] : memref<8192xf32, #tpu.memory_space<vmem>>[vector<16xi32>], vector<16xf32>,
              %parallel_loop3A_395 = arith.index_cast %parallel_loop3A_390 : i32 to index
              %parallel_loop3A_396 = tpu.vector_load %arg16[%parallel_loop3A_395] {strides = array<i32>} : memref<8192xf32, #tpu.memory_space<vmem>>, vector<16xf32>,
              tpu.vector_store %arg16[%parallel_loop3A_395], %parallel_loop3A_394 {strides = array<i32>} : memref<8192xf32, #tpu.memory_space<vmem>>, vector<16xf32>,
            } {sc.loop_unroll_factor = 8 : i64, sc.parallel_access}
          } else {
          }
          %not3A_357 = arith.constant true
          %not3A_358 = arith.xori %lt3A_92, %not3A_357 : i1
          %convert_element_type3A_359 = arith.extui %not3A_358 : i1 to i32
          %cond3A_360 = arith.constant 0 : i32
          %cond3A_361 = arith.cmpi ne, %convert_element_type3A_359, %cond3A_360 : i32
          scf.if %cond3A_361 {
            %parallel_loop3A = arith.constant 0 : i32
            %parallel_loop3A_386 = arith.constant 512 : i32
            %parallel_loop3A_387 = arith.constant 1 : i32
            scf.for %parallel_loop3A_388 = %parallel_loop3A to %parallel_loop3A_386 step %parallel_loop3A_387  : i32 {
              %parallel_loop3A_389 = arith.constant 16 : i32
              %parallel_loop3A_390 = arith.muli %parallel_loop3A_388, %parallel_loop3A_389 : i32
              %parallel_loop3A_391 = arith.addi %mul3A_353, %parallel_loop3A_390 : i32
              %parallel_loop3A_392 = arith.index_cast %parallel_loop3A_391 : i32 to index
              %parallel_loop3A_393 = tpu.vector_load %arg10[%parallel_loop3A_392] {strides = array<i32>} : memref<65536xi32, #tpu.memory_space<vmem>>, vector<16xi32>,
              %parallel_loop3A_394 = tpu.vector_load_idx %arg11[%parallel_loop3A_393] : memref<8192xf32, #tpu.memory_space<vmem>>[vector<16xi32>], vector<16xf32>,
              %parallel_loop3A_395 = arith.addi %mul3A_72, %mul3A_353 : i32
              %parallel_loop3A_396 = arith.addi %parallel_loop3A_395, %parallel_loop3A_390 : i32
              %parallel_loop3A_397 = vector.broadcast %parallel_loop3A_396 : i32 to vector<16xi32>
              %parallel_loop3A_398 = arith.addi %parallel_loop3A_397, %iota3A : vector<16xi32>
              %parallel_loop3A_399 = arith.constant 64 : i32
              %parallel_loop3A_400 = vector.broadcast %parallel_loop3A_399 : i32 to vector<16xi32>
              %parallel_loop3A_401 = arith.divsi %parallel_loop3A_398, %parallel_loop3A_400 : vector<16xi32>
              %parallel_loop3A_402 = arith.constant 0 : i32
              %parallel_loop3A_403 = vector.broadcast %parallel_loop3A_402 : i32 to vector<16xi32>
              %parallel_loop3A_404 = arith.cmpi sgt, %parallel_loop3A_398, %parallel_loop3A_403 : vector<16xi32>
              %parallel_loop3A_405 = arith.extui %parallel_loop3A_404 : vector<16xi1> to vector<16xi32>
              %parallel_loop3A_406 = arith.constant 0 : i32
              %parallel_loop3A_407 = vector.broadcast %parallel_loop3A_406 : i32 to vector<16xi32>
              %parallel_loop3A_408 = arith.cmpi slt, %parallel_loop3A_398, %parallel_loop3A_407 : vector<16xi32>
              %parallel_loop3A_409 = arith.extui %parallel_loop3A_408 : vector<16xi1> to vector<16xi32>
              %parallel_loop3A_410 = arith.subi %parallel_loop3A_405, %parallel_loop3A_409 : vector<16xi32>
              %parallel_loop3A_411 = arith.constant 0 : i32
              %parallel_loop3A_412 = arith.cmpi sgt, %parallel_loop3A_399, %parallel_loop3A_411 : i32
              %parallel_loop3A_413 = arith.extui %parallel_loop3A_412 : i1 to i32
              %parallel_loop3A_414 = arith.constant 0 : i32
              %parallel_loop3A_415 = arith.cmpi slt, %parallel_loop3A_399, %parallel_loop3A_414 : i32
              %parallel_loop3A_416 = arith.extui %parallel_loop3A_415 : i1 to i32
              %parallel_loop3A_417 = arith.subi %parallel_loop3A_413, %parallel_loop3A_416 : i32
              %parallel_loop3A_418 = vector.broadcast %parallel_loop3A_417 : i32 to vector<16xi32>
              %parallel_loop3A_419 = arith.cmpi ne, %parallel_loop3A_410, %parallel_loop3A_418 : vector<16xi32>
              %parallel_loop3A_420 = vector.broadcast %parallel_loop3A_399 : i32 to vector<16xi32>
              %parallel_loop3A_421 = arith.remsi %parallel_loop3A_398, %parallel_loop3A_420 : vector<16xi32>
              %parallel_loop3A_422 = arith.constant 0 : i32
              %parallel_loop3A_423 = vector.broadcast %parallel_loop3A_422 : i32 to vector<16xi32>
              %parallel_loop3A_424 = arith.cmpi ne, %parallel_loop3A_421, %parallel_loop3A_423 : vector<16xi32>
              %parallel_loop3A_425 = arith.andi %parallel_loop3A_419, %parallel_loop3A_424 : vector<16xi1>
              %parallel_loop3A_426 = arith.constant 1 : i32
              %parallel_loop3A_427 = vector.broadcast %parallel_loop3A_426 : i32 to vector<16xi32>
              %parallel_loop3A_428 = arith.subi %parallel_loop3A_401, %parallel_loop3A_427 : vector<16xi32>
              %parallel_loop3A_429 = arith.select %parallel_loop3A_425, %parallel_loop3A_428, %parallel_loop3A_401 : vector<16xi1>, vector<16xi32>
              %parallel_loop3A_430 = tpu.vector_load_idx %arg12[%parallel_loop3A_429] : memref<2048xf32, #tpu.memory_space<vmem>>[vector<16xi32>], vector<16xf32>,
              %parallel_loop3A_431 = arith.subf %parallel_loop3A_394, %parallel_loop3A_430 : vector<16xf32>
              %parallel_loop3A_432 = arith.index_cast %parallel_loop3A_390 : i32 to index
              %parallel_loop3A_433 = tpu.vector_load %arg16[%parallel_loop3A_432] {strides = array<i32>} : memref<8192xf32, #tpu.memory_space<vmem>>, vector<16xf32>,
              tpu.vector_store %arg16[%parallel_loop3A_432], %parallel_loop3A_431 {strides = array<i32>} : memref<8192xf32, #tpu.memory_space<vmem>>, vector<16xf32>,
            } {sc.loop_unroll_factor = 8 : i64, sc.parallel_access}
          } else {
          }
          %mul3A_362 = arith.constant 8192 : i32
          %mul3A_363 = arith.muli %add3A_346, %mul3A_362 : i32
          %add3A_364 = arith.addi %mul3A_72, %mul3A_363 : i32
          %mul3A_365 = arith.constant 131 : i32
          %mul3A_366 = arith.muli %select_n3A_54, %mul3A_365 : i32
          %add3A_367 = arith.addi %mul3A_366, %min3A_112 : i32
          %mul3A_368 = arith.constant 131072 : i32
          %mul3A_369 = arith.muli %add3A_367, %mul3A_368 : i32
          %add3A_370 = arith.addi %mul3A_369, %add3A_364 : i32
          %mul3A_371 = arith.constant 3 : i32
          %mul3A_372 = arith.muli %select_n3A_54, %mul3A_371 : i32
          %add3A_373 = arith.addi %mul3A_372, %min3A_110 : i32
          %mul3A_374 = arith.constant 131072 : i32
          %mul3A_375 = arith.muli %add3A_373, %mul3A_374 : i32
          %add3A_376 = arith.addi %mul3A_375, %add3A_364 : i32
          %not3A_377 = arith.constant true
          %not3A_378 = arith.xori %ge3A_98, %not3A_377 : i1
          %convert_element_type3A_379 = arith.extui %not3A_378 : i1 to i32
          %cond3A_380 = arith.constant 0 : i32
          %cond3A_381 = arith.cmpi ne, %convert_element_type3A_379, %cond3A_380 : i32
          scf.if %cond3A_381 {
            %dma_start3A = tpu.memref_slice %arg8[%add3A_370] : memref<68681728xf32, #tpu.memory_space<hbm>> -> memref<8192xf32, #tpu.memory_space<hbm>>
            %dma_start3A_386 = tpu.memref_slice %arg8[%add3A_370] : memref<68681728xf32, #tpu.memory_space<hbm>> -> memref<8192xf32, #tpu.memory_space<hbm>>
            tpu.enqueue_dma source(%arg16 : memref<8192xf32, #tpu.memory_space<vmem>>) target(%dma_start3A_386 : memref<8192xf32, #tpu.memory_space<hbm>>) target_semaphore(%arg20 : memref<!tpu.dma_semaphore, #tpu.memory_space<semaphore_mem>>)
          } else {
          }
          %convert_element_type3A_382 = arith.extui %ge3A_98 : i1 to i32
          %cond3A_383 = arith.constant 0 : i32
          %cond3A_384 = arith.cmpi ne, %convert_element_type3A_382, %cond3A_383 : i32
          scf.if %cond3A_384 {
            %dma_start3A = tpu.memref_slice %arg9[%add3A_376] : memref<1572864xf32, #tpu.memory_space<hbm>> -> memref<8192xf32, #tpu.memory_space<hbm>>
            %dma_start3A_386 = tpu.memref_slice %arg9[%add3A_376] : memref<1572864xf32, #tpu.memory_space<hbm>> -> memref<8192xf32, #tpu.memory_space<hbm>>
            tpu.enqueue_dma source(%arg16 : memref<8192xf32, #tpu.memory_space<vmem>>) target(%dma_start3A_386 : memref<8192xf32, #tpu.memory_space<hbm>>) target_semaphore(%arg20 : memref<!tpu.dma_semaphore, #tpu.memory_space<semaphore_mem>>)
          } else {
          }
          %scan3A_385 = arith.constant 0 : i32
          scf.yield %scan3A_385 : i32
        }
        %scan3A_128 = arith.constant 2 : i32
        %add3A_129 = arith.constant 32768 : i32
        %add3A_130 = arith.addi %mul3A_72, %add3A_129 : i32
        %mul3A_131 = arith.constant 131 : i32
        %mul3A_132 = arith.muli %select_n3A_54, %mul3A_131 : i32
        %add3A_133 = arith.addi %mul3A_132, %min3A_112 : i32
        %mul3A_134 = arith.constant 131072 : i32
        %mul3A_135 = arith.muli %add3A_133, %mul3A_134 : i32
        %add3A_136 = arith.addi %mul3A_135, %add3A_130 : i32
        %mul3A_137 = arith.constant 3 : i32
        %mul3A_138 = arith.muli %select_n3A_54, %mul3A_137 : i32
        %add3A_139 = arith.addi %mul3A_138, %min3A_110 : i32
        %mul3A_140 = arith.constant 131072 : i32
        %mul3A_141 = arith.muli %add3A_139, %mul3A_140 : i32
        %add3A_142 = arith.addi %mul3A_141, %add3A_130 : i32
        %not3A = arith.constant true
        %not3A_143 = arith.xori %ge3A_98, %not3A : i1
        %convert_element_type3A_144 = arith.extui %not3A_143 : i1 to i32
        %cond3A_145 = arith.constant 0 : i32
        %cond3A_146 = arith.cmpi ne, %convert_element_type3A_144, %cond3A_145 : i32
        scf.if %cond3A_146 {
          %dma_wait3A = tpu.memref_slice %arg8[%add3A_136] : memref<68681728xf32, #tpu.memory_space<hbm>> -> memref<8192xf32, #tpu.memory_space<hbm>>
          %dma_wait3A_216 = tpu.memref_slice %arg8[%add3A_136] : memref<68681728xf32, #tpu.memory_space<hbm>> -> memref<8192xf32, #tpu.memory_space<hbm>>
          tpu.wait_dma2 semaphore(%arg17 : memref<!tpu.dma_semaphore, #tpu.memory_space<semaphore_mem>>) src(%arg13 : memref<8192xf32, #tpu.memory_space<vmem>>) dst(%dma_wait3A_216 : memref<8192xf32, #tpu.memory_space<hbm>>)
        } else {
        }
        %convert_element_type3A_147 = arith.extui %ge3A_98 : i1 to i32
        %cond3A_148 = arith.constant 0 : i32
        %cond3A_149 = arith.cmpi ne, %convert_element_type3A_147, %cond3A_148 : i32
        scf.if %cond3A_149 {
          %dma_wait3A = tpu.memref_slice %arg9[%add3A_142] : memref<1572864xf32, #tpu.memory_space<hbm>> -> memref<8192xf32, #tpu.memory_space<hbm>>
          %dma_wait3A_216 = tpu.memref_slice %arg9[%add3A_142] : memref<1572864xf32, #tpu.memory_space<hbm>> -> memref<8192xf32, #tpu.memory_space<hbm>>
          tpu.wait_dma2 semaphore(%arg17 : memref<!tpu.dma_semaphore, #tpu.memory_space<semaphore_mem>>) src(%arg13 : memref<8192xf32, #tpu.memory_space<vmem>>) dst(%dma_wait3A_216 : memref<8192xf32, #tpu.memory_space<hbm>>)
        } else {
        }
        %add3A_150 = arith.constant 40960 : i32
        %add3A_151 = arith.addi %mul3A_72, %add3A_150 : i32
        %mul3A_152 = arith.constant 131 : i32
        %mul3A_153 = arith.muli %select_n3A_54, %mul3A_152 : i32
        %add3A_154 = arith.addi %mul3A_153, %min3A_112 : i32
        %mul3A_155 = arith.constant 131072 : i32
        %mul3A_156 = arith.muli %add3A_154, %mul3A_155 : i32
        %add3A_157 = arith.addi %mul3A_156, %add3A_151 : i32
        %mul3A_158 = arith.constant 3 : i32
        %mul3A_159 = arith.muli %select_n3A_54, %mul3A_158 : i32
        %add3A_160 = arith.addi %mul3A_159, %min3A_110 : i32
        %mul3A_161 = arith.constant 131072 : i32
        %mul3A_162 = arith.muli %add3A_160, %mul3A_161 : i32
        %add3A_163 = arith.addi %mul3A_162, %add3A_151 : i32
        %not3A_164 = arith.constant true
        %not3A_165 = arith.xori %ge3A_98, %not3A_164 : i1
        %convert_element_type3A_166 = arith.extui %not3A_165 : i1 to i32
        %cond3A_167 = arith.constant 0 : i32
        %cond3A_168 = arith.cmpi ne, %convert_element_type3A_166, %cond3A_167 : i32
        scf.if %cond3A_168 {
          %dma_wait3A = tpu.memref_slice %arg8[%add3A_157] : memref<68681728xf32, #tpu.memory_space<hbm>> -> memref<8192xf32, #tpu.memory_space<hbm>>
          %dma_wait3A_216 = tpu.memref_slice %arg8[%add3A_157] : memref<68681728xf32, #tpu.memory_space<hbm>> -> memref<8192xf32, #tpu.memory_space<hbm>>
          tpu.wait_dma2 semaphore(%arg18 : memref<!tpu.dma_semaphore, #tpu.memory_space<semaphore_mem>>) src(%arg14 : memref<8192xf32, #tpu.memory_space<vmem>>) dst(%dma_wait3A_216 : memref<8192xf32, #tpu.memory_space<hbm>>)
        } else {
        }
        %convert_element_type3A_169 = arith.extui %ge3A_98 : i1 to i32
        %cond3A_170 = arith.constant 0 : i32
        %cond3A_171 = arith.cmpi ne, %convert_element_type3A_169, %cond3A_170 : i32
        scf.if %cond3A_171 {
          %dma_wait3A = tpu.memref_slice %arg9[%add3A_163] : memref<1572864xf32, #tpu.memory_space<hbm>> -> memref<8192xf32, #tpu.memory_space<hbm>>
          %dma_wait3A_216 = tpu.memref_slice %arg9[%add3A_163] : memref<1572864xf32, #tpu.memory_space<hbm>> -> memref<8192xf32, #tpu.memory_space<hbm>>
          tpu.wait_dma2 semaphore(%arg18 : memref<!tpu.dma_semaphore, #tpu.memory_space<semaphore_mem>>) src(%arg14 : memref<8192xf32, #tpu.memory_space<vmem>>) dst(%dma_wait3A_216 : memref<8192xf32, #tpu.memory_space<hbm>>)
        } else {
        }
        %add3A_172 = arith.constant 49152 : i32
        %add3A_173 = arith.addi %mul3A_72, %add3A_172 : i32
        %mul3A_174 = arith.constant 131 : i32
        %mul3A_175 = arith.muli %select_n3A_54, %mul3A_174 : i32
        %add3A_176 = arith.addi %mul3A_175, %min3A_112 : i32
        %mul3A_177 = arith.constant 131072 : i32
        %mul3A_178 = arith.muli %add3A_176, %mul3A_177 : i32
        %add3A_179 = arith.addi %mul3A_178, %add3A_173 : i32
        %mul3A_180 = arith.constant 3 : i32
        %mul3A_181 = arith.muli %select_n3A_54, %mul3A_180 : i32
        %add3A_182 = arith.addi %mul3A_181, %min3A_110 : i32
        %mul3A_183 = arith.constant 131072 : i32
        %mul3A_184 = arith.muli %add3A_182, %mul3A_183 : i32
        %add3A_185 = arith.addi %mul3A_184, %add3A_173 : i32
        %not3A_186 = arith.constant true
        %not3A_187 = arith.xori %ge3A_98, %not3A_186 : i1
        %convert_element_type3A_188 = arith.extui %not3A_187 : i1 to i32
        %cond3A_189 = arith.constant 0 : i32
        %cond3A_190 = arith.cmpi ne, %convert_element_type3A_188, %cond3A_189 : i32
        scf.if %cond3A_190 {
          %dma_wait3A = tpu.memref_slice %arg8[%add3A_179] : memref<68681728xf32, #tpu.memory_space<hbm>> -> memref<8192xf32, #tpu.memory_space<hbm>>
          %dma_wait3A_216 = tpu.memref_slice %arg8[%add3A_179] : memref<68681728xf32, #tpu.memory_space<hbm>> -> memref<8192xf32, #tpu.memory_space<hbm>>
          tpu.wait_dma2 semaphore(%arg19 : memref<!tpu.dma_semaphore, #tpu.memory_space<semaphore_mem>>) src(%arg15 : memref<8192xf32, #tpu.memory_space<vmem>>) dst(%dma_wait3A_216 : memref<8192xf32, #tpu.memory_space<hbm>>)
        } else {
        }
        %convert_element_type3A_191 = arith.extui %ge3A_98 : i1 to i32
        %cond3A_192 = arith.constant 0 : i32
        %cond3A_193 = arith.cmpi ne, %convert_element_type3A_191, %cond3A_192 : i32
        scf.if %cond3A_193 {
          %dma_wait3A = tpu.memref_slice %arg9[%add3A_185] : memref<1572864xf32, #tpu.memory_space<hbm>> -> memref<8192xf32, #tpu.memory_space<hbm>>
          %dma_wait3A_216 = tpu.memref_slice %arg9[%add3A_185] : memref<1572864xf32, #tpu.memory_space<hbm>> -> memref<8192xf32, #tpu.memory_space<hbm>>
          tpu.wait_dma2 semaphore(%arg19 : memref<!tpu.dma_semaphore, #tpu.memory_space<semaphore_mem>>) src(%arg15 : memref<8192xf32, #tpu.memory_space<vmem>>) dst(%dma_wait3A_216 : memref<8192xf32, #tpu.memory_space<hbm>>)
        } else {
        }
        %add3A_194 = arith.constant 57344 : i32
        %add3A_195 = arith.addi %mul3A_72, %add3A_194 : i32
        %mul3A_196 = arith.constant 131 : i32
        %mul3A_197 = arith.muli %select_n3A_54, %mul3A_196 : i32
        %add3A_198 = arith.addi %mul3A_197, %min3A_112 : i32
        %mul3A_199 = arith.constant 131072 : i32
        %mul3A_200 = arith.muli %add3A_198, %mul3A_199 : i32
        %add3A_201 = arith.addi %mul3A_200, %add3A_195 : i32
        %mul3A_202 = arith.constant 3 : i32
        %mul3A_203 = arith.muli %select_n3A_54, %mul3A_202 : i32
        %add3A_204 = arith.addi %mul3A_203, %min3A_110 : i32
        %mul3A_205 = arith.constant 131072 : i32
        %mul3A_206 = arith.muli %add3A_204, %mul3A_205 : i32
        %add3A_207 = arith.addi %mul3A_206, %add3A_195 : i32
        %not3A_208 = arith.constant true
        %not3A_209 = arith.xori %ge3A_98, %not3A_208 : i1
        %convert_element_type3A_210 = arith.extui %not3A_209 : i1 to i32
        %cond3A_211 = arith.constant 0 : i32
        %cond3A_212 = arith.cmpi ne, %convert_element_type3A_210, %cond3A_211 : i32
        scf.if %cond3A_212 {
          %dma_wait3A = tpu.memref_slice %arg8[%add3A_201] : memref<68681728xf32, #tpu.memory_space<hbm>> -> memref<8192xf32, #tpu.memory_space<hbm>>
          %dma_wait3A_216 = tpu.memref_slice %arg8[%add3A_201] : memref<68681728xf32, #tpu.memory_space<hbm>> -> memref<8192xf32, #tpu.memory_space<hbm>>
          tpu.wait_dma2 semaphore(%arg20 : memref<!tpu.dma_semaphore, #tpu.memory_space<semaphore_mem>>) src(%arg16 : memref<8192xf32, #tpu.memory_space<vmem>>) dst(%dma_wait3A_216 : memref<8192xf32, #tpu.memory_space<hbm>>)
        } else {
        }
        %convert_element_type3A_213 = arith.extui %ge3A_98 : i1 to i32
        %cond3A_214 = arith.constant 0 : i32
        %cond3A_215 = arith.cmpi ne, %convert_element_type3A_213, %cond3A_214 : i32
        scf.if %cond3A_215 {
          %dma_wait3A = tpu.memref_slice %arg9[%add3A_207] : memref<1572864xf32, #tpu.memory_space<hbm>> -> memref<8192xf32, #tpu.memory_space<hbm>>
          %dma_wait3A_216 = tpu.memref_slice %arg9[%add3A_207] : memref<1572864xf32, #tpu.memory_space<hbm>> -> memref<8192xf32, #tpu.memory_space<hbm>>
          tpu.wait_dma2 semaphore(%arg20 : memref<!tpu.dma_semaphore, #tpu.memory_space<semaphore_mem>>) src(%arg16 : memref<8192xf32, #tpu.memory_space<vmem>>) dst(%dma_wait3A_216 : memref<8192xf32, #tpu.memory_space<hbm>>)
        } else {
        }
      } else {
      }
      %scan3A_90 = arith.constant 0 : i32
      scf.yield %scan3A_90 : i32
    }
    %scan3A_81 = arith.constant 34 : i32
    return
  }
}

module attributes {stable_mosaic.version = 14 : i64} {
  func.func @_cand_body(%arg0: i32, %arg1: i32, %arg2: memref<1x256x3xf32, #tpu.memory_space<vmem>>, %arg3: memref<1x3x8192xf32, #tpu.memory_space<vmem>>, %arg4: memref<1x256x8192xi32, #tpu.memory_space<vmem>>) attributes {dimension_semantics = [#tpu.dimension_semantics<arbitrary>, #tpu.dimension_semantics<arbitrary>], iteration_bounds = array<i64: 4, 8>, scalar_prefetch = 0 : i64, scratch_operands = 0 : i64, tpu.core_type = #tpu.core_type<tc>, window_params = [{transform_indices = @transform_0, window_bounds = array<i64: 1, 256, 3>}, {transform_indices = @transform_1, window_bounds = array<i64: 1, 3, 8192>}, {transform_indices = @transform_2, window_bounds = array<i64: 1, 256, 8192>}]} {
    %get3A = arith.constant 0 : index
    %get3A_0 = arith.constant 0 : index
    %get3A_1 = arith.constant 0 : index
    %get3A_2 = vector.load %arg2[%get3A, %get3A_0, %get3A_1] : memref<1x256x3xf32, #tpu.memory_space<vmem>>, vector<1x256x3xf32>
    %get3A_3 = vector.shape_cast %get3A_2 : vector<1x256x3xf32> to vector<256x3xf32>
    %get3A_4 = arith.constant 0 : index
    %get3A_5 = arith.constant 0 : index
    %get3A_6 = arith.constant 0 : index
    %get3A_7 = vector.load %arg3[%get3A_4, %get3A_5, %get3A_6] : memref<1x3x8192xf32, #tpu.memory_space<vmem>>, vector<1x3x8192xf32>
    %get3A_8 = vector.shape_cast %get3A_7 : vector<1x3x8192xf32> to vector<3x8192xf32>
    %slice3A = vector.extract_strided_slice %get3A_3 {offsets = [0, 0], sizes = [256, 1], strides = [1, 1]} : vector<256x3xf32> to vector<256x1xf32>
    %slice3A_9 = vector.extract_strided_slice %get3A_3 {offsets = [0, 1], sizes = [256, 1], strides = [1, 1]} : vector<256x3xf32> to vector<256x1xf32>
    %slice3A_10 = vector.extract_strided_slice %get3A_3 {offsets = [0, 2], sizes = [256, 1], strides = [1, 1]} : vector<256x3xf32> to vector<256x1xf32>
    %slice3A_11 = vector.extract_strided_slice %get3A_8 {offsets = [0, 0], sizes = [1, 8192], strides = [1, 1]} : vector<3x8192xf32> to vector<1x8192xf32>
    %slice3A_12 = vector.extract_strided_slice %get3A_8 {offsets = [1, 0], sizes = [1, 8192], strides = [1, 1]} : vector<3x8192xf32> to vector<1x8192xf32>
    %slice3A_13 = vector.extract_strided_slice %get3A_8 {offsets = [2, 0], sizes = [1, 8192], strides = [1, 1]} : vector<3x8192xf32> to vector<1x8192xf32>
    %dot_general3A = arith.constant dense<0.000000e+00> : vector<256x8192xf32>
    %dot_general3A_14 = tpu.matmul %get3A_3, %get3A_8, %dot_general3A {dimension_numbers = #tpu.dot_dimension_numbers<[1], [0], [0], [1], [0, 0, 1, 1], [], []>, transpose_lhs_hint = false} : vector<256x3xf32>, vector<3x8192xf32>, vector<256x8192xf32> -> vector<256x8192xf32>
    %mul3A = arith.mulf %slice3A, %slice3A : vector<256x1xf32>
    %mul3A_15 = arith.mulf %slice3A_9, %slice3A_9 : vector<256x1xf32>
    %add3A = arith.addf %mul3A, %mul3A_15 : vector<256x1xf32>
    %mul3A_16 = arith.mulf %slice3A_10, %slice3A_10 : vector<256x1xf32>
    %add3A_17 = arith.addf %add3A, %mul3A_16 : vector<256x1xf32>
    %mul3A_18 = arith.mulf %slice3A_11, %slice3A_11 : vector<1x8192xf32>
    %mul3A_19 = arith.mulf %slice3A_12, %slice3A_12 : vector<1x8192xf32>
    %add3A_20 = arith.addf %mul3A_18, %mul3A_19 : vector<1x8192xf32>
    %mul3A_21 = arith.mulf %slice3A_13, %slice3A_13 : vector<1x8192xf32>
    %add3A_22 = arith.addf %add3A_20, %mul3A_21 : vector<1x8192xf32>
    %add3A_23 = vector.broadcast %add3A_17 : vector<256x1xf32> to vector<256x8192xf32>
    %add3A_24 = vector.broadcast %add3A_22 : vector<1x8192xf32> to vector<256x8192xf32>
    %add3A_25 = arith.addf %add3A_23, %add3A_24 : vector<256x8192xf32>
    %mul3A_26 = arith.constant 2.000000e+00 : f32
    %mul3A_27 = vector.broadcast %mul3A_26 : f32 to vector<256x8192xf32>
    %mul3A_28 = arith.mulf %mul3A_27, %dot_general3A_14 : vector<256x8192xf32>
    %sub3A = arith.subf %add3A_25, %mul3A_28 : vector<256x8192xf32>
    %iota3A = tpu.iota {dimensions = array<i32: 1>} : vector<256x8192xi32>
    %lt3A = arith.constant 4.000000e-02 : f32
    %lt3A_29 = vector.broadcast %lt3A : f32 to vector<256x8192xf32>
    %lt3A_30 = arith.cmpf olt, %sub3A, %lt3A_29 : vector<256x8192xf32>
    %jit3A = arith.constant -1 : i32
    %broadcast_in_dim3A = vector.broadcast %jit3A : i32 to vector<256x8192xi32>
    %select_n3A = arith.select %lt3A_30, %iota3A, %broadcast_in_dim3A : vector<256x8192xi1>, vector<256x8192xi32>
    %swap3A = arith.constant 0 : index
    %swap3A_31 = arith.constant 0 : index
    %swap3A_32 = arith.constant 0 : index
    %swap3A_33 = vector.load %arg4[%swap3A, %swap3A_31, %swap3A_32] : memref<1x256x8192xi32, #tpu.memory_space<vmem>>, vector<1x256x8192xi32>
    %swap3A_34 = vector.shape_cast %swap3A_33 : vector<1x256x8192xi32> to vector<256x8192xi32>
    %swap3A_35 = vector.shape_cast %select_n3A : vector<256x8192xi32> to vector<1x256x8192xi32>
    tpu.vector_store %arg4[%swap3A, %swap3A_31, %swap3A_32], %swap3A_35 {strides = array<i32>} : memref<1x256x8192xi32, #tpu.memory_space<vmem>>, vector<1x256x8192xi32>,
    return
  }
  func.func @transform_0(%arg0: i32, %arg1: i32) -> (i32, i32, i32) {
    %c0_i32 = arith.constant 0 : i32
    %c0_i32_0 = arith.constant 0 : i32
    return %arg0, %arg1, %c0_i32 : i32, i32, i32
  }
  func.func @transform_1(%arg0: i32, %arg1: i32) -> (i32, i32, i32) {
    %c0_i32 = arith.constant 0 : i32
    %c0_i32_0 = arith.constant 0 : i32
    %c0_i32_1 = arith.constant 0 : i32
    return %arg0, %c0_i32, %c0_i32_0 : i32, i32, i32
  }
  func.func @transform_2(%arg0: i32, %arg1: i32) -> (i32, i32, i32) {
    %c0_i32 = arith.constant 0 : i32
    %c0_i32_0 = arith.constant 0 : i32
    return %arg0, %arg1, %c0_i32 : i32, i32, i32
  }
}

</mosaic_0001>

<sc_bundles>
// kernel: kernel.5.cloned.1.call-start
scs
__scs_entry_jumppad:
0x0: {  	(pc) =	sbr.rel $0x88, $3  }
0x1: {  	(tag) =	ssettag $0x0;
	lr =	simm.s32 $0x1  }
0x2: {  	[smem:$0x3F9D] =	sst lr;
	_ =	strace $0xD0000000  }
0x3: {  	_ = 	snop  }
0x4: {  	_ = 	snop  }
0x5: {  	_ = 	snop  }
0x6: {  	_ = 	snop  }
0x7: {  	_ = 	snop  }
__scs_overlays_trampoline_lowered:
0x8: {  	[smem:$0x3FAC] =	sst s0  }
0x9: {  	[smem:$0x3FAD] =	sst s1  }
0xa: {  	[smem:$0x3FAE] =	sst s2  }
0xb: {  	[smem:$0x3FAF] =	sst s3  }
0xc: {  	[smem:$0x3FB0] =	sst s4  }
0xd: {  	[smem:$0x3FB1] =	sst s5  }
0xe: {  	[smem:$0x3FB2] =	sst s6  }
0xf: {  	[smem:$0x3FB3] =	sst s7  }
0x10: {  	[smem:$0x3FB4] =	sst s8  }
0x11: {  	[smem:$0x3FB5] =	sst s9;
	s0 =	simm.s32 @!p0 $0x0  }
0x12: {  	s1 =	sld [smem:$0x3F9B];
	s0 =	simm.s32 @p0 $0x1  }
0x13: {  	[smem:$0x3FB6] =	sst s0;
	s0 =	simm.s32 @!p1 $0x0  }
0x14: {  	s2 =	sld [smem:$0x3F9A];
	s0 =	simm.s32 @p1 $0x1  }
0x15: {  	[smem:$0x3FB7] =	sst s0;
	s0 =	simm.s32 @!p2 $0x0  }
0x16: {  	s3 =	sld [smem:$0x3FDB];
	s0 =	simm.s32 @p2 $0x1  }
0x17: {  	s4 =	simm.s32 $0x1BF5;
	[smem:$0x3FB9] =	sst s0  }
0x18: {  	s0 =	sld [smem:$0x3F9C];
	_ =	swait.ge [sflag:s4], $0x0  }
0x19: {  	s7 =	sld [smem:$0x3F9D]  }
0x1a: {  	s8 =	sadd.s32 $0xFFFFE003, lr  }
0x1b: {  	s9 =	sadd.s32 $0xFFFFFEF7, lr;
	s5 =	simm.s32 $0xFFFFFFFF;
	p2 =	slt.u32 s8, $0xFFFFF086  }
0x1c: {  	p1 =	slt.u32 s9, $0xF7A;
	s5 =	simm.s32 @!p2 $0x0  }
0x1d: {  	s5 =	simm.s32 @p1 $0x1;
	p0 =	seq.s32 s7, s2  }
0x1e: {  	s7 =	smul.u32 @!p0 $0xF7A, s2;
	p2 =	seq.s32 @!p0 s5, $0x0  }
0x1f: {  	s9 =	smul.u32 $0xF7A, s1;
	s8 =	simm.s32 @!p0 $0x1BF5;
	p2 =	por !p2, p0  }
0x20: {  	[sflag:s8] =	ssyncset.s32 @!p0 $0xFFFFF086;
	s6 =	sadd.s32 @!p0 s3, s7;
	s7 =	simm.s32 @!p0 $0x108  }
0x21: {  	s3 =	sadd.s32 s3, s9;
	s6 =	sadd.s32 @!p0 $0x88, s6;
	s7 =	simm.s32 @p2 $0x1082  }
0x22: {  	[simem:s7], [sflag:s8] =	dma.local @!p0 [hbm:s6], $0xF7A  }
0x23: {  	s9 =	sor.u32 $0xD0000000, s2;
	s6 =	simm.s32 $0x108;
	_ =	swait.ge @!p0 [sflag:s8], $0x0  }
0x24: {  	s3 =	sadd.s32 $0x88, s3;
	s6 =	simm.s32 @!p1 $0x1082;
	[sflag:s4] =	ssyncset.s32 $0xFFFFF086  }
0x25: {  	[simem:s6], [sflag:s4] =	dma.local [hbm:s3], $0xF7A  }
0x26: {  	[smem:$0x3F9D] =	sst s1;
	(tag) =	ssettag s2;
	_ =	strace s9  }
0x27: {  	s1 =	sld [smem:$0x3FAD]  }
0x28: {  	s2 =	sld [smem:$0x3FAE]  }
0x29: {  	s4 =	sld [smem:$0x3FB0]  }
0x2a: {  	p0 =	seq.s32 s5, $0x0;
	s5 =	sld [smem:$0x3FB1]  }
0x2b: {  	s6 =	sld [smem:$0x3FB2]  }
0x2c: {  	s7 =	sld [smem:$0x3FB3]  }
0x2d: {  	s3 =	simm.s32 $0x108;
	s8 =	sld [smem:$0x3FB4]  }
0x2e: {  	s3 =	simm.s32 @!p0 $0x1082;
	s9 =	sld [smem:$0x3FB5]  }
0x2f: {  	lr =	sadd.s32 s0, s3;
	s0 =	sld [smem:$0x3FAC]  }
0x30: {  	s3 =	sld [smem:$0x3FAF]  }
0x31: {  	[smem:$0x3FB8] =	sst s10  }
0x32: {  	s10 =	sld [smem:$0x3FB6];
	_ =	sdelay $0x3  }
0x33: {  	p0 =	seq.s32 s10, $0x1;
	s10 =	sld [smem:$0x3FB8];
	_ =	sdelay $0x3  }
0x34: {  	[smem:$0x3FB8] =	sst s10  }
0x35: {  	s10 =	sld [smem:$0x3FB7];
	_ =	sdelay $0x3  }
0x36: {  	p1 =	seq.s32 s10, $0x1;
	s10 =	sld [smem:$0x3FB8];
	_ =	sdelay $0x3  }
0x37: {  	[smem:$0x3FB8] =	sst s10  }
0x38: {  	s10 =	sld [smem:$0x3FB9]  }
0x39: {  	_ = 	snop;
	(pc) =	sbr.ind lr, $3  }
0x3a: {  	_ = 	snop  }
0x3b: {  	_ = 	snop  }
0x3c: {  	p2 =	seq.s32 s10, $0x1;
	s10 =	sld [smem:$0x3FB8]  }
0x3d: {  	_ =	shalt  }
0x3e: {  	_ =	shalt  }
0x3f: {  	_ =	shalt  }
0x40: {  	_ =	shalt  }
0x41: {  	_ =	shalt  }
0x42: {  	_ =	shalt  }
0x43: {  	_ =	shalt  }
0x44: {  	_ =	shalt  }
0x45: {  	_ =	shalt  }
0x46: {  	_ =	shalt  }
0x47: {  	_ =	shalt  }
0x48: {  	_ =	shalt  }
0x49: {  	_ =	shalt  }
0x4a: {  	_ =	shalt  }
0x4b: {  	_ =	shalt  }
0x4c: {  	_ =	shalt  }
0x4d: {  	_ =	shalt  }
0x4e: {  	_ =	shalt  }
0x4f: {  	_ =	shalt  }
0x50: {  	_ =	shalt  }
0x51: {  	_ =	shalt  }
0x52: {  	_ =	shalt  }
0x53: {  	_ =	shalt  }
0x54: {  	_ =	shalt  }
0x55: {  	_ =	shalt  }
0x56: {  	_ =	shalt  }
0x57: {  	_ =	shalt  }
0x58: {  	_ =	shalt  }
0x59: {  	_ =	shalt  }
0x5a: {  	_ =	shalt  }
0x5b: {  	_ =	shalt  }
0x5c: {  	_ =	shalt  }
0x5d: {  	_ =	shalt  }
0x5e: {  	_ =	shalt  }
0x5f: {  	_ =	shalt  }
0x60: {  	_ =	shalt  }
0x61: {  	_ =	shalt  }
0x62: {  	_ =	shalt  }
0x63: {  	_ =	shalt  }
0x64: {  	_ =	shalt  }
0x65: {  	_ =	shalt  }
0x66: {  	_ =	shalt  }
0x67: {  	_ =	shalt  }
0x68: {  	_ =	shalt  }
0x69: {  	_ =	shalt  }
0x6a: {  	_ =	shalt  }
0x6b: {  	_ =	shalt  }
0x6c: {  	_ =	shalt  }
0x6d: {  	_ =	shalt  }
0x6e: {  	_ =	shalt  }
0x6f: {  	_ =	shalt  }
0x70: {  	_ =	shalt  }
0x71: {  	_ =	shalt  }
0x72: {  	_ =	shalt  }
0x73: {  	_ =	shalt  }
0x74: {  	_ =	shalt  }
0x75: {  	_ =	shalt  }
0x76: {  	_ =	shalt  }
0x77: {  	_ =	shalt  }
0x78: {  	_ =	shalt  }
0x79: {  	_ =	shalt  }
0x7a: {  	_ =	shalt  }
0x7b: {  	_ =	shalt  }
0x7c: {  	_ =	shalt  }
0x7d: {  	_ =	shalt  }
0x7e: {  	_ =	shalt  }
0x7f: {  	_ =	shalt  }
0x80: {  	_ =	shalt  }
0x81: {  	_ =	shalt  }
0x82: {  	_ =	shalt  }
0x83: {  	_ =	shalt  }
0x84: {  	_ =	shalt  }
0x85: {  	_ =	shalt  }
0x86: {  	_ =	shalt  }
0x87: {  	_ =	shalt  }
.Lfunc_end0:
.L_simem_size_0:
called_computation.1_lowered:
.L_overlay_start_0:
0x88: {  	s2 =	sld [smem:$0x3FD9]  }
0x89: {  	s3 =	sld [smem:$0x3FFE];
	_ =	sdelay $0x1  }
0x8a: {  	s1 =	srdreg.scid  }
0x8b: {  	s0 =	sand.u32 $0x1, s1  }
0x8c: {  	s14 =	sshll.u32 s0, $0xA;
	s2 =	sadd.s32 s3, s2  }
0x8d: {  	s2 =	sadd.s32 s2, s14  }
0x8e: {  	[smem:$0x3FC4] =	sst s2  }
0x8f: {  	_ = 	snop  }
0x90: {  	s2 =	sld [smem:$0x3FD0];
	_ =	sdelay $0x2  }
0x91: {  	s15 =	simm.s32 $0xA;
	s4 =	simm.s32 $0x10  }
0x92: {  	[smem:s4], [sflag:s15] =	dma.local [hbm:s2], $0x1  }
0x93: {  	_ =	swait.eq [sflag:s15], $0x1  }
0x94: {  	[sflag:s15] =	ssyncset.done $0x0  }
0x95: {  	[sflag:s15] =	ssyncadd.s32 $0xFFFFFFFF  }
0x96: {  	s16 =	sld [smem:$0x10];
	(tm) =	ssettm $0x1  }
0x97: {  	s17 =	sld [smem:$0x3FFB];
	_ =	sdelay $0x3  }
0x98: {  	_ =	strace s17  }
0x99: {  	s3 =	sld [smem:$0x3FFC];
	_ =	sdelay $0x3  }
0x9a: {  	_ =	strace s3  }
0x9b: {  	s3 =	sld [smem:$0x3FFD];
	_ =	sdelay $0x3  }
0x9c: {  	_ =	strace s3  }
0x9d: {  	_ =	strace $0x8FFFFFFF  }
0x9e: {  	s18 =	sld [smem:$0x3FDB];
	_ =	sdelay $0x1  }
0x9f: {  	s19 =	simm.s32 $_scs_section_size  }
0xa0: {  	s5 =	simm.s32 $_size__tile_overlayer_lowered;
	s6 =	simm.s32 $_tile_overlayer_lowered  }
0xa1: {  	s22 =	simm.s32 $0x1BFF;
	s21 =	sshll.u32 s6, $0x1;
	s3 =	sadd.s32 s19, s18  }
0xa2: {  	s7 =	simm.s32 $0x0;
	s20 =	sshll.u32 s5, $0x1;
	s5 =	sadd.s32 s21, s3  }
0xa3: {  	[timem:s7], [sflag:s22] =	dma.local [hbm:s5], s20  }
0xa4: {  	_ =	swait.ge [sflag:s22], s20  }
0xa5: {  	s4 =	ssub.s32 $0x0, s20;
	[sflag:s22] =	ssyncset.done $0x0  }
0xa6: {  	[sflag:s22] =	ssyncadd.s32 s4;
	_ =	sdelay $0x1  }
0xa7: {  	s23 =	simm.s32 $0x1B8B  }
0xa8: {  	_ =	swait.ge [sflag:s23], $0x1  }
0xa9: {  	[sflag:s23] =	ssyncset.done $0x0  }
0xaa: {  	s25 =	simm.s32 $0x1B8E;
	s24 =	sld [smem:$0x3FFE];
	[sflag:s23] =	ssyncadd.s32 $0xFFFFFFFF  }
0xab: {  	s26 =	simm.s32 $execute0_lowered;
	[smem:$0x3FD2] =	sst s25  }
0xac: {  	s5 =	sshll.u32 s26, $0x1;
	_ =	strace $0x80000046;
	[dreg:$0x1] =	wrdreg $0xFFFFFFFF  }
0xad: {  	s28 =	simm.s32 $_size_execute0_lowered;
	s3 =	sadd.s32 s3, s5;
	[dreg:$0x0] =	wrdreg $0x0  }
0xae: {  	s5 =	sshll.u32 s28, $0x1;
	[dreg:$0x2] =	wrdreg s3  }
0xaf: {  	[dreg:$0x3] =	wrdreg s5  }
0xb0: {  	[dreg:$0x4] =	wrdreg $0xC0  }
0xb1: {  	_ =	task [dreg:s7], $0x5FFFF  }
0xb2: {  	[dreg:$0x1] =	wrdreg $0xFFFFFFFF  }
0xb3: {  	[dreg:$0x0] =	wrdreg $0x60  }
0xb4: {  	[dreg:$0x2] =	wrdreg s16  }
0xb5: {  	[dreg:$0x3] =	wrdreg s24  }
0xb6: {  	[dreg:$0x4] =	wrdreg $0x9  }
0xb7: {  	_ =	task.clear_ibuf [dreg:s7], $0x5FFFF;
	_ =	strace $0x90000046  }
0xb8: {  	s29 =	simm.s32 $0x9;
	_ =	strace $0x80000048  }
0xb9: {  	_ =	swait.ge [sflag:s29], $0x1  }
0xba: {  	[sflag:s29] =	ssyncadd.s32 $0xFFFFFFFF  }
0xbb: {  	_ =	strace $0x90000048  }
0xbc: {  	_ =	sfence  }
0xbd: {  	s30 =	sld [smem:$0x0];
	_ =	sdelay $0x2  }
0xbe: {  	s31 =	sshll.u32 s1, $0xD;
	s1 =	sshrl.u32 s1, $0x2  }
0xbf: {  	s3 =	sand.u32 $0x4000, s31;
	s1 =	sadd.s32 s1, s30  }
0xc0: {  	s0 =	sor.u32 s3, s0;
	s1 =	sshll.u32 s1, $0x11  }
0xc1: {  	s0 =	sor.u32 s1, s0  }
0xc2: {  	s0 =	sadd.s32 $0x8F2B, s0  }
0xc3: {  	[sflag:s0] =	ssyncadd.remote.s32 $0x1  }
0xc4: {  	_ =	sfence.sel $0xFFFF  }
0xc5: {  	[dreg:$0x0] =	wrdreg $0xFFFFFFFF;
	(pc) =	sbr.abs _section_cstart, $3  }
0xc6: {  	[dreg:$0x1] =	wrdreg $0xFFFFFFFF  }
0xc7: {  	_ =	task.clear_ibuf [dreg:s7], $0x2FFFF;
	_ =	strace $0x9FFFFFFF  }
0xc8: {  	(tm) =	ssettm $0x7FFFFFFF  }
0xc9: {  	_ =	shalt  }
tec
execute0_lowered:
.L_overlay_start_1:
0x0: {  	(tag) =	ssettag $0x1  }
0x1: {  	s2 =	rddreg [dreg:$0x0]  }
0x2: {  	s4 =	rddreg [dreg:$0x1]  }
0x3: {  	s0 =	rddreg [dreg:$0x2]  }
0x4: {  	s5 =	srdreg.scid;
	s1 =	stileid.u32;
	s3 =	simm.s32 $0x0  }
0x5: {  	s9 =	simm.s32 $0x80;
	s10 =	simm.s32 $0x400;
	s11 =	simm.s32 $0x2000  }
0x6: {  	s12 =	simm.s32 $0x1;
	s13 =	simm.s32 $0x2;
	s14 =	simm.s32 $0x6080  }
0x7: {  	s15 =	simm.s32 $0x3;
	s16 =	simm.s32 $0x4000;
	s17 =	simm.s32 $0x0  }
0x8: {  	s5 =	sand.u32 $0x1, s5;
	s6 =	sshll.u32 s1, $0x1;
	[smem:$0x7FF] =	sst s3  }
.Ltmp0:
0x9: {  	s31 =	sshll.u32 s1, $0x13;
	s6 =	sor.u32 s5, s6;
	(pc) =	sbr.rel .LBB2_1-.Ltmp0, $4  }
0xa: {  	s5 =	ssub.s32 $0x2, s5;
	_ =	strace $0x80000047;
	s7 =	sshll.u32 s6, $0xB  }
0xb: {  	vm0 =	vmmov $0x1;
	v1 =	vimm.s32 $0x0;
	s8 =	sshrl.u32 s5, $0x1;
	s30 =	sshll.u32 s6, $0x12;
	s7 =	sadd.s32 s7, s4  }
0xc: {  	v0 =	vlaneseq.u32;
	v4 =	vimm.s32 $0x0;
	v1 =	vsel vm0, $0xFFFFFFFF, v1;
	s8 =	ssub.s32 s5, s8;
	s4 =	sshll.u32 s6, $0x8;
	s5 =	sadd.s32 s2, s30  }
0xd: {  	v2 =	vor.u32 $0x20, v0;
	v3 =	vor.u32 $0x30, v0;
	[tilespmem:$0x1FFF0] =	vst v1;
	v1 =	vor.u32 $0x10, v0;
	s6 =	sand.u32 $0x600000, s31;
	s7 =	sadd.s32 $0x9A00, s7;
	s8 =	smax.u32 s8, $0x1  }
.LBB2_23:
0xe: {  	s17 =	sadd.s32 $0x1, s17  }
0xf: {  	p0 =	sne.s32 s17, s8  }
.Ltmp1:
0x10: {  	_ = 	snop;
	(pc) =	sbr.rel @!p0 .LBB2_24-.Ltmp1, $4  }
0x11: {  	[hbm4b:s7+s3] =	stream.linear.scatter [tilespmem:s14], [sflag:$0x3], $0x4000, $0x38;
	[tilespmem:$0xA080] =	vst v63  }
0x12: {  	_ =	swait.ge [sflag:s15], $0x4000  }
0x13: {  	[sflag:s15] =	ssyncset.done $0x0  }
0x14: {  	[sflag:s15] =	ssyncadd.s32 $0xFFFFC000  }
.LBB2_1:
.Ltmp2:
0x15: {  	(pc) =	sbr.rel .LBB2_2-.Ltmp2, $3  }
0x16: {  	_ =	sdelay $0x1  }
0x17: {  	[tilespmem:s3], [sflag:$0x1] =	stream.strided.gather [hbm4b:s5+s9], $0x2000, s10, s9, $0x38;
	[tilespmem:$0xA080] =	vst v63  }
0x18: {  	s18 =	simm.s32 $0x0  }
.LBB2_22:
0x19: {  	v6 =	vld [tilespmem:$0x1FFF0]  }
0x1a: {  	v5 =	vld [tilespmem:$0x4000];
	_ =	sdelay $0x3  }
0x1b: {  	vm0 =	vnez.u8 v6  }
0x1c: {  	v6 =	vnsel vm0, $0x80000000, v5  }
0x1d: {  	v6 =	vxor.u32 $0x80000000, v6  }
0x1e: {  	(xrf0) =	vmax.scan.msk.u32 $0xffff, v6;
	_ =	sdelay $0x5  }
0x1f: {  	v6, _, _ =	vpop (xrf0)  }
0x20: {  	vm11 =	vgt.s32 v16, $0x0;
	v6 =	vxor.u32 $0x80000000, v6  }
0x21: {  	vm12 =	vgt.s32 v16, v0;
	v6 =	vnsel vm11, $0x0, v6  }
0x22: {  	v5 =	vsel vm12, v5, v6  }
0x23: {  	[tilespmem:s19+$0x60C0] =	vst v5  }
0x24: {  	v5 =	vld [tilespmem:$0x4010];
	_ =	sdelay $0x3  }
0x25: {  	vm13 =	vgt.s32 v16, v1  }
0x26: {  	v5 =	vsel vm13, v5, v6  }
0x27: {  	[tilespmem:s19+$0x60D0] =	vst v5  }
0x28: {  	v5 =	vld [tilespmem:$0x4020];
	_ =	sdelay $0x3  }
0x29: {  	vm14 =	vgt.s32 v16, v2  }
0x2a: {  	v5 =	vsel vm14, v5, v6  }
0x2b: {  	[tilespmem:s19+$0x60E0] =	vst v5  }
0x2c: {  	s18 =	sadd.s32 $0x1, s18;
	v5 =	vld [tilespmem:$0x4030]  }
0x2d: {  	p0 =	sne.s32 s18, $0x80  }
.Ltmp3:
0x2e: {  	_ = 	snop;
	(pc) =	sbr.rel @!p0 .LBB2_23-.Ltmp3, $4  }
0x2f: {  	_ = 	snop  }
0x30: {  	vm15 =	vgt.s32 v16, v3  }
0x31: {  	v5 =	vsel vm15, v5, v6  }
0x32: {  	[tilespmem:s19+$0x60F0] =	vst v5  }
.LBB2_2:
0x33: {  	s19 =	sshll.u32 s18, $0x1  }
0x34: {  	s20 =	sadd.s32 s4, s19  }
0x35: {  	s19 =	sshll.u32 s20, $0xA;
	s21 =	sshll.u32 s20, $0x4  }
0x36: {  	s19 =	sand.u32 $0x1FE000, s19;
	s21 =	sand.u32 $0x60, s21  }
0x37: {  	s19 =	sor.u32 s19, s6;
	s21 =	sadd.s32 s21, s2  }
0x38: {  	s19 =	sadd.s32 s19, s21  }
.Ltmp4:
0x39: {  	s19 =	sadd.s32 $0x10, s19;
	(pc) =	sbr.rel .LBB2_3-.Ltmp4, $4  }
0x3a: {  	[tilespmem:s11], [sflag:$0x2] =	stream.strided.gather [hbm4b:s19+s9], $0x2000, s10, s9, $0x38;
	[tilespmem:$0xA080] =	vst v63  }
0x3b: {  	_ =	swait.ge [sflag:s12], $0x2000  }
0x3c: {  	[sflag:s12] =	ssyncset.done $0x0  }
0x3d: {  	v16 =	vimm.s32 $0x0;
	s21 =	simm.s32 $0x40;
	s19 =	simm.s32 $0x0;
	[sflag:s12] =	ssyncadd.s32 $0xFFFFE000  }
.LBB2_5:
0x3e: {  	_ = 	snop  }
0x3f: {  	_ = 	snop  }
.LBB2_10:
0x40: {  	v18 =	vsel vm1, $0x1, v4;
	(xrf0) =	vadd.scan.msk.s32 $0xffff, v39  }
0x41: {  	v21 =	vsel vm9, $0x1, v4;
	(xrf0) =	vadd.scan.msk.s32 $0xffff, v18  }
0x42: {  	v28 =	vld [tilespmem:$0x1FFD0];
	v18 =	vsel vm13, $0x1, v4;
	(xrf0) =	vadd.scan.msk.s32 $0xffff, v21  }
0x43: {  	v54 =	vsel vm11, $0x1, v4;
	v16 =	vadd.s32 v34, v16;
	(xrf0) =	vadd.scan.msk.s32 $0xffff, v18  }
0x44: {  	v55, _, _ =	vpop (xrf0);
	vm4 =	vmand @p0 vm7, vm0;
	vm5 =	vmand @p0 vm5, vm10;
	v29 =	vld [tilespmem:$0x1FFB0];
	v18 =	vsel vm15, $0x1, v4;
	(xrf0) =	vadd.scan.msk.s32 $0xffff, v54  }
0x45: {  	v57 =	vadd.s32 v13, v33;
	v16 =	vadd.s32 $0xFFFFFFFF, v16;
	(xrf0) =	vadd.scan.msk.s32 $0xffff, v18;
	v18 =	vadd.s32 v55, v31  }
0x46: {  	vm10 =	vmmov vm13;
	vm0 =	vlt.s32 v16, $0x40;
	v18 =	vadd.s32 $0xFFFFFFFF, v18  }
0x47: {  	vm6 =	vmand vm6, vm0;
	vm0 =	vnez.u8 v28;
	v56, _, _ =	vpop (xrf0);
	vm3 =	vlt.s32 v18, $0x40  }
0x48: {  	vm0 =	vmand @p0 vm0, vm14;
	v25, _, _ =	vpop (xrf0);
	v19 =	vadd.s32 v56, v19;
	vm7 =	vmand vm8, vm3  }
0x49: {  	v26, _, _ =	vpop (xrf0);
	vm3 =	vnez.u8 v29;
	v19 =	vadd.s32 $0xFFFFFFFF, v19;
	v17 =	vadd.s32 v25, v17  }
0x4a: {  	v27, _, _ =	vpop (xrf0);
	vm3 =	vmand @p0 vm12, vm3;
	vm12 =	vlt.s32 v19, $0x40;
	v17 =	vadd.s32 $0xFFFFFFFF, v17  }
0x4b: {  	v60 =	vadd.s32 v26, v14;
	v58, _, _ =	vpop (xrf0);
	vm2 =	vmand vm2, vm12;
	vm14 =	vlt.s32 v17, $0x40  }
0x4c: {  	vm12 =	vmmov vm15;
	vm15 =	vmmov vm9;
	v62 =	vadd.s32 v27, v15;
	v59, _, _ =	vpop (xrf0)  }
0x4d: {  	[tilespmem:v12+s16+$0x0] =	vst.idx.msk @p0 vm4, v37;
	v61 =	vadd.s32 $0xFFFFFFFF, v60;
	v12 =	vadd.s32 $0xFFFFFFFF, v62;
	v25 =	vadd.s32 v59, v57  }
0x4e: {  	[tilespmem:v11+s16+$0x0] =	vst.idx.msk @p0 vm5, v38;
	vm1 =	vmand vm1, vm14;
	vm13 =	vlt.s32 v12, $0x40;
	v25 =	vadd.s32 $0xFFFFFFFF, v25  }
0x4f: {  	[tilespmem:v16+s16+$0x0] =	vst.idx.msk vm6, v24;
	v63 =	vadd.s32 v58, v13;
	vm5 =	vmand vm10, vm13;
	vm14 =	vlt.s32 v25, $0x40  }
0x50: {  	v13 =	vadd.s32 $0xFFFFFFFF, v63;
	[tilespmem:v9+s16+$0x0] =	vst.idx.msk @p0 vm0, v35;
	vm4 =	vmand vm12, vm14;
	vm12 =	vlt.s32 v61, $0x40  }
0x51: {  	[tilespmem:v18+s16+$0x0] =	vst.idx.msk vm7, v23;
	vm14 =	vmmov vm11;
	vm6 =	vmand vm15, vm12;
	vm15 =	vlt.s32 v13, $0x40  }
0x52: {  	[tilespmem:v10+s16+$0x0] =	vst.idx.msk @p0 vm3, v36;
	vm0 =	vmand vm14, vm15  }
0x53: {  	[tilespmem:v19+s16+$0x0] =	vst.idx.msk vm2, v22  }
0x54: {  	[tilespmem:v17+s16+$0x0] =	vst.idx.msk vm1, v20  }
0x55: {  	[tilespmem:v12+s16+$0x0] =	vst.idx.msk vm5, v5  }
0x56: {  	[tilespmem:v25+s16+$0x0] =	vst.idx.msk vm4, v8  }
0x57: {  	[tilespmem:v61+s16+$0x0] =	vst.idx.msk vm6, v7  }
0x58: {  	v16 =	vadd.s32 v57, v32;
	[tilespmem:v13+s16+$0x0] =	vst.idx.msk vm0, v6  }
.LBB2_11:
0x59: {  	s19 =	sadd.s32 $0x1, s19  }
0x5a: {  	p0 =	sne.s32 s19, $0x10  }
.Ltmp5:
0x5b: {  	_ = 	snop;
	(pc) =	sbr.rel @!p0 .LBB2_12-.Ltmp5, $2  }
0x5c: {  	_ =	sdelay $0x2  }
0x5d: {  	s21 =	sadd.s32 $0x200, s21  }
.LBB2_3:
0x5e: {  	(v2sf) =	vpush v16, $0x0;
	_ =	sdelay $0xe  }
0x5f: {  	s22 =	spop (v2sf)  }
0x60: {  	p0 =	sgt.s32 s22, $0x3F  }
.Ltmp6:
0x61: {  	_ = 	snop;
	(pc) =	sbr.rel @p0 .LBB2_11-.Ltmp6, $1  }
0x62: {  	_ =	sdelay $0x3  }
0x63: {  	v24 =	vld [tilespmem:s21+$0xFFFFFFC0]  }
0x64: {  	v23 =	vld [tilespmem:s21+$0xFFFFFFD0]  }
0x65: {  	v22 =	vld [tilespmem:s21+$0xFFFFFFE0]  }
0x66: {  	v20 =	vld [tilespmem:s21+$0xFFFFFFF0]  }
0x67: {  	v7 =	vld [tilespmem:s21+$0x0]  }
0x68: {  	v5 =	vld [tilespmem:s21+$0x10]  }
0x69: {  	v6 =	vld [tilespmem:s21+$0x20];
	vm6 =	vgt.s32 v24, $0xFFFFFFFF  }
0x6a: {  	s23 =	sshll.u32 s19, $0x5;
	vm8 =	vgt.s32 v23, $0xFFFFFFFF;
	v9 =	vsel vm6, $0x1, v4;
	v10 =	vmpcnt.ones.xlane vm6  }
0x6b: {  	v8 =	vld [tilespmem:s21+$0x30];
	s22 =	sadd.s32 $0x20, s23;
	s24 =	sadd.s32 $0x8, s23;
	vm2 =	vgt.s32 v22, $0xFFFFFFFF;
	vm1 =	vgt.s32 v20, $0xFFFFFFFF;
	v12 =	vmpcnt.ones.xlane vm8;
	(xrf0) =	vadd.scan.msk.s32 $0xffff, v9  }
0x6c: {  	p1 =	slt.u32 s24, s22;
	vm9 =	vgt.s32 v7, $0xFFFFFFFF;
	v9 =	vmpcnt.ones.xlane vm2;
	v31 =	vadd.s32 v16, v10  }
.Ltmp7:
0x6d: {  	vm13 =	vgt.s32 v5, $0xFFFFFFFF;
	v10 =	vmpcnt.ones.xlane vm1;
	v19 =	vadd.s32 v31, v12;
	(pc) =	sbr.rel @!p1 .LBB2_5-.Ltmp7, $4  }
0x6e: {  	vm11 =	vgt.s32 v6, $0xFFFFFFFF;
	v17 =	vadd.s32 v19, v9;
	v9 =	vmpcnt.ones.xlane vm9  }
0x6f: {  	v11 =	vsel vm8, $0x1, v4;
	v14 =	vadd.s32 v17, v10;
	v10 =	vmpcnt.ones.xlane vm13  }
0x70: {  	vm15 =	vgt.s32 v8, $0xFFFFFFFF;
	v33 =	vmpcnt.ones.xlane vm11;
	(xrf0) =	vadd.scan.msk.s32 $0xffff, v11;
	v15 =	vadd.s32 v14, v9  }
0x71: {  	p0 =	por $0x0, $0x0;
	v39 =	vsel vm2, $0x1, v4;
	v32 =	vmpcnt.ones.xlane vm15;
	v13 =	vadd.s32 v15, v10;
	v34, _, _ =	vpop (xrf0)  }
0x72: {  	_ = 	snop  }
0x73: {  	v9 =	vsel vm1, $0x1, v4  }
0x74: {  	v16 =	vadd.s32 v34, v16  }
0x75: {  	(xrf0) =	vadd.scan.msk.s32 $0xffff, v39;
	v61 =	vadd.s32 $0xFFFFFFFF, v16  }
0x76: {  	v10 =	vsel vm9, $0x1, v4;
	(xrf0) =	vadd.scan.msk.s32 $0xffff, v9;
	vm0 =	vlt.s32 v61, $0x40;
	v9, _, _ =	vpop (xrf0)  }
0x77: {  	v11 =	vsel vm13, $0x1, v4;
	vm0 =	vmand vm6, vm0;
	(xrf0) =	vadd.scan.msk.s32 $0xffff, v10;
	v9 =	vadd.s32 v9, v31  }
0x78: {  	v10 =	vsel vm11, $0x1, v4;
	(xrf0) =	vadd.scan.msk.s32 $0xffff, v11;
	v62 =	vadd.s32 $0xFFFFFFFF, v9;
	v9 =	vimm.s32 $0x0  }
0x79: {  	(xrf0) =	vadd.scan.msk.s32 $0xffff, v10;
	v10 =	vimm.s32 $0x0;
	v9 =	vsel vm0, $0xFFFFFFFF, v9;
	vm0 =	vmmov vm9  }
0x7a: {  	v10 =	vsel vm0, $0xFFFFFFFF, v10  }
0x7b: {  	vm0 =	vmmov vm13;
	[tilespmem:$0x1FFC0] =	vst v10;
	v10 =	vimm.s32 $0x0  }
0x7c: {  	[tilespmem:$0x1FFE0] =	vst v9;
	v10 =	vsel vm0, $0xFFFFFFFF, v10  }
0x7d: {  	s23 =	sadd.s32 $0x80, s21;
	[tilespmem:$0x1FFD0] =	vst v10  }
0x7e: {  	v29 =	vld [tilespmem:s23+$0xFFFFFFC0];
	_ =	sdelay $0x2  }
0x7f: {  	v9, _, _ =	vpop (xrf0)  }
0x80: {  	v12 =	vadd.s32 v13, v33;
	v9 =	vadd.s32 v9, v19;
	v10, _, _ =	vpop (xrf0)  }
0x81: {  	v63 =	vadd.s32 $0xFFFFFFFF, v9;
	v9 =	vadd.s32 v10, v17;
	v10, _, _ =	vpop (xrf0);
	vm6 =	vgt.s32 v29, $0xFFFFFFFF  }
0x82: {  	v30 =	vld [tilespmem:s23+$0xFFFFFFD0];
	v35 =	vadd.s32 $0xFFFFFFFF, v9;
	v9 =	vadd.s32 v10, v14;
	v14 =	vmpcnt.ones.xlane vm6  }
0x83: {  	v16 =	vadd.s32 v12, v32;
	v18 =	vld [tilespmem:s23+$0xFFFFFFE0]  }
0x84: {  	v11 =	vsel vm15, $0x1, v4;
	v31 =	vadd.s32 v16, v14;
	v14 =	vld [tilespmem:$0x1FFE0]  }
0x85: {  	(xrf0) =	vadd.scan.msk.s32 $0xffff, v11;
	v21 =	vld [tilespmem:s23+$0xFFFFFFF0]  }
0x86: {  	vm12 =	vmmov vm11;
	vm3 =	vlt.s32 v62, $0x40;
	v26 =	vld [tilespmem:s23+$0x10];
	vm0 =	vlt.s32 v63, $0x40  }
0x87: {  	vm7 =	vmmov vm15;
	vm4 =	vmand vm8, vm3;
	v28 =	vld [tilespmem:s23+$0x30];
	vm11 =	vmand vm2, vm0;
	v10, _, _ =	vpop (xrf0)  }
0x88: {  	vm3 =	vlt.s32 v35, $0x40;
	v11 =	vadd.s32 $0xFFFFFFFF, v9;
	v9 =	vadd.s32 v10, v15  }
0x89: {  	v10, _, _ =	vpop (xrf0);
	vm10 =	vlt.s32 v11, $0x40;
	v9 =	vadd.s32 $0xFFFFFFFF, v9;
	vm9 =	vnez.u8 v14  }
0x8a: {  	v25 =	vld [tilespmem:s23+$0x0];
	v10 =	vadd.s32 v10, v13;
	vm3 =	vmand vm1, vm3;
	vm8 =	vgt.s32 v30, $0xFFFFFFFF  }
0x8b: {  	v13, _, _ =	vpop (xrf0);
	vm2 =	vgt.s32 v18, $0xFFFFFFFF;
	vm1 =	vgt.s32 v21, $0xFFFFFFFF;
	vm13 =	vgt.s32 v26, $0xFFFFFFFF  }
0x8c: {  	vm15 =	vgt.s32 v28, $0xFFFFFFFF;
	v12 =	vadd.s32 v13, v12;
	v13 =	vsel vm6, $0x1, v4  }
0x8d: {  	s24 =	sadd.s32 $0x8, s24;
	v27 =	vld [tilespmem:s23+$0x20];
	vm14 =	vlt.s32 v9, $0x40;
	v36 =	vsel vm8, $0x1, v4;
	v15 =	vmpcnt.ones.xlane vm8;
	(xrf0) =	vadd.scan.msk.s32 $0xffff, v13  }
0x8e: {  	p1 =	slt.u32 s24, s22;
	v10 =	vadd.s32 $0xFFFFFFFF, v10;
	v39 =	vsel vm2, $0x1, v4;
	v13 =	vmpcnt.ones.xlane vm2;
	(xrf0) =	vadd.scan.msk.s32 $0xffff, v36  }
.Ltmp8:
0x8f: {  	v19 =	vadd.s32 v31, v15;
	v14 =	vmpcnt.ones.xlane vm1;
	[tilespmem:v61+s16+$0x0] =	vst.idx.msk vm9, v24;
	vm9 =	vgt.s32 v25, $0xFFFFFFFF;
	(pc) =	sbr.rel @!p1 .LBB2_7-.Ltmp8, $4  }
0x90: {  	v32 =	vmpcnt.ones.xlane vm15;
	v17 =	vadd.s32 v19, v13;
	v13 =	vmpcnt.ones.xlane vm9  }
0x91: {  	vm5 =	vlt.s32 v10, $0x40;
	[tilespmem:v63+s16+$0x0] =	vst.idx.msk vm11, v22;
	v22 =	vmpcnt.ones.xlane vm13;
	v14 =	vadd.s32 v17, v14  }
0x92: {  	v12 =	vadd.s32 $0xFFFFFFFF, v12;
	[tilespmem:v62+s16+$0x0] =	vst.idx.msk vm4, v23;
	vm11 =	vgt.s32 v27, $0xFFFFFFFF;
	v15 =	vadd.s32 v14, v13  }
0x93: {  	p0 =	por $0x1, $0x1;
	vm0 =	vlt.s32 v12, $0x40;
	v33 =	vmpcnt.ones.xlane vm11;
	[tilespmem:v35+s16+$0x0] =	vst.idx.msk vm3, v20;
	v34, _, _ =	vpop (xrf0);
	v13 =	vadd.s32 v15, v22  }
.LBB2_8:
0x94: {  	_ = 	snop  }
0x95: {  	v20 =	vsel vm1, $0x1, v4;
	v24, _, _ =	vpop (xrf0);
	(xrf0) =	vadd.scan.msk.s32 $0xffff, v39  }
0x96: {  	v22 =	vsel vm9, $0x1, v4;
	(xrf0) =	vadd.scan.msk.s32 $0xffff, v20;
	v24 =	vadd.s32 v24, v31  }
0x97: {  	(xrf0) =	vadd.scan.msk.s32 $0xffff, v22;
	v22 =	vadd.s32 $0xFFFFFFFF, v24;
	v24 =	vld [tilespmem:$0x1FFC0];
	_ =	sdelay $0x1  }
0x98: {  	vm4 =	vmand vm7, vm0  }
0x99: {  	v61 =	vsel vm13, $0x1, v4;
	v20 =	vadd.s32 v34, v16  }
0x9a: {  	v35 =	vsel vm11, $0x1, v4;
	v31 =	vsel vm15, $0x1, v4;
	v20 =	vadd.s32 $0xFFFFFFFF, v20;
	(xrf0) =	vadd.scan.msk.s32 $0xffff, v61  }
0x9b: {  	vm0 =	vlt.s32 v20, $0x40;
	vm7 =	vlt.s32 v22, $0x40;
	(xrf0) =	vadd.scan.msk.s32 $0xffff, v35;
	vm3 =	vnez.u8 v24;
	v24 =	vld [tilespmem:$0x1FFD0]  }
0x9c: {  	(xrf0) =	vadd.scan.msk.s32 $0xffff, v31;
	v31 =	vimm.s32 $0x0;
	vm3 =	vmand vm3, vm10;
	vm10 =	vmand vm6, vm0  }
0x9d: {  	s23 =	sadd.s32 $0x80, s23;
	vm6 =	vmand vm8, vm7;
	vm8 =	vmand vm12, vm5;
	vm5 =	vmmov vm9  }
0x9e: {  	[tilespmem:v12+s16+$0x0] =	vst.idx.msk vm4, v8;
	v8 =	vld [tilespmem:s23+$0xFFFFFFD0];
	v31 =	vsel vm5, $0xFFFFFFFF, v31  }
0x9f: {  	v23 =	vadd.s32 v13, v33;
	vm5 =	vmmov vm13;
	[tilespmem:$0x1FFC0] =	vst v31;
	v31 =	vimm.s32 $0x0  }
0xa0: {  	v32 =	vadd.s32 v23, v32;
	v31 =	vsel vm5, $0xFFFFFFFF, v31;
	vm0 =	vnez.u8 v24;
	v24, _, _ =	vpop (xrf0)  }
0xa1: {  	vm12 =	vmmov vm11;
	[tilespmem:$0x1FFD0] =	vst v31;
	vm0 =	vmand vm0, vm14;
	v31 =	vadd.s32 v24, v19;
	v24, _, _ =	vpop (xrf0)  }
0xa2: {  	vm7 =	vmmov vm15;
	v62 =	vadd.s32 $0xFFFFFFFF, v31;
	v31 =	vadd.s32 v24, v17;
	[tilespmem:v11+s16+$0x0] =	vst.idx.msk vm3, v7  }
0xa3: {  	v19, _, _ =	vpop (xrf0);
	v24 =	vld [tilespmem:s23+$0xFFFFFFC0];
	[tilespmem:v10+s16+$0x0] =	vst.idx.msk vm8, v6;
	vm8 =	vgt.s32 v8, $0xFFFFFFFF;
	vm9 =	vlt.s32 v62, $0x40;
	v63 =	vadd.s32 $0xFFFFFFFF, v31  }
0xa4: {  	[tilespmem:v20+s16+$0x0] =	vst.idx.msk vm10, v29;
	v14 =	vadd.s32 v19, v14;
	v17, _, _ =	vpop (xrf0);
	v20 =	vmpcnt.ones.xlane vm8;
	vm4 =	vlt.s32 v63, $0x40  }
0xa5: {  	[tilespmem:v22+s16+$0x0] =	vst.idx.msk vm6, v30;
	v19 =	vadd.s32 v17, v15;
	v15, _, _ =	vpop (xrf0);
	v11 =	vadd.s32 $0xFFFFFFFF, v14;
	v14 =	vld [tilespmem:s23+$0xFFFFFFE0];
	vm11 =	vmand vm2, vm9  }
0xa6: {  	v7 =	vmovc v25;
	v30 =	vmovc v8;
	vm10 =	vlt.s32 v11, $0x40;
	v17 =	vadd.s32 $0xFFFFFFFF, v19;
	v19 =	vadd.s32 v15, v13;
	v13 =	vld [tilespmem:s23+$0xFFFFFFF0]  }
0xa7: {  	v25 =	vld [tilespmem:s23+$0x0];
	v12, _, _ =	vpop (xrf0);
	vm15 =	vmand vm1, vm4;
	vm14 =	vlt.s32 v17, $0x40;
	v15 =	vadd.s32 $0xFFFFFFFF, v19;
	[tilespmem:v9+s16+$0x0] =	vst.idx.msk vm0, v5  }
0xa8: {  	v6 =	vmovc v27;
	v12 =	vadd.s32 v12, v23;
	vm5 =	vlt.s32 v15, $0x40;
	v5 =	vmovc v26;
	vm6 =	vgt.s32 v24, $0xFFFFFFFF;
	v26 =	vld [tilespmem:s23+$0x10]  }
0xa9: {  	v27 =	vld [tilespmem:s23+$0x20];
	v12 =	vadd.s32 $0xFFFFFFFF, v12;
	v9 =	vmovc v17;
	v10 =	vmovc v15;
	v15 =	vsel vm6, $0x1, v4;
	v17 =	vmpcnt.ones.xlane vm6  }
0xaa: {  	s24 =	sadd.s32 $0x8, s24;
	v8 =	vmovc v28;
	v28 =	vld [tilespmem:s23+$0x30];
	v19 =	vsel vm8, $0x1, v4;
	vm0 =	vlt.s32 v12, $0x40;
	vm2 =	vgt.s32 v14, $0xFFFFFFFF;
	(xrf0) =	vadd.scan.msk.s32 $0xffff, v15  }
0xab: {  	p1 =	slt.u32 s24, s22;
	v31 =	vadd.s32 v32, v17;
	v15 =	vmpcnt.ones.xlane vm2;
	vm1 =	vgt.s32 v13, $0xFFFFFFFF  }
.Ltmp9:
0xac: {  	vm9 =	vgt.s32 v25, $0xFFFFFFFF;
	(xrf0) =	vadd.scan.msk.s32 $0xffff, v19;
	v19 =	vadd.s32 v31, v20;
	v20 =	vmpcnt.ones.xlane vm1;
	(pc) =	sbr.rel @p1 .LBB2_8-.Ltmp9, $4  }
0xad: {  	v16 =	vmovc v32;
	v29 =	vmovc v24;
	v17 =	vadd.s32 v19, v15;
	v15 =	vmpcnt.ones.xlane vm9;
	vm13 =	vgt.s32 v26, $0xFFFFFFFF  }
0xae: {  	[tilespmem:v62+s16+$0x0] =	vst.idx.msk vm11, v18;
	v18 =	vmovc v14;
	vm11 =	vgt.s32 v27, $0xFFFFFFFF;
	v14 =	vadd.s32 v17, v20;
	v20 =	vmpcnt.ones.xlane vm13  }
0xaf: {  	v39 =	vsel vm2, $0x1, v4;
	[tilespmem:v63+s16+$0x0] =	vst.idx.msk vm15, v21;
	v21 =	vmovc v13;
	vm15 =	vgt.s32 v28, $0xFFFFFFFF;
	v15 =	vadd.s32 v14, v15  }
0xb0: {  	v33 =	vmpcnt.ones.xlane vm11;
	v32 =	vmpcnt.ones.xlane vm15;
	v34, _, _ =	vpop (xrf0);
	v13 =	vadd.s32 v15, v20  }
0xb1: {  	v22 =	vmov v18;
	v18 =	vld [tilespmem:$0x1FFC0]  }
.Ltmp10:
0xb2: {  	v20 =	vimm.s32 $0x0;
	(pc) =	sbr.rel .LBB2_10-.Ltmp10, $4  }
0xb3: {  	v20 =	vsel vm5, $0xFFFFFFFF, v20  }
0xb4: {  	v37 =	vmov v8;
	v38 =	vmov v7  }
0xb5: {  	v35 =	vmovc v5;
	v36 =	vmovc v6;
	v24 =	vmov v29;
	v23 =	vmov v30;
	v7 =	vmov v25  }
0xb6: {  	v5 =	vmovc v26;
	v6 =	vmovc v27;
	v8 =	vmov v28;
	[tilespmem:$0x1FFB0] =	vst v20;
	v20 =	vmov v21;
	vm5 =	vnez.u8 v18  }
.LBB2_7:
0xb7: {  	v22 =	vmov v18;
	v18 =	vld [tilespmem:$0x1FFC0]  }
.Ltmp11:
0xb8: {  	v20 =	vimm.s32 $0x0;
	(pc) =	sbr.rel .LBB2_10-.Ltmp11, $4  }
0xb9: {  	v20 =	vsel vm5, $0xFFFFFFFF, v20  }
0xba: {  	v37 =	vmov v8;
	v38 =	vmov v7  }
0xbb: {  	v35 =	vmovc v5;
	v36 =	vmovc v6;
	v24 =	vmov v29;
	v23 =	vmov v30;
	v7 =	vmov v25  }
0xbc: {  	v5 =	vmovc v26;
	v6 =	vmovc v27;
	v8 =	vmov v28;
	[tilespmem:$0x1FFB0] =	vst v20;
	v20 =	vmov v21;
	vm5 =	vnez.u8 v18  }
.LBB2_12:
0xbd: {  	v6 =	vld [tilespmem:$0x1FFF0]  }
0xbe: {  	v5 =	vld [tilespmem:$0x4000];
	_ =	sdelay $0x3  }
0xbf: {  	vm0 =	vnez.u8 v6  }
0xc0: {  	v6 =	vnsel vm0, $0x80000000, v5  }
0xc1: {  	v6 =	vxor.u32 $0x80000000, v6  }
0xc2: {  	(xrf0) =	vmax.scan.msk.u32 $0xffff, v6;
	_ =	sdelay $0x5  }
0xc3: {  	v6, _, _ =	vpop (xrf0)  }
0xc4: {  	vm11 =	vgt.s32 v16, $0x0;
	v6 =	vxor.u32 $0x80000000, v6  }
0xc5: {  	vm12 =	vgt.s32 v16, v0;
	s19 =	sshll.u32 s18, $0x7;
	v6 =	vnsel vm11, $0x0, v6  }
0xc6: {  	s19 =	sand.u32 $0x3FFFFF80, s19;
	v5 =	vsel vm12, v5, v6  }
0xc7: {  	[tilespmem:s19+$0x6080] =	vst v5  }
0xc8: {  	v5 =	vld [tilespmem:$0x4010];
	_ =	sdelay $0x3  }
0xc9: {  	vm13 =	vgt.s32 v16, v1  }
0xca: {  	v5 =	vsel vm13, v5, v6  }
0xcb: {  	[tilespmem:s19+$0x6090] =	vst v5  }
0xcc: {  	v5 =	vld [tilespmem:$0x4020];
	_ =	sdelay $0x3  }
0xcd: {  	vm14 =	vgt.s32 v16, v2  }
0xce: {  	v5 =	vsel vm14, v5, v6  }
0xcf: {  	[tilespmem:s19+$0x60A0] =	vst v5  }
0xd0: {  	v5 =	vld [tilespmem:$0x4030]  }
0xd1: {  	p0 =	seq.s32 s18, $0x7F  }
0xd2: {  	s20 =	sadd.s32 @!p0 $0x2, s20  }
0xd3: {  	s21 =	sshll.u32 @!p0 s20, $0x4  }
0xd4: {  	vm15 =	vgt.s32 v16, v3;
	s22 =	simm.s32 @!p0 $0x400;
	s20 =	sshll.u32 @!p0 s20, $0xA;
	s21 =	sand.u32 @!p0 $0x60, s21  }
0xd5: {  	s23 =	simm.s32 @!p0 $0x0;
	s20 =	sand.u32 @!p0 $0xFFFE000, s20;
	s21 =	sadd.s32 @!p0 s2, s21;
	v5 =	vsel vm15, v5, v6  }
.Ltmp12:
0xd6: {  	s20 =	sadd.s32 @!p0 s20, s21;
	s21 =	simm.s32 @!p0 $0x80;
	[tilespmem:s19+$0x60B0] =	vst v5;
	(pc) =	sbr.rel .LBB2_13-.Ltmp12, $4  }
0xd7: {  	[tilespmem:s23], [sflag:$0x1] =	stream.strided.gather @!p0 [hbm4b:s20+s21], $0x2000, s22, s21, $0x38;
	[tilespmem:$0xA080] =	vst v63  }
0xd8: {  	_ =	swait.ge [sflag:s13], $0x2000  }
0xd9: {  	[sflag:s13] =	ssyncset.done $0x0  }
0xda: {  	v16 =	vimm.s32 $0x0;
	s20 =	simm.s32 $0x0;
	s21 =	simm.s32 $0x2040;
	[sflag:s13] =	ssyncadd.s32 $0xFFFFE000  }
.LBB2_15:
0xdb: {  	_ = 	snop  }
0xdc: {  	_ = 	snop  }
.LBB2_20:
0xdd: {  	v18 =	vsel vm1, $0x1, v4;
	(xrf0) =	vadd.scan.msk.s32 $0xffff, v39  }
0xde: {  	v21 =	vsel vm9, $0x1, v4;
	(xrf0) =	vadd.scan.msk.s32 $0xffff, v18  }
0xdf: {  	v28 =	vld [tilespmem:$0x1FF90];
	v18 =	vsel vm13, $0x1, v4;
	(xrf0) =	vadd.scan.msk.s32 $0xffff, v21  }
0xe0: {  	v54 =	vsel vm11, $0x1, v4;
	v16 =	vadd.s32 v34, v16;
	(xrf0) =	vadd.scan.msk.s32 $0xffff, v18  }
0xe1: {  	v55, _, _ =	vpop (xrf0);
	vm4 =	vmand @p0 vm7, vm0;
	vm5 =	vmand @p0 vm5, vm10;
	v29 =	vld [tilespmem:$0x1FF70];
	v18 =	vsel vm15, $0x1, v4;
	(xrf0) =	vadd.scan.msk.s32 $0xffff, v54  }
0xe2: {  	v57 =	vadd.s32 v13, v33;
	v16 =	vadd.s32 $0xFFFFFFFF, v16;
	(xrf0) =	vadd.scan.msk.s32 $0xffff, v18;
	v18 =	vadd.s32 v55, v31  }
0xe3: {  	vm10 =	vmmov vm13;
	vm0 =	vlt.s32 v16, $0x40;
	v18 =	vadd.s32 $0xFFFFFFFF, v18  }
0xe4: {  	vm6 =	vmand vm6, vm0;
	vm0 =	vnez.u8 v28;
	v56, _, _ =	vpop (xrf0);
	vm3 =	vlt.s32 v18, $0x40  }
0xe5: {  	vm0 =	vmand @p0 vm0, vm14;
	v25, _, _ =	vpop (xrf0);
	v19 =	vadd.s32 v56, v19;
	vm7 =	vmand vm8, vm3  }
0xe6: {  	v26, _, _ =	vpop (xrf0);
	vm3 =	vnez.u8 v29;
	v19 =	vadd.s32 $0xFFFFFFFF, v19;
	v17 =	vadd.s32 v25, v17  }
0xe7: {  	v27, _, _ =	vpop (xrf0);
	vm3 =	vmand @p0 vm12, vm3;
	vm12 =	vlt.s32 v19, $0x40;
	v17 =	vadd.s32 $0xFFFFFFFF, v17  }
0xe8: {  	v60 =	vadd.s32 v26, v14;
	v58, _, _ =	vpop (xrf0);
	vm2 =	vmand vm2, vm12;
	vm14 =	vlt.s32 v17, $0x40  }
0xe9: {  	vm12 =	vmmov vm15;
	vm15 =	vmmov vm9;
	v62 =	vadd.s32 v27, v15;
	v59, _, _ =	vpop (xrf0)  }
0xea: {  	[tilespmem:v12+s16+$0x0] =	vst.idx.msk @p0 vm4, v37;
	v61 =	vadd.s32 $0xFFFFFFFF, v60;
	v12 =	vadd.s32 $0xFFFFFFFF, v62;
	v25 =	vadd.s32 v59, v57  }
0xeb: {  	[tilespmem:v11+s16+$0x0] =	vst.idx.msk @p0 vm5, v38;
	vm1 =	vmand vm1, vm14;
	vm13 =	vlt.s32 v12, $0x40;
	v25 =	vadd.s32 $0xFFFFFFFF, v25  }
0xec: {  	[tilespmem:v16+s16+$0x0] =	vst.idx.msk vm6, v24;
	v63 =	vadd.s32 v58, v13;
	vm5 =	vmand vm10, vm13;
	vm14 =	vlt.s32 v25, $0x40  }
0xed: {  	v13 =	vadd.s32 $0xFFFFFFFF, v63;
	[tilespmem:v9+s16+$0x0] =	vst.idx.msk @p0 vm0, v35;
	vm4 =	vmand vm12, vm14;
	vm12 =	vlt.s32 v61, $0x40  }
0xee: {  	[tilespmem:v18+s16+$0x0] =	vst.idx.msk vm7, v23;
	vm14 =	vmmov vm11;
	vm6 =	vmand vm15, vm12;
	vm15 =	vlt.s32 v13, $0x40  }
0xef: {  	[tilespmem:v10+s16+$0x0] =	vst.idx.msk @p0 vm3, v36;
	vm0 =	vmand vm14, vm15  }
0xf0: {  	[tilespmem:v19+s16+$0x0] =	vst.idx.msk vm2, v22  }
0xf1: {  	[tilespmem:v17+s16+$0x0] =	vst.idx.msk vm1, v20  }
0xf2: {  	[tilespmem:v12+s16+$0x0] =	vst.idx.msk vm5, v5  }
0xf3: {  	[tilespmem:v25+s16+$0x0] =	vst.idx.msk vm4, v8  }
0xf4: {  	[tilespmem:v61+s16+$0x0] =	vst.idx.msk vm6, v7  }
0xf5: {  	v16 =	vadd.s32 v57, v32;
	[tilespmem:v13+s16+$0x0] =	vst.idx.msk vm0, v6  }
.LBB2_21:
0xf6: {  	s20 =	sadd.s32 $0x1, s20  }
0xf7: {  	p0 =	sne.s32 s20, $0x10  }
.Ltmp13:
0xf8: {  	_ = 	snop;
	(pc) =	sbr.rel @!p0 .LBB2_22-.Ltmp13, $2  }
0xf9: {  	_ =	sdelay $0x2  }
0xfa: {  	s21 =	sadd.s32 $0x200, s21  }
.LBB2_13:
0xfb: {  	(v2sf) =	vpush v16, $0x0;
	_ =	sdelay $0xe  }
0xfc: {  	s22 =	spop (v2sf)  }
0xfd: {  	p0 =	sgt.s32 s22, $0x3F  }
.Ltmp14:
0xfe: {  	_ = 	snop;
	(pc) =	sbr.rel @p0 .LBB2_21-.Ltmp14, $1  }
0xff: {  	_ =	sdelay $0x3  }
0x100: {  	v24 =	vld [tilespmem:s21+$0xFFFFFFC0]  }
0x101: {  	v23 =	vld [tilespmem:s21+$0xFFFFFFD0]  }
0x102: {  	v22 =	vld [tilespmem:s21+$0xFFFFFFE0]  }
0x103: {  	v20 =	vld [tilespmem:s21+$0xFFFFFFF0]  }
0x104: {  	v7 =	vld [tilespmem:s21+$0x0]  }
0x105: {  	v5 =	vld [tilespmem:s21+$0x10]  }
0x106: {  	v6 =	vld [tilespmem:s21+$0x20];
	vm6 =	vgt.s32 v24, $0xFFFFFFFF  }
0x107: {  	s23 =	sshll.u32 s20, $0x5;
	vm8 =	vgt.s32 v23, $0xFFFFFFFF;
	v9 =	vsel vm6, $0x1, v4;
	v10 =	vmpcnt.ones.xlane vm6  }
0x108: {  	v8 =	vld [tilespmem:s21+$0x30];
	s22 =	sadd.s32 $0x20, s23;
	s24 =	sadd.s32 $0x8, s23;
	vm2 =	vgt.s32 v22, $0xFFFFFFFF;
	vm1 =	vgt.s32 v20, $0xFFFFFFFF;
	v12 =	vmpcnt.ones.xlane vm8;
	(xrf0) =	vadd.scan.msk.s32 $0xffff, v9  }
0x109: {  	p1 =	slt.u32 s24, s22;
	vm9 =	vgt.s32 v7, $0xFFFFFFFF;
	v9 =	vmpcnt.ones.xlane vm2;
	v31 =	vadd.s32 v16, v10  }
.Ltmp15:
0x10a: {  	vm13 =	vgt.s32 v5, $0xFFFFFFFF;
	v10 =	vmpcnt.ones.xlane vm1;
	v19 =	vadd.s32 v31, v12;
	(pc) =	sbr.rel @!p1 .LBB2_15-.Ltmp15, $4  }
0x10b: {  	vm11 =	vgt.s32 v6, $0xFFFFFFFF;
	v17 =	vadd.s32 v19, v9;
	v9 =	vmpcnt.ones.xlane vm9  }
0x10c: {  	v11 =	vsel vm8, $0x1, v4;
	v14 =	vadd.s32 v17, v10;
	v10 =	vmpcnt.ones.xlane vm13  }
0x10d: {  	vm15 =	vgt.s32 v8, $0xFFFFFFFF;
	v33 =	vmpcnt.ones.xlane vm11;
	(xrf0) =	vadd.scan.msk.s32 $0xffff, v11;
	v15 =	vadd.s32 v14, v9  }
0x10e: {  	p0 =	por $0x0, $0x0;
	v39 =	vsel vm2, $0x1, v4;
	v32 =	vmpcnt.ones.xlane vm15;
	v13 =	vadd.s32 v15, v10;
	v34, _, _ =	vpop (xrf0)  }
0x10f: {  	_ = 	snop  }
0x110: {  	v9 =	vsel vm1, $0x1, v4  }
0x111: {  	v16 =	vadd.s32 v34, v16  }
0x112: {  	(xrf0) =	vadd.scan.msk.s32 $0xffff, v39;
	v61 =	vadd.s32 $0xFFFFFFFF, v16  }
0x113: {  	v10 =	vsel vm9, $0x1, v4;
	(xrf0) =	vadd.scan.msk.s32 $0xffff, v9;
	vm0 =	vlt.s32 v61, $0x40;
	v9, _, _ =	vpop (xrf0)  }
0x114: {  	v11 =	vsel vm13, $0x1, v4;
	vm0 =	vmand vm6, vm0;
	(xrf0) =	vadd.scan.msk.s32 $0xffff, v10;
	v9 =	vadd.s32 v9, v31  }
0x115: {  	v10 =	vsel vm11, $0x1, v4;
	(xrf0) =	vadd.scan.msk.s32 $0xffff, v11;
	v62 =	vadd.s32 $0xFFFFFFFF, v9;
	v9 =	vimm.s32 $0x0  }
0x116: {  	(xrf0) =	vadd.scan.msk.s32 $0xffff, v10;
	v10 =	vimm.s32 $0x0;
	v9 =	vsel vm0, $0xFFFFFFFF, v9;
	vm0 =	vmmov vm9  }
0x117: {  	v10 =	vsel vm0, $0xFFFFFFFF, v10  }
0x118: {  	vm0 =	vmmov vm13;
	[tilespmem:$0x1FF80] =	vst v10;
	v10 =	vimm.s32 $0x0  }
0x119: {  	[tilespmem:$0x1FFA0] =	vst v9;
	v10 =	vsel vm0, $0xFFFFFFFF, v10  }
0x11a: {  	s23 =	sadd.s32 $0x80, s21;
	[tilespmem:$0x1FF90] =	vst v10  }
0x11b: {  	v29 =	vld [tilespmem:s23+$0xFFFFFFC0];
	_ =	sdelay $0x2  }
0x11c: {  	v9, _, _ =	vpop (xrf0)  }
0x11d: {  	v12 =	vadd.s32 v13, v33;
	v9 =	vadd.s32 v9, v19;
	v10, _, _ =	vpop (xrf0)  }
0x11e: {  	v63 =	vadd.s32 $0xFFFFFFFF, v9;
	v9 =	vadd.s32 v10, v17;
	v10, _, _ =	vpop (xrf0);
	vm6 =	vgt.s32 v29, $0xFFFFFFFF  }
0x11f: {  	v30 =	vld [tilespmem:s23+$0xFFFFFFD0];
	v35 =	vadd.s32 $0xFFFFFFFF, v9;
	v9 =	vadd.s32 v10, v14;
	v14 =	vmpcnt.ones.xlane vm6  }
0x120: {  	v16 =	vadd.s32 v12, v32;
	v18 =	vld [tilespmem:s23+$0xFFFFFFE0]  }
0x121: {  	v11 =	vsel vm15, $0x1, v4;
	v31 =	vadd.s32 v16, v14;
	v14 =	vld [tilespmem:$0x1FFA0]  }
0x122: {  	(xrf0) =	vadd.scan.msk.s32 $0xffff, v11;
	v21 =	vld [tilespmem:s23+$0xFFFFFFF0]  }
0x123: {  	vm12 =	vmmov vm11;
	vm3 =	vlt.s32 v62, $0x40;
	v26 =	vld [tilespmem:s23+$0x10];
	vm0 =	vlt.s32 v63, $0x40  }
0x124: {  	vm7 =	vmmov vm15;
	vm4 =	vmand vm8, vm3;
	v28 =	vld [tilespmem:s23+$0x30];
	vm11 =	vmand vm2, vm0;
	v10, _, _ =	vpop (xrf0)  }
0x125: {  	vm3 =	vlt.s32 v35, $0x40;
	v11 =	vadd.s32 $0xFFFFFFFF, v9;
	v9 =	vadd.s32 v10, v15  }
0x126: {  	v10, _, _ =	vpop (xrf0);
	vm10 =	vlt.s32 v11, $0x40;
	v9 =	vadd.s32 $0xFFFFFFFF, v9;
	vm9 =	vnez.u8 v14  }
0x127: {  	v25 =	vld [tilespmem:s23+$0x0];
	v10 =	vadd.s32 v10, v13;
	vm3 =	vmand vm1, vm3;
	vm8 =	vgt.s32 v30, $0xFFFFFFFF  }
0x128: {  	v13, _, _ =	vpop (xrf0);
	vm2 =	vgt.s32 v18, $0xFFFFFFFF;
	vm1 =	vgt.s32 v21, $0xFFFFFFFF;
	vm13 =	vgt.s32 v26, $0xFFFFFFFF  }
0x129: {  	vm15 =	vgt.s32 v28, $0xFFFFFFFF;
	v12 =	vadd.s32 v13, v12;
	v13 =	vsel vm6, $0x1, v4  }
0x12a: {  	s24 =	sadd.s32 $0x8, s24;
	v27 =	vld [tilespmem:s23+$0x20];
	vm14 =	vlt.s32 v9, $0x40;
	v36 =	vsel vm8, $0x1, v4;
	v15 =	vmpcnt.ones.xlane vm8;
	(xrf0) =	vadd.scan.msk.s32 $0xffff, v13  }
0x12b: {  	p1 =	slt.u32 s24, s22;
	v10 =	vadd.s32 $0xFFFFFFFF, v10;
	v39 =	vsel vm2, $0x1, v4;
	v13 =	vmpcnt.ones.xlane vm2;
	(xrf0) =	vadd.scan.msk.s32 $0xffff, v36  }
.Ltmp16:
0x12c: {  	v19 =	vadd.s32 v31, v15;
	v14 =	vmpcnt.ones.xlane vm1;
	[tilespmem:v61+s16+$0x0] =	vst.idx.msk vm9, v24;
	vm9 =	vgt.s32 v25, $0xFFFFFFFF;
	(pc) =	sbr.rel @!p1 .LBB2_17-.Ltmp16, $4  }
0x12d: {  	v32 =	vmpcnt.ones.xlane vm15;
	v17 =	vadd.s32 v19, v13;
	v13 =	vmpcnt.ones.xlane vm9  }
0x12e: {  	vm5 =	vlt.s32 v10, $0x40;
	[tilespmem:v63+s16+$0x0] =	vst.idx.msk vm11, v22;
	v22 =	vmpcnt.ones.xlane vm13;
	v14 =	vadd.s32 v17, v14  }
0x12f: {  	v12 =	vadd.s32 $0xFFFFFFFF, v12;
	[tilespmem:v62+s16+$0x0] =	vst.idx.msk vm4, v23;
	vm11 =	vgt.s32 v27, $0xFFFFFFFF;
	v15 =	vadd.s32 v14, v13  }
0x130: {  	p0 =	por $0x1, $0x1;
	vm0 =	vlt.s32 v12, $0x40;
	v33 =	vmpcnt.ones.xlane vm11;
	[tilespmem:v35+s16+$0x0] =	vst.idx.msk vm3, v20;
	v34, _, _ =	vpop (xrf0);
	v13 =	vadd.s32 v15, v22  }
.LBB2_18:
0x131: {  	_ = 	snop  }
0x132: {  	v20 =	vsel vm1, $0x1, v4;
	v24, _, _ =	vpop (xrf0);
	(xrf0) =	vadd.scan.msk.s32 $0xffff, v39  }
0x133: {  	v22 =	vsel vm9, $0x1, v4;
	(xrf0) =	vadd.scan.msk.s32 $0xffff, v20;
	v24 =	vadd.s32 v24, v31  }
0x134: {  	(xrf0) =	vadd.scan.msk.s32 $0xffff, v22;
	v22 =	vadd.s32 $0xFFFFFFFF, v24;
	v24 =	vld [tilespmem:$0x1FF80];
	_ =	sdelay $0x1  }
0x135: {  	vm4 =	vmand vm7, vm0  }
0x136: {  	v61 =	vsel vm13, $0x1, v4;
	v20 =	vadd.s32 v34, v16  }
0x137: {  	v35 =	vsel vm11, $0x1, v4;
	v31 =	vsel vm15, $0x1, v4;
	v20 =	vadd.s32 $0xFFFFFFFF, v20;
	(xrf0) =	vadd.scan.msk.s32 $0xffff, v61  }
0x138: {  	vm0 =	vlt.s32 v20, $0x40;
	vm7 =	vlt.s32 v22, $0x40;
	(xrf0) =	vadd.scan.msk.s32 $0xffff, v35;
	vm3 =	vnez.u8 v24;
	v24 =	vld [tilespmem:$0x1FF90]  }
0x139: {  	(xrf0) =	vadd.scan.msk.s32 $0xffff, v31;
	v31 =	vimm.s32 $0x0;
	vm3 =	vmand vm3, vm10;
	vm10 =	vmand vm6, vm0  }
0x13a: {  	s23 =	sadd.s32 $0x80, s23;
	vm6 =	vmand vm8, vm7;
	vm8 =	vmand vm12, vm5;
	vm5 =	vmmov vm9  }
0x13b: {  	[tilespmem:v12+s16+$0x0] =	vst.idx.msk vm4, v8;
	v8 =	vld [tilespmem:s23+$0xFFFFFFD0];
	v31 =	vsel vm5, $0xFFFFFFFF, v31  }
0x13c: {  	v23 =	vadd.s32 v13, v33;
	vm5 =	vmmov vm13;
	[tilespmem:$0x1FF80] =	vst v31;
	v31 =	vimm.s32 $0x0  }
0x13d: {  	v32 =	vadd.s32 v23, v32;
	v31 =	vsel vm5, $0xFFFFFFFF, v31;
	vm0 =	vnez.u8 v24;
	v24, _, _ =	vpop (xrf0)  }
0x13e: {  	vm12 =	vmmov vm11;
	[tilespmem:$0x1FF90] =	vst v31;
	vm0 =	vmand vm0, vm14;
	v31 =	vadd.s32 v24, v19;
	v24, _, _ =	vpop (xrf0)  }
0x13f: {  	vm7 =	vmmov vm15;
	v62 =	vadd.s32 $0xFFFFFFFF, v31;
	v31 =	vadd.s32 v24, v17;
	[tilespmem:v11+s16+$0x0] =	vst.idx.msk vm3, v7  }
0x140: {  	v19, _, _ =	vpop (xrf0);
	v24 =	vld [tilespmem:s23+$0xFFFFFFC0];
	[tilespmem:v10+s16+$0x0] =	vst.idx.msk vm8, v6;
	vm8 =	vgt.s32 v8, $0xFFFFFFFF;
	vm9 =	vlt.s32 v62, $0x40;
	v63 =	vadd.s32 $0xFFFFFFFF, v31  }
0x141: {  	[tilespmem:v20+s16+$0x0] =	vst.idx.msk vm10, v29;
	v14 =	vadd.s32 v19, v14;
	v17, _, _ =	vpop (xrf0);
	v20 =	vmpcnt.ones.xlane vm8;
	vm4 =	vlt.s32 v63, $0x40  }
0x142: {  	[tilespmem:v22+s16+$0x0] =	vst.idx.msk vm6, v30;
	v19 =	vadd.s32 v17, v15;
	v15, _, _ =	vpop (xrf0);
	v11 =	vadd.s32 $0xFFFFFFFF, v14;
	v14 =	vld [tilespmem:s23+$0xFFFFFFE0];
	vm11 =	vmand vm2, vm9  }
0x143: {  	v7 =	vmovc v25;
	v30 =	vmovc v8;
	vm10 =	vlt.s32 v11, $0x40;
	v17 =	vadd.s32 $0xFFFFFFFF, v19;
	v19 =	vadd.s32 v15, v13;
	v13 =	vld [tilespmem:s23+$0xFFFFFFF0]  }
0x144: {  	v25 =	vld [tilespmem:s23+$0x0];
	v12, _, _ =	vpop (xrf0);
	vm15 =	vmand vm1, vm4;
	vm14 =	vlt.s32 v17, $0x40;
	v15 =	vadd.s32 $0xFFFFFFFF, v19;
	[tilespmem:v9+s16+$0x0] =	vst.idx.msk vm0, v5  }
0x145: {  	v6 =	vmovc v27;
	v12 =	vadd.s32 v12, v23;
	vm5 =	vlt.s32 v15, $0x40;
	v5 =	vmovc v26;
	vm6 =	vgt.s32 v24, $0xFFFFFFFF;
	v26 =	vld [tilespmem:s23+$0x10]  }
0x146: {  	v27 =	vld [tilespmem:s23+$0x20];
	v12 =	vadd.s32 $0xFFFFFFFF, v12;
	v9 =	vmovc v17;
	v10 =	vmovc v15;
	v15 =	vsel vm6, $0x1, v4;
	v17 =	vmpcnt.ones.xlane vm6  }
0x147: {  	s24 =	sadd.s32 $0x8, s24;
	v8 =	vmovc v28;
	v28 =	vld [tilespmem:s23+$0x30];
	v19 =	vsel vm8, $0x1, v4;
	vm0 =	vlt.s32 v12, $0x40;
	vm2 =	vgt.s32 v14, $0xFFFFFFFF;
	(xrf0) =	vadd.scan.msk.s32 $0xffff, v15  }
0x148: {  	p1 =	slt.u32 s24, s22;
	v31 =	vadd.s32 v32, v17;
	v15 =	vmpcnt.ones.xlane vm2;
	vm1 =	vgt.s32 v13, $0xFFFFFFFF  }
.Ltmp17:
0x149: {  	vm9 =	vgt.s32 v25, $0xFFFFFFFF;
	(xrf0) =	vadd.scan.msk.s32 $0xffff, v19;
	v19 =	vadd.s32 v31, v20;
	v20 =	vmpcnt.ones.xlane vm1;
	(pc) =	sbr.rel @p1 .LBB2_18-.Ltmp17, $4  }
0x14a: {  	v16 =	vmovc v32;
	v29 =	vmovc v24;
	v17 =	vadd.s32 v19, v15;
	v15 =	vmpcnt.ones.xlane vm9;
	vm13 =	vgt.s32 v26, $0xFFFFFFFF  }
0x14b: {  	[tilespmem:v62+s16+$0x0] =	vst.idx.msk vm11, v18;
	v18 =	vmovc v14;
	vm11 =	vgt.s32 v27, $0xFFFFFFFF;
	v14 =	vadd.s32 v17, v20;
	v20 =	vmpcnt.ones.xlane vm13  }
0x14c: {  	v39 =	vsel vm2, $0x1, v4;
	[tilespmem:v63+s16+$0x0] =	vst.idx.msk vm15, v21;
	v21 =	vmovc v13;
	vm15 =	vgt.s32 v28, $0xFFFFFFFF;
	v15 =	vadd.s32 v14, v15  }
0x14d: {  	v33 =	vmpcnt.ones.xlane vm11;
	v32 =	vmpcnt.ones.xlane vm15;
	v34, _, _ =	vpop (xrf0);
	v13 =	vadd.s32 v15, v20  }
0x14e: {  	v22 =	vmov v18;
	v18 =	vld [tilespmem:$0x1FF80]  }
.Ltmp18:
0x14f: {  	v20 =	vimm.s32 $0x0;
	(pc) =	sbr.rel .LBB2_20-.Ltmp18, $4  }
0x150: {  	v20 =	vsel vm5, $0xFFFFFFFF, v20  }
0x151: {  	v37 =	vmov v8;
	v38 =	vmov v7  }
0x152: {  	v35 =	vmovc v5;
	v36 =	vmovc v6;
	v24 =	vmov v29;
	v23 =	vmov v30;
	v7 =	vmov v25  }
0x153: {  	v5 =	vmovc v26;
	v6 =	vmovc v27;
	v8 =	vmov v28;
	[tilespmem:$0x1FF70] =	vst v20;
	v20 =	vmov v21;
	vm5 =	vnez.u8 v18  }
.LBB2_17:
0x154: {  	v22 =	vmov v18;
	v18 =	vld [tilespmem:$0x1FF80]  }
.Ltmp19:
0x155: {  	v20 =	vimm.s32 $0x0;
	(pc) =	sbr.rel .LBB2_20-.Ltmp19, $4  }
0x156: {  	v20 =	vsel vm5, $0xFFFFFFFF, v20  }
0x157: {  	v37 =	vmov v8;
	v38 =	vmov v7  }
0x158: {  	v35 =	vmovc v5;
	v36 =	vmovc v6;
	v24 =	vmov v29;
	v23 =	vmov v30;
	v7 =	vmov v25  }
0x159: {  	v5 =	vmovc v26;
	v6 =	vmovc v27;
	v8 =	vmov v28;
	[tilespmem:$0x1FF70] =	vst v20;
	v20 =	vmov v21;
	vm5 =	vnez.u8 v18  }
.LBB2_24:
0x15a: {  	_ =	sfence.sel $0x180000  }
0x15b: {  	[bflag:$0x0] =	sbarrier.arrive $0xFFFF  }
0x15c: {  	p0 =	sne.s32 s1, $0x0;
	_ =	strace $0x90000047  }
0x15d: {  	s0 =	sadd.s32 @!p0 $0x100000, s0;
	[bflag:$0x2] =	sbarrier.arrive $0xFFFF  }
0x15e: {  	[sflag:s0] =	ssyncadd.tile.s32 @!p0 $0x1;
	_ =	shalt  }
.Lfunc_end2:
_tile_overlayer_lowered:
.L_overlay_start_2:
0x15f: {  	(tag) =	ssettag $0x2  }
0x160: {  	s0 =	rddreg [dreg:$0x0];
	s2 =	stileid.u32  }
0x161: {  	s1 =	rddreg [dreg:$0x1];
	p0 =	sne.s32 s2, $0x0  }
0x162: {  	s3 =	rddreg [dreg:$0x2];
	[bflag:$0x3] =	sbarrier.arrive $0xFFFF;
	s2 =	simm.s32 @!p0 $0x1C03  }
0x163: {  	[timem:s3], [sflag:s2] =	dma.local @!p0 [hbm:s0], s1  }
0x164: {  	s0 =	simm.s32 @!p0 $0x3  }
0x165: {  	_ =	swait.ge @!p0 [sflag:s0], s1  }
0x166: {  	s1 =	ssub.s32 @!p0 $0x0, s1;
	[sflag:s0] =	ssyncset.done @!p0 $0x0  }
0x167: {  	[sflag:s0] =	ssyncadd.s32 @!p0 s1  }
0x168: {  	[bflag:$0x3] =	sbarrier.arrive $0xFFFF  }
0x169: {  	_ =	shalt  }

// kernel: kernel.8.cloned.1.call-start
scs
__scs_entry_jumppad:
0x0: {  	(pc) =	sbr.rel $0x88, $3  }
0x1: {  	(tag) =	ssettag $0x0;
	lr =	simm.s32 $0x1  }
0x2: {  	[smem:$0x3F9D] =	sst lr;
	_ =	strace $0xD0000000  }
0x3: {  	_ = 	snop  }
0x4: {  	_ = 	snop  }
0x5: {  	_ = 	snop  }
0x6: {  	_ = 	snop  }
0x7: {  	_ = 	snop  }
__scs_overlays_trampoline_lowered:
0x8: {  	[smem:$0x3FAC] =	sst s0  }
0x9: {  	[smem:$0x3FAD] =	sst s1  }
0xa: {  	[smem:$0x3FAE] =	sst s2  }
0xb: {  	[smem:$0x3FAF] =	sst s3  }
0xc: {  	[smem:$0x3FB0] =	sst s4  }
0xd: {  	[smem:$0x3FB1] =	sst s5  }
0xe: {  	[smem:$0x3FB2] =	sst s6  }
0xf: {  	[smem:$0x3FB3] =	sst s7  }
0x10: {  	[smem:$0x3FB4] =	sst s8  }
0x11: {  	[smem:$0x3FB5] =	sst s9;
	s0 =	simm.s32 @!p0 $0x0  }
0x12: {  	s1 =	sld [smem:$0x3F9B];
	s0 =	simm.s32 @p0 $0x1  }
0x13: {  	[smem:$0x3FB6] =	sst s0;
	s0 =	simm.s32 @!p1 $0x0  }
0x14: {  	s2 =	sld [smem:$0x3F9A];
	s0 =	simm.s32 @p1 $0x1  }
0x15: {  	[smem:$0x3FB7] =	sst s0;
	s0 =	simm.s32 @!p2 $0x0  }
0x16: {  	s3 =	sld [smem:$0x3FDB];
	s0 =	simm.s32 @p2 $0x1  }
0x17: {  	s4 =	simm.s32 $0x1BF5;
	[smem:$0x3FB9] =	sst s0  }
0x18: {  	s0 =	sld [smem:$0x3F9C];
	_ =	swait.ge [sflag:s4], $0x0  }
0x19: {  	s7 =	sld [smem:$0x3F9D]  }
0x1a: {  	s8 =	sadd.s32 $0xFFFFE003, lr  }
0x1b: {  	s9 =	sadd.s32 $0xFFFFFEF7, lr;
	s5 =	simm.s32 $0xFFFFFFFF;
	p2 =	slt.u32 s8, $0xFFFFF086  }
0x1c: {  	p1 =	slt.u32 s9, $0xF7A;
	s5 =	simm.s32 @!p2 $0x0  }
0x1d: {  	s5 =	simm.s32 @p1 $0x1;
	p0 =	seq.s32 s7, s2  }
0x1e: {  	s7 =	smul.u32 @!p0 $0xF7A, s2;
	p2 =	seq.s32 @!p0 s5, $0x0  }
0x1f: {  	s9 =	smul.u32 $0xF7A, s1;
	s8 =	simm.s32 @!p0 $0x1BF5;
	p2 =	por !p2, p0  }
0x20: {  	[sflag:s8] =	ssyncset.s32 @!p0 $0xFFFFF086;
	s6 =	sadd.s32 @!p0 s3, s7;
	s7 =	simm.s32 @!p0 $0x108  }
0x21: {  	s3 =	sadd.s32 s3, s9;
	s6 =	sadd.s32 @!p0 $0x88, s6;
	s7 =	simm.s32 @p2 $0x1082  }
0x22: {  	[simem:s7], [sflag:s8] =	dma.local @!p0 [hbm:s6], $0xF7A  }
0x23: {  	s9 =	sor.u32 $0xD0000000, s2;
	s6 =	simm.s32 $0x108;
	_ =	swait.ge @!p0 [sflag:s8], $0x0  }
0x24: {  	s3 =	sadd.s32 $0x88, s3;
	s6 =	simm.s32 @!p1 $0x1082;
	[sflag:s4] =	ssyncset.s32 $0xFFFFF086  }
0x25: {  	[simem:s6], [sflag:s4] =	dma.local [hbm:s3], $0xF7A  }
0x26: {  	[smem:$0x3F9D] =	sst s1;
	(tag) =	ssettag s2;
	_ =	strace s9  }
0x27: {  	s1 =	sld [smem:$0x3FAD]  }
0x28: {  	s2 =	sld [smem:$0x3FAE]  }
0x29: {  	s4 =	sld [smem:$0x3FB0]  }
0x2a: {  	p0 =	seq.s32 s5, $0x0;
	s5 =	sld [smem:$0x3FB1]  }
0x2b: {  	s6 =	sld [smem:$0x3FB2]  }
0x2c: {  	s7 =	sld [smem:$0x3FB3]  }
0x2d: {  	s3 =	simm.s32 $0x108;
	s8 =	sld [smem:$0x3FB4]  }
0x2e: {  	s3 =	simm.s32 @!p0 $0x1082;
	s9 =	sld [smem:$0x3FB5]  }
0x2f: {  	lr =	sadd.s32 s0, s3;
	s0 =	sld [smem:$0x3FAC]  }
0x30: {  	s3 =	sld [smem:$0x3FAF]  }
0x31: {  	[smem:$0x3FB8] =	sst s10  }
0x32: {  	s10 =	sld [smem:$0x3FB6];
	_ =	sdelay $0x3  }
0x33: {  	p0 =	seq.s32 s10, $0x1;
	s10 =	sld [smem:$0x3FB8];
	_ =	sdelay $0x3  }
0x34: {  	[smem:$0x3FB8] =	sst s10  }
0x35: {  	s10 =	sld [smem:$0x3FB7];
	_ =	sdelay $0x3  }
0x36: {  	p1 =	seq.s32 s10, $0x1;
	s10 =	sld [smem:$0x3FB8];
	_ =	sdelay $0x3  }
0x37: {  	[smem:$0x3FB8] =	sst s10  }
0x38: {  	s10 =	sld [smem:$0x3FB9]  }
0x39: {  	_ = 	snop;
	(pc) =	sbr.ind lr, $3  }
0x3a: {  	_ = 	snop  }
0x3b: {  	_ = 	snop  }
0x3c: {  	p2 =	seq.s32 s10, $0x1;
	s10 =	sld [smem:$0x3FB8]  }
0x3d: {  	_ =	shalt  }
0x3e: {  	_ =	shalt  }
0x3f: {  	_ =	shalt  }
0x40: {  	_ =	shalt  }
0x41: {  	_ =	shalt  }
0x42: {  	_ =	shalt  }
0x43: {  	_ =	shalt  }
0x44: {  	_ =	shalt  }
0x45: {  	_ =	shalt  }
0x46: {  	_ =	shalt  }
0x47: {  	_ =	shalt  }
0x48: {  	_ =	shalt  }
0x49: {  	_ =	shalt  }
0x4a: {  	_ =	shalt  }
0x4b: {  	_ =	shalt  }
0x4c: {  	_ =	shalt  }
0x4d: {  	_ =	shalt  }
0x4e: {  	_ =	shalt  }
0x4f: {  	_ =	shalt  }
0x50: {  	_ =	shalt  }
0x51: {  	_ =	shalt  }
0x52: {  	_ =	shalt  }
0x53: {  	_ =	shalt  }
0x54: {  	_ =	shalt  }
0x55: {  	_ =	shalt  }
0x56: {  	_ =	shalt  }
0x57: {  	_ =	shalt  }
0x58: {  	_ =	shalt  }
0x59: {  	_ =	shalt  }
0x5a: {  	_ =	shalt  }
0x5b: {  	_ =	shalt  }
0x5c: {  	_ =	shalt  }
0x5d: {  	_ =	shalt  }
0x5e: {  	_ =	shalt  }
0x5f: {  	_ =	shalt  }
0x60: {  	_ =	shalt  }
0x61: {  	_ =	shalt  }
0x62: {  	_ =	shalt  }
0x63: {  	_ =	shalt  }
0x64: {  	_ =	shalt  }
0x65: {  	_ =	shalt  }
0x66: {  	_ =	shalt  }
0x67: {  	_ =	shalt  }
0x68: {  	_ =	shalt  }
0x69: {  	_ =	shalt  }
0x6a: {  	_ =	shalt  }
0x6b: {  	_ =	shalt  }
0x6c: {  	_ =	shalt  }
0x6d: {  	_ =	shalt  }
0x6e: {  	_ =	shalt  }
0x6f: {  	_ =	shalt  }
0x70: {  	_ =	shalt  }
0x71: {  	_ =	shalt  }
0x72: {  	_ =	shalt  }
0x73: {  	_ =	shalt  }
0x74: {  	_ =	shalt  }
0x75: {  	_ =	shalt  }
0x76: {  	_ =	shalt  }
0x77: {  	_ =	shalt  }
0x78: {  	_ =	shalt  }
0x79: {  	_ =	shalt  }
0x7a: {  	_ =	shalt  }
0x7b: {  	_ =	shalt  }
0x7c: {  	_ =	shalt  }
0x7d: {  	_ =	shalt  }
0x7e: {  	_ =	shalt  }
0x7f: {  	_ =	shalt  }
0x80: {  	_ =	shalt  }
0x81: {  	_ =	shalt  }
0x82: {  	_ =	shalt  }
0x83: {  	_ =	shalt  }
0x84: {  	_ =	shalt  }
0x85: {  	_ =	shalt  }
0x86: {  	_ =	shalt  }
0x87: {  	_ =	shalt  }
.Lfunc_end0:
.L_simem_size_0:
called_computation.2_lowered:
.L_overlay_start_0:
0x88: {  	s2 =	sld [smem:$0x3FD9]  }
0x89: {  	s3 =	sld [smem:$0x3FFE];
	_ =	sdelay $0x1  }
0x8a: {  	s1 =	srdreg.scid  }
0x8b: {  	s0 =	sand.u32 $0x1, s1  }
0x8c: {  	s14 =	sshll.u32 s0, $0xA;
	s2 =	sadd.s32 s3, s2  }
0x8d: {  	s2 =	sadd.s32 s2, s14  }
0x8e: {  	[smem:$0x3FC4] =	sst s2  }
0x8f: {  	_ = 	snop  }
0x90: {  	s2 =	sld [smem:$0x3FD0];
	_ =	sdelay $0x2  }
0x91: {  	s4 =	simm.s32 $0xA;
	s5 =	simm.s32 $0x10;
	s15 =	sld [smem:$0x3FC7]  }
0x92: {  	[smem:s5], [sflag:s4] =	dma.local [hbm:s2], $0x1  }
0x93: {  	_ =	swait.eq [sflag:s4], $0x1  }
0x94: {  	[sflag:s4] =	ssyncset.done $0x0  }
0x95: {  	s16 =	sld [smem:$0x10];
	[sflag:s4] =	ssyncadd.s32 $0xFFFFFFFF  }
0x96: {  	s17 =	sld [smem:$0x11];
	(tm) =	ssettm $0x1  }
0x97: {  	s18 =	sld [smem:$0x3FFB];
	_ =	sdelay $0x3  }
0x98: {  	_ =	strace s18  }
0x99: {  	s5 =	sld [smem:$0x3FFC];
	_ =	sdelay $0x3  }
0x9a: {  	_ =	strace s5  }
0x9b: {  	s5 =	sld [smem:$0x3FFD];
	_ =	sdelay $0x3  }
0x9c: {  	_ =	strace s5  }
0x9d: {  	_ =	strace $0x8FFFFFFF  }
0x9e: {  	s19 =	sld [smem:$0x3FDB];
	_ =	sdelay $0x1  }
0x9f: {  	s6 =	simm.s32 $_scs_section_size  }
0xa0: {  	s7 =	simm.s32 $_size__tile_overlayer_lowered;
	s8 =	simm.s32 $_tile_overlayer_lowered  }
0xa1: {  	s22 =	simm.s32 $0x1BFF;
	s21 =	sshll.u32 s8, $0x1;
	s5 =	sadd.s32 s6, s19  }
0xa2: {  	s9 =	simm.s32 $0x0;
	s20 =	sshll.u32 s7, $0x1;
	s7 =	sadd.s32 s21, s5  }
0xa3: {  	[timem:s9], [sflag:s22] =	dma.local [hbm:s7], s20  }
0xa4: {  	_ =	swait.ge [sflag:s22], s20  }
0xa5: {  	s6 =	ssub.s32 $0x0, s20;
	[sflag:s22] =	ssyncset.done $0x0  }
0xa6: {  	[sflag:s22] =	ssyncadd.s32 s6;
	_ =	sdelay $0x1  }
0xa7: {  	s23 =	simm.s32 $0x1B8B  }
0xa8: {  	_ =	swait.ge [sflag:s23], $0x1  }
0xa9: {  	[sflag:s23] =	ssyncset.done $0x0  }
0xaa: {  	s25 =	simm.s32 $0x1B8E;
	s24 =	sld [smem:$0x3FFE];
	[sflag:s23] =	ssyncadd.s32 $0xFFFFFFFF  }
0xab: {  	s26 =	simm.s32 $execute0_lowered;
	[smem:$0x3FD2] =	sst s25  }
0xac: {  	s7 =	sshll.u32 s26, $0x1;
	_ =	strace $0x80000049;
	[dreg:$0x1] =	wrdreg $0xFFFFFFFF  }
0xad: {  	s28 =	simm.s32 $_size_execute0_lowered;
	s5 =	sadd.s32 s5, s7;
	[dreg:$0x0] =	wrdreg $0x0  }
0xae: {  	s7 =	sshll.u32 s28, $0x1;
	[dreg:$0x2] =	wrdreg s5  }
0xaf: {  	[dreg:$0x3] =	wrdreg s7  }
0xb0: {  	[dreg:$0x4] =	wrdreg $0xC0  }
0xb1: {  	_ =	task [dreg:s9], $0x5FFFF  }
0xb2: {  	[dreg:$0x1] =	wrdreg $0xFFFFFFFF  }
0xb3: {  	[dreg:$0x0] =	wrdreg $0x60  }
0xb4: {  	[dreg:$0x2] =	wrdreg s24  }
0xb5: {  	[dreg:$0x3] =	wrdreg s15  }
0xb6: {  	[dreg:$0x4] =	wrdreg s16  }
0xb7: {  	[dreg:$0x5] =	wrdreg s17  }
0xb8: {  	[dreg:$0x6] =	wrdreg $0x9  }
0xb9: {  	_ =	task.clear_ibuf [dreg:s9], $0x7FFFF;
	_ =	strace $0x90000049  }
0xba: {  	s29 =	simm.s32 $0x9;
	_ =	strace $0x8000004B  }
0xbb: {  	_ =	swait.ge [sflag:s29], $0x1  }
0xbc: {  	[sflag:s29] =	ssyncadd.s32 $0xFFFFFFFF  }
0xbd: {  	_ =	strace $0x9000004B  }
0xbe: {  	_ =	sfence  }
0xbf: {  	s30 =	sld [smem:$0x0];
	_ =	sdelay $0x2  }
0xc0: {  	s31 =	sshll.u32 s1, $0xD;
	s1 =	sshrl.u32 s1, $0x2  }
0xc1: {  	s3 =	sand.u32 $0x4000, s31;
	s1 =	sadd.s32 s1, s30  }
0xc2: {  	s0 =	sor.u32 s3, s0;
	s1 =	sshll.u32 s1, $0x11  }
0xc3: {  	s0 =	sor.u32 s1, s0  }
0xc4: {  	s0 =	sadd.s32 $0x8F2B, s0  }
0xc5: {  	[sflag:s0] =	ssyncadd.remote.s32 $0x1  }
0xc6: {  	_ =	sfence.sel $0xFFFF  }
0xc7: {  	[dreg:$0x0] =	wrdreg $0xFFFFFFFF;
	(pc) =	sbr.abs _section_cstart, $3  }
0xc8: {  	[dreg:$0x1] =	wrdreg $0xFFFFFFFF  }
0xc9: {  	_ =	task.clear_ibuf [dreg:s9], $0x2FFFF;
	_ =	strace $0x9FFFFFFF  }
0xca: {  	(tm) =	ssettm $0x7FFFFFFF  }
0xcb: {  	_ =	shalt  }
tec
execute0_lowered:
.L_overlay_start_1:
0x0: {  	(tag) =	ssettag $0x1  }
0x1: {  	s0 =	rddreg [dreg:$0x0]  }
0x2: {  	s1 =	rddreg [dreg:$0x1]  }
0x3: {  	s2 =	rddreg [dreg:$0x2]  }
0x4: {  	s3 =	rddreg [dreg:$0x3];
	s11 =	stileid.u32;
	s4 =	simm.s32 $0x0  }
0x5: {  	s9 =	srdreg.scid;
	s28 =	simm.s32 $0x14800;
	s29 =	simm.s32 $0x16800  }
0x6: {  	s30 =	simm.s32 $0x18800;
	s6 =	sshrl.u32 s11, $0x2;
	s5 =	sshll.u32 s11, $0xF  }
0x7: {  	[smem:$0x7FF] =	sst s4;
	s10 =	sadd.s32 $0x1A00, s0;
	s9 =	sand.u32 $0x1, s9  }
0x8: {  	s22 =	sadd.s32 $0x5A00, s0;
	s11 =	sshll.u32 s11, $0x1;
	s12 =	sadd.s32 $0x1AA00, s0  }
0x9: {  	s5 =	sand.u32 $0x10000, s5;
	_ =	strace $0x8000004A;
	[dreg:$0x5] =	wrdreg s10  }
0xa: {  	s7 =	sshll.u32 s6, $0x11;
	[dreg:$0x6] =	wrdreg s22;
	s23 =	ssub.s32 $0x2, s9  }
0xb: {  	[dreg:$0x7] =	wrdreg s12;
	s11 =	sand.u32 $0x2, s11;
	s26 =	smul.u32 $0x83, s6  }
0xc: {  	s12 =	sshll.u32 s6, $0xF;
	s13 =	sshll.u32 s6, $0xD;
	s31 =	smul.u32 $0x3, s6  }
0xd: {  	s8 =	sor.u32 s5, s7;
	s24 =	sshrl.u32 s23, $0x1;
	s9 =	sor.u32 s9, s11  }
0xe: {  	s1 =	sadd.s32 s1, s7;
	s18 =	sor.u32 $0x70, s5;
	s19 =	sor.u32 $0x2070, s5  }
0xf: {  	s20 =	sor.u32 $0x4070, s5;
	s21 =	sor.u32 $0x6070, s5;
	[dreg:$0xa] =	wrdreg s1  }
0x10: {  	s8 =	sshrl.u32 s8, $0x3;
	s11 =	smul.u32 $0x22, s9;
	[dreg:$0xb] =	wrdreg s26  }
.Ltmp0:
0x11: {  	s25 =	ssub.s32 s23, s24;
	[dreg:$0xc] =	wrdreg s31;
	(pc) =	sbr.rel .LBB2_1-.Ltmp0, $4  }
0x12: {  	s23 =	simm.s32 $0x1;
	s8 =	sadd.s32 s8, s0;
	s0 =	sadd.s32 $0x19A00, s0  }
0x13: {  	s24 =	simm.s32 $0x10000;
	[dreg:$0x8] =	wrdreg s0;
	s8 =	sadd.s32 $0x9A00, s8  }
0x14: {  	s26 =	simm.s32 $0x12800;
	s0 =	smax.u32 s25, $0x1;
	[dreg:$0x9] =	wrdreg s8  }
0x15: {  	v0 =	vlaneseq.u32;
	vm0 =	vcmask $0x3F04;
	v1 =	vimm.s32 $0x0;
	s1 =	simm.s32 $0x0;
	s25 =	simm.s32 $0x12000;
	[dreg:$0xd] =	wrdreg s0  }
.LBB2_42:
0x16: {  	s1 =	rddreg [dreg:$0xe]  }
0x17: {  	s0 =	rddreg [dreg:$0xd];
	s1 =	sadd.s32 $0x1, s1  }
0x18: {  	p0 =	sne.s32 s1, s0  }
.Ltmp1:
0x19: {  	_ = 	snop;
	(pc) =	sbr.rel @!p0 .LBB2_43-.Ltmp1, $1  }
0x1a: {  	_ =	sdelay $0x3  }
.LBB2_1:
0x1b: {  	[dreg:$0xe] =	wrdreg s1  }
.Ltmp2:
0x1c: {  	s0 =	rddreg [dreg:$0x9];
	s31 =	simm.s32 $0x5;
	(pc) =	sbr.rel .LBB2_2-.Ltmp2, $4  }
0x1d: {  	[tilespmem:s4], [sflag:$0x5] =	stream.linear.gather [hbm4b:s0+s4], $0x10000, $0x38;
	[tilespmem:$0x1A800] =	vst v63  }
0x1e: {  	_ =	swait.ge [sflag:s31], $0x10000  }
0x1f: {  	[sflag:s31] =	ssyncset.done $0x0  }
0x20: {  	s17 =	simm.s32 $0x0;
	[sflag:s31] =	ssyncadd.s32 $0xFFFF0000  }
.LBB2_40:
0x21: {  	_ =	swait.ge [sflag:s23], $0x2000  }
0x22: {  	[sflag:s23] =	ssyncset.done $0x0  }
0x23: {  	s0 =	simm.s32 $0x2;
	[sflag:s23] =	ssyncadd.s32 $0xFFFFE000  }
0x24: {  	_ =	swait.ge [sflag:s0], $0x2000  }
0x25: {  	[sflag:s0] =	ssyncset.done $0x0  }
0x26: {  	s22 =	simm.s32 $0x3;
	[sflag:s0] =	ssyncadd.s32 $0xFFFFE000  }
0x27: {  	_ =	swait.ge [sflag:s22], $0x2000  }
0x28: {  	[sflag:s22] =	ssyncset.done $0x0  }
0x29: {  	s31 =	simm.s32 $0x4;
	[sflag:s22] =	ssyncadd.s32 $0xFFFFE000  }
0x2a: {  	_ =	swait.ge [sflag:s31], $0x2000  }
0x2b: {  	[sflag:s31] =	ssyncset.done $0x0  }
0x2c: {  	[sflag:s31] =	ssyncadd.s32 $0xFFFFE000  }
.LBB2_41:
0x2d: {  	s17 =	sadd.s32 $0x1, s17  }
0x2e: {  	p0 =	sne.s32 s17, $0x22  }
.Ltmp3:
0x2f: {  	_ = 	snop;
	(pc) =	sbr.rel @!p0 .LBB2_42-.Ltmp3, $1  }
0x30: {  	_ =	sdelay $0x3  }
.LBB2_2:
0x31: {  	s7 =	sadd.s32 s11, s17  }
0x32: {  	p0 =	sgt.u32 s7, $0x85  }
.Ltmp4:
0x33: {  	_ = 	snop;
	(pc) =	sbr.rel @p0 .LBB2_41-.Ltmp4, $1  }
0x34: {  	_ =	sdelay $0x3  }
0x35: {  	p0 =	sgt.u32 s7, $0x7F  }
0x36: {  	s6 =	smax.u32 s7, $0x83;
	p1 =	sgt.u32 @p0 s7, $0x82  }
0x37: {  	s6 =	sadd.s32 $0xFFFFFF7D, s6;
	p2 =	por !p1, !p0  }
0x38: {  	s8 =	sshll.u32 @!p2 s6, $0x7  }
0x39: {  	s9 =	sor.u32 @!p2 s12, s8  }
0x3a: {  	s0 =	rddreg [dreg:$0x6];
	s10 =	simm.s32 @!p2 $0x80;
	s9 =	sshrl.u32 @!p2 s9, $0x3  }
0x3b: {  	s14 =	simm.s32 @!p2 $0x200;
	s15 =	simm.s32 @!p2 $0x10000;
	s9 =	sadd.s32 @!p2 s0, s9  }
0x3c: {  	[tilespmem:s15], [sflag:$0x5] =	stream.strided.gather @!p2 [hbm4b:s9+s10], $0x2000, s14, s10, $0x38;
	[tilespmem:$0x1A800] =	vst v63  }
0x3d: {  	s9 =	simm.s32 @!p2 $0x5  }
0x3e: {  	s1 =	smax.u32 s7, $0x80;
	s8 =	sadd.s32 @!p2 s13, s8;
	_ =	swait.ge @!p2 [sflag:s9], $0x2000  }
0x3f: {  	s8 =	sshrl.u32 @!p2 s8, $0x3;
	[sflag:s9] =	ssyncset.done @!p2 $0x0;
	s0 =	rddreg [dreg:$0x8]  }
0x40: {  	s16 =	simm.s32 @!p2 $0x12000;
	[sflag:s9] =	ssyncadd.s32 @!p2 $0xFFFFE000;
	s8 =	sadd.s32 @!p2 s0, s8  }
0x41: {  	[tilespmem:s16], [sflag:$0x5] =	stream.strided.gather @!p2 [hbm4b:s8+s10], $0x800, s14, s10, $0x38;
	[tilespmem:$0x1A800] =	vst v63  }
0x42: {  	p1 =	por p1, !p0;
	s8 =	smin.u32 s1, $0x82  }
0x43: {  	s8 =	sshll.u32 @!p1 s8, $0x7  }
0x44: {  	s15 =	simm.s32 @!p1 $0x10000;
	s8 =	sadd.s32 @!p1 $0xFFFFC000, s8  }
0x45: {  	s14 =	simm.s32 @!p1 $0x200;
	_ =	swait.ge @!p2 [sflag:s9], $0x800;
	s10 =	sor.u32 @!p1 s12, s8  }
0x46: {  	[sflag:s9] =	ssyncset.done @!p2 $0x0;
	s0 =	rddreg [dreg:$0x5];
	s10 =	sshrl.u32 @!p1 s10, $0x3  }
0x47: {  	[sflag:s9] =	ssyncadd.s32 @!p2 $0xFFFFF800;
	s9 =	sadd.s32 @!p1 s0, s10;
	s10 =	simm.s32 @!p1 $0x80  }
0x48: {  	[tilespmem:s15], [sflag:$0x5] =	stream.strided.gather @!p1 [hbm4b:s9+s10], $0x2000, s14, s10, $0x38;
	[tilespmem:$0x1A800] =	vst v63  }
0x49: {  	s9 =	simm.s32 @!p1 $0x5  }
0x4a: {  	s8 =	sor.u32 @!p1 s13, s8;
	_ =	swait.ge @!p1 [sflag:s9], $0x2000  }
0x4b: {  	s8 =	sshrl.u32 @!p1 s8, $0x3;
	[sflag:s9] =	ssyncset.done @!p1 $0x0;
	s0 =	rddreg [dreg:$0x7]  }
0x4c: {  	s15 =	simm.s32 @!p1 $0x12000;
	[sflag:s9] =	ssyncadd.s32 @!p1 $0xFFFFE000;
	s8 =	sadd.s32 @!p1 s0, s8  }
0x4d: {  	[tilespmem:s15], [sflag:$0x5] =	stream.strided.gather @!p1 [hbm4b:s8+s10], $0x800, s14, s10, $0x38;
	[tilespmem:$0x1A800] =	vst v63  }
0x4e: {  	s8 =	sshll.u32 @!p0 s7, $0xA  }
0x4f: {  	s10 =	sshll.u32 @!p0 s7, $0x4;
	s14 =	simm.s32 @!p0 $0x10000;
	_ =	swait.ge @!p1 [sflag:s9], $0x800  }
0x50: {  	s8 =	sand.u32 @!p0 $0x1E000, s8;
	s10 =	sand.u32 @!p0 $0x70, s10;
	[sflag:s9] =	ssyncset.done @!p1 $0x0  }
0x51: {  	s8 =	sor.u32 @!p0 s10, s8;
	s0 =	rddreg [dreg:$0xa];
	s10 =	simm.s32 @!p0 $0x400  }
0x52: {  	[sflag:s9] =	ssyncadd.s32 @!p1 $0xFFFFF800;
	s8 =	sadd.s32 @!p0 s8, s0;
	s9 =	simm.s32 @!p0 $0x80  }
0x53: {  	[tilespmem:s14], [sflag:$0x5] =	stream.strided.gather @!p0 [hbm4b:s8+s9], $0x2000, s10, s9, $0x38;
	[tilespmem:$0x1A800] =	vst v63  }
0x54: {  	s8 =	simm.s32 @!p0 $0x5  }
.Ltmp5:
0x55: {  	p4 =	por $0x1, $0x1;
	_ =	swait.ge @!p0 [sflag:s8], $0x2000;
	(pc) =	sbr.rel .LBB2_4-.Ltmp5, $4  }
0x56: {  	p3 =	por $0x0, $0x0;
	s15 =	smin.u32 s7, $0x82;
	s16 =	rddreg [dreg:$0xb]  }
0x57: {  	p1 =	sgt.u32 s7, $0x82;
	[sflag:s8] =	ssyncset.done @!p0 $0x0;
	s31 =	rddreg [dreg:$0xc]  }
0x58: {  	[sflag:s8] =	ssyncadd.s32 @!p0 $0xFFFFE000;
	s22 =	sadd.s32 s16, s15;
	s6 =	sadd.s32 s31, s6  }
0x59: {  	s22 =	sshll.u32 s22, $0x11;
	s10 =	sshll.u32 s6, $0x11;
	s6 =	simm.s32 $0x0  }
.LBB2_38:
0x5a: {  	s6 =	sor.u32 s22, s7;
	s7 =	smov.u32 s2  }
.LBB2_39:
.Ltmp6:
0x5b: {  	(pc) =	sbr.rel @!p2 .LBB2_40-.Ltmp6, $4  }
0x5c: {  	_ = 	snop  }
0x5d: {  	s0 =	sshrl.u32 s6, $0x3;
	s6 =	simm.s32 $0x8000  }
0x5e: {  	p4 =	por $0x0, $0x0;
	p3 =	por $0x1, $0x1;
	s0 =	sadd.s32 s7, s0  }
0x5f: {  	[hbm4b:s0+s4] =	stream.linear.scatter [tilespmem:s30], [sflag:$0x4], $0x2000, $0x38;
	[tilespmem:$0x1A800] =	vst v63  }
.LBB2_4:
.Ltmp7:
0x60: {  	(pc) =	sbr.rel @!p3 .LBB2_22-.Ltmp7, $2  }
0x61: {  	_ =	sdelay $0x2  }
0x62: {  	p2 =	por p4, p4  }
.Ltmp8:
0x63: {  	(pc) =	sbr.rel @p0 .LBB2_6-.Ltmp8, $4  }
0x64: {  	_ = 	snop  }
0x65: {  	_ =	swait.ge [sflag:s23], $0x2000  }
0x66: {  	[sflag:s23] =	ssyncset.done $0x0  }
0x67: {  	[sflag:s23] =	ssyncadd.s32 $0xFFFFE000  }
.LBB2_23:
0x68: {  	s7 =	sshll.u32 s6, $0x2  }
0x69: {  	s7 =	sshra.s32 s7, $0x2  }
0x6a: {  	s9 =	sadd.s32 $0x40, s7  }
0x6b: {  	v2 =	vld [tilespmem:s9+$0x30]  }
0x6c: {  	v3 =	vld [tilespmem:s9+$0xFFFFFFD0]  }
0x6d: {  	v4 =	vld [tilespmem:s9+$0xFFFFFFE0]  }
0x6e: {  	v5 =	vld [tilespmem:s9+$0xFFFFFFF0]  }
0x6f: {  	v6 =	vld [tilespmem:s9+$0x0]  }
0x70: {  	v8 =	vld [tilespmem:s9+$0x10]  }
0x71: {  	v9 =	vld [tilespmem:s9+$0x20]  }
0x72: {  	v10 =	vld [tilespmem:s9+$0xFFFFFFC0]  }
0x73: {  	v11 =	vld.idx.msk [tilespmem:v2+s24+$0x0], $0xffff  }
0x74: {  	v12 =	vld.idx.msk [tilespmem:v3+s24+$0x0], $0xffff  }
0x75: {  	v7 =	vld.idx.msk [tilespmem:v4+s24+$0x0], $0xffff  }
0x76: {  	v5 =	vld.idx.msk [tilespmem:v5+s24+$0x0], $0xffff  }
0x77: {  	v2 =	vld.idx.msk [tilespmem:v6+s24+$0x0], $0xffff  }
0x78: {  	s7 =	simm.s32 $0x12840;
	v3 =	vld.idx.msk [tilespmem:v8+s24+$0x0], $0xffff  }
0x79: {  	v4 =	vld.idx.msk [tilespmem:v9+s24+$0x0], $0xffff;
	[tilespmem:s7+$0x30] =	vst v11  }
0x7a: {  	s8 =	simm.s32 $0x0;
	s9 =	sadd.s32 $0x80, s9;
	v6 =	vld.idx.msk [tilespmem:v10+s24+$0x0], $0xffff;
	[tilespmem:s7+$0xFFFFFFD0] =	vst v12  }
.LBB2_24:
0x7b: {  	v8 =	vld [tilespmem:s9+$0x30];
	s8 =	sadd.s32 $0x8, s8;
	[tilespmem:s7+$0xFFFFFFE0] =	vst v7  }
0x7c: {  	v7 =	vld [tilespmem:s9+$0xFFFFFFD0];
	p4 =	slt.u32 s8, $0x1F8;
	[tilespmem:s7+$0xFFFFFFF0] =	vst v5  }
0x7d: {  	v5 =	vld [tilespmem:s9+$0xFFFFFFE0];
	[tilespmem:s7+$0x0] =	vst v2  }
0x7e: {  	v2 =	vld [tilespmem:s9+$0xFFFFFFF0];
	[tilespmem:s7+$0x10] =	vst v3  }
0x7f: {  	v3 =	vld [tilespmem:s9+$0x0];
	[tilespmem:s7+$0x20] =	vst v4  }
0x80: {  	v4 =	vld [tilespmem:s9+$0x10];
	[tilespmem:s7+$0xFFFFFFC0] =	vst v6  }
0x81: {  	v6 =	vld [tilespmem:s9+$0x20]  }
0x82: {  	v9 =	vld [tilespmem:s9+$0xFFFFFFC0]  }
0x83: {  	v8 =	vld.idx.msk [tilespmem:v8+s24+$0x0], $0xffff  }
0x84: {  	v10 =	vld.idx.msk [tilespmem:v7+s24+$0x0], $0xffff  }
0x85: {  	v7 =	vld.idx.msk [tilespmem:v5+s24+$0x0], $0xffff  }
.Ltmp9:
0x86: {  	v5 =	vld.idx.msk [tilespmem:v2+s24+$0x0], $0xffff;
	(pc) =	sbr.rel @p4 .LBB2_24-.Ltmp9, $4  }
0x87: {  	v2 =	vld.idx.msk [tilespmem:v3+s24+$0x0], $0xffff  }
0x88: {  	s7 =	sadd.s32 $0x80, s7;
	v3 =	vld.idx.msk [tilespmem:v4+s24+$0x0], $0xffff  }
0x89: {  	v4 =	vld.idx.msk [tilespmem:v6+s24+$0x0], $0xffff;
	[tilespmem:s7+$0x30] =	vst v8  }
0x8a: {  	s9 =	sadd.s32 $0x80, s9;
	v6 =	vld.idx.msk [tilespmem:v9+s24+$0x0], $0xffff;
	[tilespmem:s7+$0xFFFFFFD0] =	vst v10  }
0x8b: {  	[tilespmem:s7+$0xFFFFFFE0] =	vst v7  }
.Ltmp10:
0x8c: {  	[tilespmem:s7+$0xFFFFFFF0] =	vst v5;
	(pc) =	sbr.rel .LBB2_26-.Ltmp10, $4  }
0x8d: {  	[tilespmem:s7+$0x0] =	vst v2  }
0x8e: {  	[tilespmem:s7+$0x10] =	vst v3  }
0x8f: {  	[tilespmem:s7+$0x20] =	vst v4  }
0x90: {  	s9 =	sor.u32 s5, s6;
	[tilespmem:s7+$0xFFFFFFC0] =	vst v6  }
.LBB2_22:
.Ltmp11:
0x91: {  	(pc) =	sbr.rel @!p0 .LBB2_23-.Ltmp11, $1  }
0x92: {  	_ =	sdelay $0x3  }
.LBB2_6:
0x93: {  	s7 =	sshll.u32 s6, $0x2  }
0x94: {  	s15 =	sadd.s32 s6, s18;
	s7 =	sshra.s32 s7, $0x2  }
0x95: {  	s1 =	sadd.s32 $0xFFFFFFA0, s15;
	s7 =	sadd.s32 $0x40, s7  }
0x96: {  	s9 =	sadd.s32 $0xFFFFFFB0, s15;
	v8 =	vmov s1;
	v2 =	vld [tilespmem:s7+$0xFFFFFFC0]  }
0x97: {  	s8 =	sadd.s32 $0xFFFFFF90, s15;
	v9 =	vmov s9;
	v4 =	vld [tilespmem:s7+$0xFFFFFFD0];
	v8 =	vshrl.u32 v8, $0x6  }
0x98: {  	v3 =	vmov s8;
	v5 =	vld [tilespmem:s7+$0xFFFFFFE0];
	v9 =	vshrl.u32 v9, $0x6;
	v8 =	vbroadcast v8, $0x0  }
0x99: {  	vm1 =	veq.s32 v3, v0;
	v7 =	vld [tilespmem:s7+$0xFFFFFFF0];
	v9 =	vbroadcast v9, $0x0  }
0x9a: {  	v10 =	vld [tilespmem:s7+$0x10];
	vm1 =	vmand vm1, vm0  }
0x9b: {  	s9 =	sadd.s32 $0xFFFFFFC0, s15;
	v3 =	vshrl.u32 v3, $0x6;
	v12 =	vld [tilespmem:s7+$0x20];
	v6 =	vsel vm1, $0xFFFFFFFF, v1  }
0x9c: {  	v11 =	vmov s9;
	v14 =	vld [tilespmem:s7+$0x30];
	v3 =	vadd.s32 v6, v3  }
0x9d: {  	v11 =	vshrl.u32 v11, $0x6;
	v6 =	vld [tilespmem:s7+$0x0]  }
0x9e: {  	v11 =	vbroadcast v11, $0x0;
	v8 =	vld.idx.msk [tilespmem:v8+s25+$0x0], $0xffff  }
0x9f: {  	v18 =	vld.idx.msk [tilespmem:v9+s25+$0x0], $0xffff  }
0xa0: {  	s14 =	sadd.s32 $0xFFFFFFD0, s15;
	v16 =	vld.idx.msk [tilespmem:v2+s24+$0x0], $0xffff  }
0xa1: {  	v13 =	vmov s14;
	v17 =	vld.idx.msk [tilespmem:v3+s25+$0x0], $0xffff  }
0xa2: {  	v13 =	vshrl.u32 v13, $0x6;
	v61 =	vld.idx.msk [tilespmem:v4+s24+$0x0], $0xffff  }
0xa3: {  	s16 =	sadd.s32 $0xFFFFFFE0, s15;
	v13 =	vbroadcast v13, $0x0;
	v5 =	vld.idx.msk [tilespmem:v5+s24+$0x0], $0xffff  }
0xa4: {  	s31 =	sadd.s32 $0xFFFFFFF0, s15;
	v15 =	vmov s16;
	v9 =	vld.idx.msk [tilespmem:v11+s25+$0x0], $0xffff  }
0xa5: {  	v15 =	vshrl.u32 v15, $0x6;
	v2 =	vmov s31;
	v11 =	vld.idx.msk [tilespmem:v7+s24+$0x0], $0xffff  }
0xa6: {  	v3 =	vbroadcast v15, $0x0;
	v2 =	vshrl.u32 v2, $0x6;
	v7 =	vld.idx.msk [tilespmem:v6+s24+$0x0], $0xffff;
	v6 =	vmov s15  }
0xa7: {  	v2 =	vbroadcast v2, $0x0;
	v6 =	vshrl.u32 v6, $0x6  }
0xa8: {  	v15 =	vsub.f32 v61, v8;
	v8 =	vld.idx.msk [tilespmem:v10+s24+$0x0], $0xffff;
	v10 =	vbroadcast v6, $0x0  }
0xa9: {  	v4 =	vld.idx.msk [tilespmem:v13+s25+$0x0], $0xffff;
	v62 =	vsub.f32 v16, v17  }
0xaa: {  	s8 =	simm.s32 $0x12840;
	v63 =	vsub.f32 v5, v18;
	v5 =	vld.idx.msk [tilespmem:v12+s24+$0x0], $0xffff  }
0xab: {  	v6 =	vld.idx.msk [tilespmem:v14+s24+$0x0], $0xffff;
	[tilespmem:s8+$0xFFFFFFC0] =	vst v62  }
0xac: {  	v3 =	vld.idx.msk [tilespmem:v3+s25+$0x0], $0xffff;
	[tilespmem:s8+$0xFFFFFFD0] =	vst v15  }
0xad: {  	s14 =	simm.s32 $0x0;
	s9 =	sor.u32 s5, s6;
	s15 =	sadd.s32 $0x80, s15;
	[tilespmem:s8+$0xFFFFFFE0] =	vst v63;
	v2 =	vld.idx.msk [tilespmem:v2+s25+$0x0], $0xffff  }
.LBB2_7:
0xae: {  	s16 =	sadd.s32 $0xFFFFFF90, s15;
	v12 =	vmov s15;
	s14 =	sadd.s32 $0x8, s14;
	v13 =	vld.idx.msk [tilespmem:v10+s25+$0x0], $0xffff;
	s7 =	sadd.s32 $0x80, s7  }
0xaf: {  	s31 =	sadd.s32 $0xFFFFFFB0, s15;
	v9 =	vsub.f32 v11, v9;
	v10 =	vld [tilespmem:s7+$0xFFFFFFC0];
	v14 =	vmov s16;
	s16 =	sadd.s32 $0xFFFFFFA0, s15;
	v12 =	vshrl.u32 v12, $0x6;
	p4 =	slt.u32 s14, $0x1F8  }
0xb0: {  	s0 =	sadd.s32 $0xFFFFFFE0, s15;
	v16 =	vmov s31;
	s31 =	sadd.s32 $0xFFFFFFD0, s15;
	vm1 =	veq.s32 v14, v0;
	v11 =	vld [tilespmem:s7+$0xFFFFFFD0];
	v15 =	vmov s16;
	s16 =	sadd.s32 $0xFFFFFFC0, s15  }
0xb1: {  	v19 =	vmov s31;
	vm1 =	vmand vm1, vm0;
	v17 =	vld [tilespmem:s7+$0xFFFFFFE0];
	v18 =	vmov s16;
	s16 =	sadd.s32 $0xFFFFFFF0, s15;
	[tilespmem:s8+$0xFFFFFFF0] =	vst v9  }
0xb2: {  	v21 =	vmov s0;
	v9 =	vshrl.u32 v14, $0x6;
	v14 =	vsel vm1, $0xFFFFFFFF, v1;
	v20 =	vld [tilespmem:s7+$0xFFFFFFF0]  }
0xb3: {  	v22 =	vmov s16;
	v9 =	vadd.s32 v14, v9;
	v14 =	vshrl.u32 v15, $0x6;
	v15 =	vld [tilespmem:s7+$0x0]  }
0xb4: {  	v16 =	vshrl.u32 v16, $0x6;
	v19 =	vshrl.u32 v19, $0x6;
	v18 =	vshrl.u32 v18, $0x6;
	v23 =	vld [tilespmem:s7+$0x10]  }
0xb5: {  	v21 =	vshrl.u32 v21, $0x6;
	v22 =	vshrl.u32 v22, $0x6;
	v14 =	vbroadcast v14, $0x0;
	v24 =	vld [tilespmem:s7+$0x20]  }
0xb6: {  	v4 =	vsub.f32 v7, v4;
	v16 =	vbroadcast v16, $0x0;
	v18 =	vbroadcast v18, $0x0;
	v25 =	vld [tilespmem:s7+$0x30]  }
0xb7: {  	v3 =	vsub.f32 v8, v3;
	v21 =	vbroadcast v21, $0x0;
	v19 =	vbroadcast v19, $0x0;
	v7 =	vld.idx.msk [tilespmem:v10+s24+$0x0], $0xffff  }
0xb8: {  	v2 =	vsub.f32 v5, v2;
	v22 =	vbroadcast v22, $0x0;
	v10 =	vbroadcast v12, $0x0;
	v8 =	vld.idx.msk [tilespmem:v9+s25+$0x0], $0xffff;
	[tilespmem:s8+$0x0] =	vst v4  }
0xb9: {  	v5 =	vld.idx.msk [tilespmem:v11+s24+$0x0], $0xffff;
	[tilespmem:s8+$0x10] =	vst v3;
	v3 =	vsub.f32 v6, v13  }
0xba: {  	v6 =	vld.idx.msk [tilespmem:v17+s24+$0x0], $0xffff;
	[tilespmem:s8+$0x20] =	vst v2  }
0xbb: {  	v11 =	vld.idx.msk [tilespmem:v14+s25+$0x0], $0xffff;
	[tilespmem:s8+$0x30] =	vst v3  }
0xbc: {  	v12 =	vld.idx.msk [tilespmem:v16+s25+$0x0], $0xffff  }
0xbd: {  	v9 =	vld.idx.msk [tilespmem:v18+s25+$0x0], $0xffff  }
0xbe: {  	v2 =	vsub.f32 v7, v8;
	v4 =	vld.idx.msk [tilespmem:v19+s25+$0x0], $0xffff  }
0xbf: {  	s8 =	sadd.s32 $0x80, s8;
	v3 =	vld.idx.msk [tilespmem:v21+s25+$0x0], $0xffff  }
0xc0: {  	[tilespmem:s8+$0xFFFFFFC0] =	vst v2;
	v2 =	vld.idx.msk [tilespmem:v22+s25+$0x0], $0xffff  }
.Ltmp12:
0xc1: {  	v5 =	vsub.f32 v5, v11;
	v11 =	vld.idx.msk [tilespmem:v20+s24+$0x0], $0xffff;
	(pc) =	sbr.rel @p4 .LBB2_7-.Ltmp12, $4  }
0xc2: {  	v6 =	vsub.f32 v6, v12;
	v7 =	vld.idx.msk [tilespmem:v15+s24+$0x0], $0xffff  }
0xc3: {  	[tilespmem:s8+$0xFFFFFFD0] =	vst v5;
	v8 =	vld.idx.msk [tilespmem:v23+s24+$0x0], $0xffff  }
0xc4: {  	[tilespmem:s8+$0xFFFFFFE0] =	vst v6;
	v5 =	vld.idx.msk [tilespmem:v24+s24+$0x0], $0xffff  }
0xc5: {  	s15 =	sadd.s32 $0x80, s15;
	v6 =	vld.idx.msk [tilespmem:v25+s24+$0x0], $0xffff  }
0xc6: {  	_ =	sdelay $0x3  }
0xc7: {  	v10 =	vld.idx.msk [tilespmem:v10+s25+$0x0], $0xffff  }
0xc8: {  	v9 =	vsub.f32 v11, v9  }
0xc9: {  	v4 =	vsub.f32 v7, v4  }
.Ltmp13:
0xca: {  	[tilespmem:s8+$0xFFFFFFF0] =	vst v9;
	v3 =	vsub.f32 v8, v3;
	(pc) =	sbr.rel @!p1 .LBB2_26-.Ltmp13, $4  }
0xcb: {  	[tilespmem:s8+$0x0] =	vst v4;
	v2 =	vsub.f32 v5, v2  }
0xcc: {  	[tilespmem:s8+$0x10] =	vst v3;
	v3 =	vsub.f32 v6, v10  }
0xcd: {  	[tilespmem:s8+$0x20] =	vst v2  }
0xce: {  	[tilespmem:s8+$0x30] =	vst v3  }
0xcf: {  	s0 =	sor.u32 s10, s9  }
0xd0: {  	s0 =	sshrl.u32 s0, $0x3  }
0xd1: {  	s0 =	sadd.s32 s3, s0  }
0xd2: {  	[hbm4b:s0+s4] =	stream.linear.scatter [tilespmem:s26], [sflag:$0x1], $0x2000, $0x38;
	[tilespmem:$0x1A800] =	vst v63  }
.Ltmp14:
0xd3: {  	_ = 	snop;
	(pc) =	sbr.rel .LBB2_10-.Ltmp14, $4  }
0xd4: {  	s0 =	simm.s32 @p3 $0x2  }
0xd5: {  	_ =	swait.ge @p3 [sflag:s0], $0x2000  }
0xd6: {  	[sflag:s0] =	ssyncset.done @p3 $0x0  }
0xd7: {  	s7 =	sor.u32 $0x2000, s6;
	[sflag:s0] =	ssyncadd.s32 @p3 $0xFFFFE000  }
.LBB2_26:
0xd8: {  	s0 =	sor.u32 s22, s9  }
0xd9: {  	s0 =	sshrl.u32 s0, $0x3  }
0xda: {  	s0 =	sadd.s32 s2, s0  }
0xdb: {  	[hbm4b:s0+s4] =	stream.linear.scatter [tilespmem:s26], [sflag:$0x1], $0x2000, $0x38;
	[tilespmem:$0x1A800] =	vst v63  }
.Ltmp15:
0xdc: {  	_ = 	snop;
	(pc) =	sbr.rel @!p0 .LBB2_27-.Ltmp15, $4  }
0xdd: {  	s0 =	simm.s32 @p3 $0x2  }
0xde: {  	_ =	swait.ge @p3 [sflag:s0], $0x2000  }
0xdf: {  	[sflag:s0] =	ssyncset.done @p3 $0x0  }
0xe0: {  	s7 =	sor.u32 $0x2000, s6;
	[sflag:s0] =	ssyncadd.s32 @p3 $0xFFFFE000  }
.LBB2_10:
0xe1: {  	s0 =	sshll.u32 s6, $0x2  }
0xe2: {  	s14 =	sadd.s32 s6, s19;
	s0 =	sshra.s32 s0, $0x2  }
0xe3: {  	s16 =	sadd.s32 $0xFFFFFFF0, s14;
	s15 =	sadd.s32 $0x2070, s0  }
0xe4: {  	s31 =	sadd.s32 $0xFFFFFF90, s14;
	v4 =	vmov s16;
	v2 =	vld [tilespmem:s15+$0xFFFFFFF0]  }
0xe5: {  	s1 =	sadd.s32 $0xFFFFFFA0, s14;
	v7 =	vmov s31;
	v3 =	vld [tilespmem:s15+$0xFFFFFFA0];
	v4 =	vshrl.u32 v4, $0x6  }
0xe6: {  	s9 =	sadd.s32 $0xFFFFFFB0, s14;
	v9 =	vmov s1;
	v5 =	vld [tilespmem:s15+$0xFFFFFFB0];
	v7 =	vshrl.u32 v7, $0x6;
	v4 =	vbroadcast v4, $0x0  }
0xe7: {  	v10 =	vmov s9;
	v6 =	vld [tilespmem:s15+$0xFFFFFFC0];
	v9 =	vshrl.u32 v9, $0x6;
	v7 =	vbroadcast v7, $0x0  }
0xe8: {  	v8 =	vld [tilespmem:s15+$0xFFFFFFD0];
	v10 =	vshrl.u32 v10, $0x6;
	v9 =	vbroadcast v9, $0x0  }
0xe9: {  	v12 =	vld [tilespmem:s15+$0xFFFFFFE0];
	v16 =	vbroadcast v10, $0x0  }
0xea: {  	s9 =	sadd.s32 $0xFFFFFFC0, s14;
	s16 =	sadd.s32 $0xFFFFFFD0, s14;
	v13 =	vld [tilespmem:s15+$0x0]  }
0xeb: {  	v11 =	vmov s9;
	v14 =	vld [tilespmem:s15+$0xFFFFFF90];
	v15 =	vmov s16  }
0xec: {  	v11 =	vshrl.u32 v11, $0x6;
	v10 =	vshrl.u32 v15, $0x6;
	v60 =	vld.idx.msk [tilespmem:v4+s25+$0x0], $0xffff  }
0xed: {  	v11 =	vbroadcast v11, $0x0;
	v18 =	vbroadcast v10, $0x0;
	v10 =	vld.idx.msk [tilespmem:v7+s25+$0x0], $0xffff  }
0xee: {  	v9 =	vld.idx.msk [tilespmem:v9+s25+$0x0], $0xffff  }
0xef: {  	v16 =	vld.idx.msk [tilespmem:v16+s25+$0x0], $0xffff  }
0xf0: {  	v17 =	vld.idx.msk [tilespmem:v2+s24+$0x0], $0xffff  }
0xf1: {  	s31 =	sadd.s32 $0xFFFFFFE0, s14;
	v19 =	vld.idx.msk [tilespmem:v3+s24+$0x0], $0xffff  }
0xf2: {  	v2 =	vmov s31;
	v5 =	vld.idx.msk [tilespmem:v5+s24+$0x0], $0xffff  }
0xf3: {  	v3 =	vmov s14;
	v4 =	vld.idx.msk [tilespmem:v11+s25+$0x0], $0xffff;
	v2 =	vshrl.u32 v2, $0x6  }
0xf4: {  	v11 =	vld.idx.msk [tilespmem:v14+s24+$0x0], $0xffff;
	v7 =	vshrl.u32 v3, $0x6;
	v2 =	vbroadcast v2, $0x0  }
0xf5: {  	v3 =	vld.idx.msk [tilespmem:v18+s25+$0x0], $0xffff;
	v61 =	vbroadcast v7, $0x0  }
0xf6: {  	v7 =	vld.idx.msk [tilespmem:v6+s24+$0x0], $0xffff  }
0xf7: {  	v6 =	vld.idx.msk [tilespmem:v8+s24+$0x0], $0xffff;
	v62 =	vsub.f32 v17, v60  }
0xf8: {  	s8 =	simm.s32 $0x14840;
	v8 =	vld.idx.msk [tilespmem:v13+s24+$0x0], $0xffff;
	v9 =	vsub.f32 v19, v9  }
0xf9: {  	v63 =	vsub.f32 v5, v16;
	v5 =	vld.idx.msk [tilespmem:v12+s24+$0x0], $0xffff;
	[tilespmem:s8+$0x20] =	vst v62  }
0xfa: {  	s7 =	sor.u32 s5, s7;
	[tilespmem:s8+$0xFFFFFFD0] =	vst v9;
	v2 =	vld.idx.msk [tilespmem:v2+s25+$0x0], $0xffff  }
0xfb: {  	s9 =	simm.s32 $0x0;
	s15 =	sadd.s32 $0x80, s15;
	s14 =	sadd.s32 $0x80, s14;
	[tilespmem:s8+$0xFFFFFFE0] =	vst v63;
	v9 =	vld.idx.msk [tilespmem:v61+s25+$0x0], $0xffff  }
.LBB2_11:
0xfc: {  	s0 =	sadd.s32 $0xFFFFFF90, s14;
	v12 =	vld [tilespmem:s15+$0xFFFFFFF0];
	s16 =	sadd.s32 $0xFFFFFFF0, s14;
	v13 =	vmov s14;
	s9 =	sadd.s32 $0x8, s9;
	v10 =	vsub.f32 v11, v10  }
0xfd: {  	s31 =	sadd.s32 $0xFFFFFFB0, s14;
	v11 =	vmov s0;
	v14 =	vld [tilespmem:s15+$0xFFFFFFA0];
	s0 =	sadd.s32 $0xFFFFFFA0, s14;
	v15 =	vmov s16;
	v13 =	vshrl.u32 v13, $0x6;
	p4 =	slt.u32 s9, $0x1F8  }
0xfe: {  	v18 =	vmov s31;
	s16 =	sadd.s32 $0xFFFFFFD0, s14;
	s31 =	sadd.s32 $0xFFFFFFE0, s14;
	v16 =	vmov s0;
	v17 =	vld [tilespmem:s15+$0xFFFFFFB0];
	s0 =	sadd.s32 $0xFFFFFFC0, s14;
	v15 =	vshrl.u32 v15, $0x6;
	[tilespmem:s8+$0xFFFFFFC0] =	vst v10  }
0xff: {  	v20 =	vmov s16;
	v19 =	vld [tilespmem:s15+$0xFFFFFFC0];
	v10 =	vmov s0;
	v15 =	vbroadcast v15, $0x0  }
0x100: {  	v11 =	vshrl.u32 v11, $0x6;
	v22 =	vmov s31;
	v16 =	vshrl.u32 v16, $0x6;
	v21 =	vld [tilespmem:s15+$0xFFFFFFD0]  }
0x101: {  	v18 =	vshrl.u32 v18, $0x6;
	v20 =	vshrl.u32 v20, $0x6;
	v10 =	vshrl.u32 v10, $0x6;
	v23 =	vld [tilespmem:s15+$0xFFFFFFE0]  }
0x102: {  	v11 =	vbroadcast v11, $0x0;
	v22 =	vshrl.u32 v22, $0x6;
	v16 =	vbroadcast v16, $0x0;
	v24 =	vld [tilespmem:s15+$0x0]  }
0x103: {  	v4 =	vsub.f32 v7, v4;
	v18 =	vbroadcast v18, $0x0;
	v26 =	vbroadcast v10, $0x0;
	v25 =	vld [tilespmem:s15+$0xFFFFFF90]  }
0x104: {  	v3 =	vsub.f32 v6, v3;
	v7 =	vbroadcast v20, $0x0;
	v20 =	vbroadcast v22, $0x0;
	v12 =	vld.idx.msk [tilespmem:v12+s24+$0x0], $0xffff  }
0x105: {  	v13 =	vbroadcast v13, $0x0;
	v2 =	vsub.f32 v5, v2;
	v6 =	vld.idx.msk [tilespmem:v15+s25+$0x0], $0xffff;
	[tilespmem:s8+$0xFFFFFFF0] =	vst v4;
	v4 =	vsub.f32 v8, v9  }
0x106: {  	v5 =	vld.idx.msk [tilespmem:v14+s24+$0x0], $0xffff;
	[tilespmem:s8+$0x0] =	vst v3  }
0x107: {  	v8 =	vld.idx.msk [tilespmem:v17+s24+$0x0], $0xffff;
	[tilespmem:s8+$0x10] =	vst v2  }
0x108: {  	v10 =	vld.idx.msk [tilespmem:v11+s25+$0x0], $0xffff;
	[tilespmem:s8+$0x30] =	vst v4  }
0x109: {  	v9 =	vld.idx.msk [tilespmem:v16+s25+$0x0], $0xffff  }
0x10a: {  	v14 =	vld.idx.msk [tilespmem:v18+s25+$0x0], $0xffff  }
0x10b: {  	v6 =	vsub.f32 v12, v6;
	v4 =	vld.idx.msk [tilespmem:v26+s25+$0x0], $0xffff  }
0x10c: {  	s8 =	sadd.s32 $0x80, s8;
	v3 =	vld.idx.msk [tilespmem:v7+s25+$0x0], $0xffff  }
0x10d: {  	v2 =	vld.idx.msk [tilespmem:v20+s25+$0x0], $0xffff;
	[tilespmem:s8+$0x20] =	vst v6  }
0x10e: {  	v11 =	vld.idx.msk [tilespmem:v25+s24+$0x0], $0xffff  }
.Ltmp16:
0x10f: {  	v5 =	vsub.f32 v5, v9;
	v7 =	vld.idx.msk [tilespmem:v19+s24+$0x0], $0xffff;
	(pc) =	sbr.rel @p4 .LBB2_11-.Ltmp16, $4  }
0x110: {  	v8 =	vsub.f32 v8, v14;
	v6 =	vld.idx.msk [tilespmem:v21+s24+$0x0], $0xffff  }
0x111: {  	[tilespmem:s8+$0xFFFFFFD0] =	vst v5;
	v5 =	vld.idx.msk [tilespmem:v23+s24+$0x0], $0xffff  }
0x112: {  	[tilespmem:s8+$0xFFFFFFE0] =	vst v8;
	v8 =	vld.idx.msk [tilespmem:v24+s24+$0x0], $0xffff  }
0x113: {  	s14 =	sadd.s32 $0x80, s14;
	s15 =	sadd.s32 $0x80, s15;
	v9 =	vld.idx.msk [tilespmem:v13+s25+$0x0], $0xffff  }
0x114: {  	v10 =	vsub.f32 v11, v10  }
0x115: {  	v4 =	vsub.f32 v7, v4  }
.Ltmp17:
0x116: {  	v3 =	vsub.f32 v6, v3;
	[tilespmem:s8+$0xFFFFFFC0] =	vst v10;
	(pc) =	sbr.rel @!p1 .LBB2_30-.Ltmp17, $4  }
0x117: {  	[tilespmem:s8+$0xFFFFFFF0] =	vst v4;
	v2 =	vsub.f32 v5, v2  }
0x118: {  	[tilespmem:s8+$0x0] =	vst v3;
	v63 =	vsub.f32 v8, v9  }
0x119: {  	[tilespmem:s8+$0x10] =	vst v2  }
0x11a: {  	[tilespmem:s8+$0x30] =	vst v63  }
0x11b: {  	s0 =	sor.u32 s10, s7  }
0x11c: {  	s0 =	sshrl.u32 s0, $0x3  }
0x11d: {  	s0 =	sadd.s32 s3, s0  }
0x11e: {  	[hbm4b:s0+s4] =	stream.linear.scatter [tilespmem:s28], [sflag:$0x2], $0x2000, $0x38;
	[tilespmem:$0x1A800] =	vst v63  }
.Ltmp18:
0x11f: {  	_ = 	snop;
	(pc) =	sbr.rel .LBB2_14-.Ltmp18, $4  }
0x120: {  	s0 =	simm.s32 @p3 $0x3  }
0x121: {  	_ =	swait.ge @p3 [sflag:s0], $0x2000  }
0x122: {  	[sflag:s0] =	ssyncset.done @p3 $0x0  }
0x123: {  	s7 =	sor.u32 $0x4000, s6;
	[sflag:s0] =	ssyncadd.s32 @p3 $0xFFFFE000  }
.LBB2_27:
0x124: {  	s0 =	sshll.u32 s6, $0x2  }
0x125: {  	s0 =	sshra.s32 s0, $0x2  }
0x126: {  	s0 =	sadd.s32 $0x2070, s0  }
0x127: {  	v2 =	vld [tilespmem:s0+$0x0]  }
0x128: {  	v3 =	vld [tilespmem:s0+$0xFFFFFFA0]  }
0x129: {  	v4 =	vld [tilespmem:s0+$0xFFFFFFB0]  }
0x12a: {  	v5 =	vld [tilespmem:s0+$0xFFFFFFC0]  }
0x12b: {  	v6 =	vld [tilespmem:s0+$0xFFFFFFD0]  }
0x12c: {  	v8 =	vld [tilespmem:s0+$0xFFFFFFE0]  }
0x12d: {  	v9 =	vld [tilespmem:s0+$0xFFFFFFF0]  }
0x12e: {  	v10 =	vld [tilespmem:s0+$0xFFFFFF90]  }
0x12f: {  	v11 =	vld.idx.msk [tilespmem:v2+s24+$0x0], $0xffff  }
0x130: {  	v12 =	vld.idx.msk [tilespmem:v3+s24+$0x0], $0xffff  }
0x131: {  	v7 =	vld.idx.msk [tilespmem:v4+s24+$0x0], $0xffff  }
0x132: {  	v5 =	vld.idx.msk [tilespmem:v5+s24+$0x0], $0xffff  }
0x133: {  	v2 =	vld.idx.msk [tilespmem:v6+s24+$0x0], $0xffff  }
0x134: {  	s8 =	simm.s32 $0x14840;
	v3 =	vld.idx.msk [tilespmem:v8+s24+$0x0], $0xffff  }
0x135: {  	v4 =	vld.idx.msk [tilespmem:v9+s24+$0x0], $0xffff;
	[tilespmem:s8+$0x30] =	vst v11  }
0x136: {  	s9 =	simm.s32 $0x0;
	s14 =	sadd.s32 $0x80, s0;
	v6 =	vld.idx.msk [tilespmem:v10+s24+$0x0], $0xffff;
	[tilespmem:s8+$0xFFFFFFD0] =	vst v12  }
.LBB2_28:
0x137: {  	v8 =	vld [tilespmem:s14+$0x0];
	s9 =	sadd.s32 $0x8, s9;
	[tilespmem:s8+$0xFFFFFFE0] =	vst v7  }
0x138: {  	v7 =	vld [tilespmem:s14+$0xFFFFFFA0];
	p4 =	slt.u32 s9, $0x1F8;
	[tilespmem:s8+$0xFFFFFFF0] =	vst v5  }
0x139: {  	v5 =	vld [tilespmem:s14+$0xFFFFFFB0];
	[tilespmem:s8+$0x0] =	vst v2  }
0x13a: {  	v2 =	vld [tilespmem:s14+$0xFFFFFFC0];
	[tilespmem:s8+$0x10] =	vst v3  }
0x13b: {  	v3 =	vld [tilespmem:s14+$0xFFFFFFD0];
	[tilespmem:s8+$0x20] =	vst v4  }
0x13c: {  	v4 =	vld [tilespmem:s14+$0xFFFFFFE0];
	[tilespmem:s8+$0xFFFFFFC0] =	vst v6  }
0x13d: {  	v6 =	vld [tilespmem:s14+$0xFFFFFFF0]  }
0x13e: {  	v9 =	vld [tilespmem:s14+$0xFFFFFF90]  }
0x13f: {  	v8 =	vld.idx.msk [tilespmem:v8+s24+$0x0], $0xffff  }
0x140: {  	v10 =	vld.idx.msk [tilespmem:v7+s24+$0x0], $0xffff  }
0x141: {  	v7 =	vld.idx.msk [tilespmem:v5+s24+$0x0], $0xffff  }
.Ltmp19:
0x142: {  	v5 =	vld.idx.msk [tilespmem:v2+s24+$0x0], $0xffff;
	(pc) =	sbr.rel @p4 .LBB2_28-.Ltmp19, $4  }
0x143: {  	v2 =	vld.idx.msk [tilespmem:v3+s24+$0x0], $0xffff  }
0x144: {  	s8 =	sadd.s32 $0x80, s8;
	v3 =	vld.idx.msk [tilespmem:v4+s24+$0x0], $0xffff  }
0x145: {  	v4 =	vld.idx.msk [tilespmem:v6+s24+$0x0], $0xffff;
	[tilespmem:s8+$0x30] =	vst v8  }
0x146: {  	s14 =	sadd.s32 $0x80, s14;
	v6 =	vld.idx.msk [tilespmem:v9+s24+$0x0], $0xffff;
	[tilespmem:s8+$0xFFFFFFD0] =	vst v10  }
0x147: {  	[tilespmem:s8+$0xFFFFFFE0] =	vst v7  }
0x148: {  	[tilespmem:s8+$0xFFFFFFF0] =	vst v5  }
0x149: {  	[tilespmem:s8+$0x0] =	vst v2  }
0x14a: {  	[tilespmem:s8+$0x10] =	vst v3  }
0x14b: {  	[tilespmem:s8+$0x20] =	vst v4  }
0x14c: {  	s7 =	sor.u32 s5, s7;
	[tilespmem:s8+$0xFFFFFFC0] =	vst v6  }
.LBB2_30:
0x14d: {  	s0 =	sor.u32 s22, s7  }
0x14e: {  	s0 =	sshrl.u32 s0, $0x3  }
0x14f: {  	s0 =	sadd.s32 s2, s0  }
0x150: {  	[hbm4b:s0+s4] =	stream.linear.scatter [tilespmem:s28], [sflag:$0x2], $0x2000, $0x38;
	[tilespmem:$0x1A800] =	vst v63  }
.Ltmp20:
0x151: {  	_ = 	snop;
	(pc) =	sbr.rel @!p0 .LBB2_31-.Ltmp20, $4  }
0x152: {  	s0 =	simm.s32 @p3 $0x3  }
0x153: {  	_ =	swait.ge @p3 [sflag:s0], $0x2000  }
0x154: {  	[sflag:s0] =	ssyncset.done @p3 $0x0  }
0x155: {  	s7 =	sor.u32 $0x4000, s6;
	[sflag:s0] =	ssyncadd.s32 @p3 $0xFFFFE000  }
.LBB2_14:
0x156: {  	s0 =	sshll.u32 s6, $0x2  }
0x157: {  	s0 =	sshra.s32 s0, $0x2  }
0x158: {  	v2 =	vmov s0;
	_ =	sdelay $0x2  }
0x159: {  	s14 =	sadd.s32 s6, s20  }
0x15a: {  	s8 =	simm.s32 $0x0;
	v3 =	vmov s14;
	s16 =	sadd.s32 $0xFFFFFF90, s14  }
0x15b: {  	s31 =	sadd.s32 $0xFFFFFFA0, s14;
	v3 =	vshrl.u32 v3, $0x6;
	v7 =	vmov s16;
	v4 =	vld.idx.msk [tilespmem:v2+s8+$0x4070 ss:$0x1], $0xffff  }
0x15c: {  	v10 =	vmov s31;
	v3 =	vbroadcast v3, $0x0;
	v7 =	vshrl.u32 v7, $0x6;
	v5 =	vld.idx.msk [tilespmem:v2+s8+$0x4000 ss:$0x1], $0xffff  }
0x15d: {  	v10 =	vshrl.u32 v10, $0x6;
	v7 =	vbroadcast v7, $0x0;
	v6 =	vld.idx.msk [tilespmem:v2+s8+$0x4010 ss:$0x1], $0xffff  }
0x15e: {  	v10 =	vbroadcast v10, $0x0;
	v8 =	vld.idx.msk [tilespmem:v2+s8+$0x4020 ss:$0x1], $0xffff  }
0x15f: {  	v9 =	vld.idx.msk [tilespmem:v2+s8+$0x4030 ss:$0x1], $0xffff  }
0x160: {  	s1 =	sadd.s32 $0xFFFFFFB0, s14;
	v11 =	vld.idx.msk [tilespmem:v2+s8+$0x4040 ss:$0x1], $0xffff  }
0x161: {  	v13 =	vmov s1;
	v12 =	vld.idx.msk [tilespmem:v2+s8+$0x4050 ss:$0x1], $0xffff  }
0x162: {  	v13 =	vshrl.u32 v13, $0x6;
	v3 =	vld.idx.msk [tilespmem:v3+s25+$0x0], $0xffff  }
0x163: {  	v13 =	vbroadcast v13, $0x0;
	v7 =	vld.idx.msk [tilespmem:v7+s25+$0x0], $0xffff  }
0x164: {  	s16 =	sadd.s32 $0xFFFFFFE0, s14;
	v18 =	vld.idx.msk [tilespmem:v10+s25+$0x0], $0xffff  }
0x165: {  	s9 =	sadd.s32 $0xFFFFFFC0, s14;
	v17 =	vmov s16;
	v4 =	vld.idx.msk [tilespmem:v4+s24+$0x0], $0xffff  }
0x166: {  	v14 =	vmov s9;
	v10 =	vshrl.u32 v17, $0x6;
	v5 =	vld.idx.msk [tilespmem:v5+s24+$0x0], $0xffff  }
0x167: {  	s15 =	sadd.s32 $0xFFFFFFD0, s14;
	v14 =	vshrl.u32 v14, $0x6;
	v63 =	vld.idx.msk [tilespmem:v8+s24+$0x0], $0xffff;
	v8 =	vbroadcast v10, $0x0  }
0x168: {  	v16 =	vmov s15;
	v14 =	vbroadcast v14, $0x0;
	v15 =	vld.idx.msk [tilespmem:v2+s8+$0x4060 ss:$0x1], $0xffff  }
0x169: {  	v16 =	vshrl.u32 v16, $0x6;
	v13 =	vld.idx.msk [tilespmem:v13+s25+$0x0], $0xffff  }
0x16a: {  	s31 =	sadd.s32 $0xFFFFFFF0, s14;
	v16 =	vbroadcast v16, $0x0;
	v6 =	vld.idx.msk [tilespmem:v6+s24+$0x0], $0xffff  }
0x16b: {  	v4 =	vsub.f32 v4, v3;
	v3 =	vld.idx.msk [tilespmem:v11+s24+$0x0], $0xffff;
	v7 =	vsub.f32 v5, v7;
	v11 =	vmov s31  }
0x16c: {  	v9 =	vld.idx.msk [tilespmem:v9+s24+$0x0], $0xffff;
	v11 =	vshrl.u32 v11, $0x6  }
0x16d: {  	[tilespmem:s8+$0x16800] =	vst v7;
	v7 =	vld.idx.msk [tilespmem:v8+s25+$0x0], $0xffff;
	v8 =	vbroadcast v11, $0x0  }
0x16e: {  	v10 =	vld.idx.msk [tilespmem:v14+s25+$0x0], $0xffff;
	_ =	sdelay $0x1  }
0x16f: {  	v5 =	vld.idx.msk [tilespmem:v16+s25+$0x0], $0xffff;
	v6 =	vsub.f32 v6, v18  }
0x170: {  	s7 =	sor.u32 s5, s7;
	[tilespmem:s8+$0x16870] =	vst v4;
	v4 =	vld.idx.msk [tilespmem:v12+s24+$0x0], $0xffff;
	v11 =	vsub.f32 v63, v13  }
0x171: {  	s9 =	simm.s32 $0x0;
	s14 =	sadd.s32 $0x80, s14;
	s15 =	simm.s32 $0x200;
	[tilespmem:s8+$0x16810] =	vst v6;
	v6 =	vld.idx.msk [tilespmem:v15+s24+$0x0], $0xffff  }
.LBB2_15:
0x172: {  	s16 =	sshra.s32 s15, $0x2;
	s0 =	sadd.s32 $0xFFFFFF90, s14;
	v12 =	vmov s14;
	s9 =	sadd.s32 $0x8, s9;
	[tilespmem:s8+$0x16820] =	vst v11;
	v9 =	vsub.f32 v9, v10;
	v10 =	vld.idx.msk [tilespmem:v8+s25+$0x0], $0xffff  }
0x173: {  	s31 =	sadd.s32 $0xFFFFFFB0, s14;
	v8 =	vmov s0;
	s0 =	sadd.s32 $0xFFFFFFA0, s14;
	v11 =	vld.idx.msk [tilespmem:v2+s16+$0x4070 ss:$0x1], $0xffff;
	v12 =	vshrl.u32 v12, $0x6;
	p4 =	slt.u32 s9, $0x1F8  }
0x174: {  	s1 =	sadd.s32 $0xFFFFFFE0, s14;
	v15 =	vmov s31;
	s31 =	sadd.s32 $0xFFFFFFD0, s14;
	v13 =	vld.idx.msk [tilespmem:v2+s16+$0x4000 ss:$0x1], $0xffff;
	v14 =	vmov s0;
	s0 =	sadd.s32 $0xFFFFFFC0, s14;
	v12 =	vbroadcast v12, $0x0;
	[tilespmem:s8+$0x16830] =	vst v9  }
0x175: {  	v18 =	vmov s1;
	v17 =	vmov s31;
	v9 =	vld.idx.msk [tilespmem:v2+s16+$0x4010 ss:$0x1], $0xffff;
	v16 =	vmov s0;
	s0 =	sadd.s32 $0xFFFFFFF0, s14  }
0x176: {  	v8 =	vshrl.u32 v8, $0x6;
	v14 =	vshrl.u32 v14, $0x6;
	v19 =	vld.idx.msk [tilespmem:v2+s16+$0x4020 ss:$0x1], $0xffff;
	v20 =	vmov s0  }
0x177: {  	v15 =	vshrl.u32 v15, $0x6;
	v17 =	vshrl.u32 v17, $0x6;
	v16 =	vshrl.u32 v16, $0x6;
	v21 =	vld.idx.msk [tilespmem:v2+s16+$0x4030 ss:$0x1], $0xffff  }
0x178: {  	v22 =	vbroadcast v8, $0x0;
	v8 =	vshrl.u32 v18, $0x6;
	v18 =	vshrl.u32 v20, $0x6;
	v23 =	vld.idx.msk [tilespmem:v2+s16+$0x4040 ss:$0x1], $0xffff  }
0x179: {  	v3 =	vsub.f32 v3, v5;
	v15 =	vbroadcast v15, $0x0;
	v14 =	vbroadcast v14, $0x0;
	v20 =	vld.idx.msk [tilespmem:v2+s16+$0x4050 ss:$0x1], $0xffff  }
0x17a: {  	v4 =	vsub.f32 v4, v7;
	v5 =	vbroadcast v16, $0x0;
	v16 =	vbroadcast v17, $0x0;
	v12 =	vld.idx.msk [tilespmem:v12+s25+$0x0], $0xffff  }
0x17b: {  	v7 =	vbroadcast v8, $0x0;
	v8 =	vbroadcast v18, $0x0;
	v11 =	vld.idx.msk [tilespmem:v11+s24+$0x0], $0xffff;
	[tilespmem:s8+$0x16840] =	vst v3;
	v3 =	vsub.f32 v6, v10  }
0x17c: {  	v6 =	vld.idx.msk [tilespmem:v2+s16+$0x4060 ss:$0x1], $0xffff;
	[tilespmem:s8+$0x16850] =	vst v4  }
0x17d: {  	v4 =	vld.idx.msk [tilespmem:v13+s24+$0x0], $0xffff;
	[tilespmem:s8+$0x16860] =	vst v3;
	s8 =	smov.u32 s16  }
0x17e: {  	v3 =	vld.idx.msk [tilespmem:v22+s25+$0x0], $0xffff  }
0x17f: {  	v13 =	vld.idx.msk [tilespmem:v9+s24+$0x0], $0xffff  }
0x180: {  	v14 =	vld.idx.msk [tilespmem:v14+s25+$0x0], $0xffff  }
0x181: {  	v10 =	vsub.f32 v11, v12;
	v17 =	vld.idx.msk [tilespmem:v19+s24+$0x0], $0xffff  }
0x182: {  	v11 =	vld.idx.msk [tilespmem:v15+s25+$0x0], $0xffff  }
0x183: {  	v9 =	vld.idx.msk [tilespmem:v21+s24+$0x0], $0xffff;
	[tilespmem:s8+$0x16870] =	vst v10  }
0x184: {  	v4 =	vsub.f32 v4, v3;
	v10 =	vld.idx.msk [tilespmem:v5+s25+$0x0], $0xffff  }
.Ltmp21:
0x185: {  	v3 =	vld.idx.msk [tilespmem:v23+s24+$0x0], $0xffff;
	(pc) =	sbr.rel @p4 .LBB2_15-.Ltmp21, $4  }
0x186: {  	v12 =	vsub.f32 v13, v14;
	[tilespmem:s8+$0x16800] =	vst v4;
	v5 =	vld.idx.msk [tilespmem:v16+s25+$0x0], $0xffff  }
0x187: {  	v4 =	vld.idx.msk [tilespmem:v20+s24+$0x0], $0xffff  }
0x188: {  	v11 =	vsub.f32 v17, v11;
	[tilespmem:s8+$0x16810] =	vst v12;
	v7 =	vld.idx.msk [tilespmem:v7+s25+$0x0], $0xffff  }
0x189: {  	s15 =	sadd.s32 $0x200, s15;
	s14 =	sadd.s32 $0x80, s14;
	v6 =	vld.idx.msk [tilespmem:v6+s24+$0x0], $0xffff  }
0x18a: {  	_ =	sdelay $0x3  }
0x18b: {  	v2 =	vld.idx.msk [tilespmem:v8+s25+$0x0], $0xffff;
	_ =	sdelay $0x1  }
0x18c: {  	v63 =	vsub.f32 v9, v10  }
.Ltmp22:
0x18d: {  	[tilespmem:s8+$0x16820] =	vst v11;
	v3 =	vsub.f32 v3, v5;
	(pc) =	sbr.rel @!p1 .LBB2_34-.Ltmp22, $4  }
0x18e: {  	[tilespmem:s8+$0x16830] =	vst v63;
	v4 =	vsub.f32 v4, v7  }
0x18f: {  	[tilespmem:s8+$0x16840] =	vst v3;
	v2 =	vsub.f32 v6, v2  }
0x190: {  	[tilespmem:s8+$0x16850] =	vst v4  }
0x191: {  	[tilespmem:s8+$0x16860] =	vst v2  }
0x192: {  	s0 =	sor.u32 s10, s7  }
0x193: {  	s0 =	sshrl.u32 s0, $0x3  }
0x194: {  	s0 =	sadd.s32 s3, s0  }
0x195: {  	[hbm4b:s0+s4] =	stream.linear.scatter [tilespmem:s29], [sflag:$0x3], $0x2000, $0x38;
	[tilespmem:$0x1A800] =	vst v63  }
.Ltmp23:
0x196: {  	_ = 	snop;
	(pc) =	sbr.rel .LBB2_18-.Ltmp23, $4  }
0x197: {  	s0 =	simm.s32 @p3 $0x4  }
0x198: {  	_ =	swait.ge @p3 [sflag:s0], $0x2000  }
0x199: {  	[sflag:s0] =	ssyncset.done @p3 $0x0  }
0x19a: {  	s7 =	sor.u32 $0x6000, s6;
	[sflag:s0] =	ssyncadd.s32 @p3 $0xFFFFE000  }
.LBB2_31:
0x19b: {  	s0 =	sshll.u32 s6, $0x2  }
0x19c: {  	s0 =	sshra.s32 s0, $0x2  }
0x19d: {  	v2 =	vmov s0;
	_ =	sdelay $0x3  }
0x19e: {  	s8 =	simm.s32 $0x0  }
0x19f: {  	v4 =	vld.idx.msk [tilespmem:v2+s8+$0x4070 ss:$0x1], $0xffff  }
0x1a0: {  	v5 =	vld.idx.msk [tilespmem:v2+s8+$0x4000 ss:$0x1], $0xffff  }
0x1a1: {  	v6 =	vld.idx.msk [tilespmem:v2+s8+$0x4010 ss:$0x1], $0xffff  }
0x1a2: {  	v7 =	vld.idx.msk [tilespmem:v2+s8+$0x4020 ss:$0x1], $0xffff  }
0x1a3: {  	v10 =	vld.idx.msk [tilespmem:v2+s8+$0x4030 ss:$0x1], $0xffff  }
0x1a4: {  	v11 =	vld.idx.msk [tilespmem:v2+s8+$0x4040 ss:$0x1], $0xffff  }
0x1a5: {  	v12 =	vld.idx.msk [tilespmem:v2+s8+$0x4050 ss:$0x1], $0xffff  }
0x1a6: {  	v3 =	vld.idx.msk [tilespmem:v2+s8+$0x4060 ss:$0x1], $0xffff  }
0x1a7: {  	v13 =	vld.idx.msk [tilespmem:v4+s24+$0x0], $0xffff  }
0x1a8: {  	v9 =	vld.idx.msk [tilespmem:v5+s24+$0x0], $0xffff  }
0x1a9: {  	v8 =	vld.idx.msk [tilespmem:v6+s24+$0x0], $0xffff  }
0x1aa: {  	v7 =	vld.idx.msk [tilespmem:v7+s24+$0x0], $0xffff  }
0x1ab: {  	v6 =	vld.idx.msk [tilespmem:v10+s24+$0x0], $0xffff  }
0x1ac: {  	v4 =	vld.idx.msk [tilespmem:v11+s24+$0x0], $0xffff  }
0x1ad: {  	s9 =	simm.s32 $0x0;
	s14 =	simm.s32 $0x200;
	v5 =	vld.idx.msk [tilespmem:v12+s24+$0x0], $0xffff;
	[tilespmem:s8+$0x16870] =	vst v13  }
.LBB2_32:
0x1ae: {  	s0 =	sshra.s32 s14, $0x2;
	s9 =	sadd.s32 $0x8, s9;
	[tilespmem:s8+$0x16800] =	vst v9;
	v3 =	vld.idx.msk [tilespmem:v3+s24+$0x0], $0xffff  }
0x1af: {  	v9 =	vld.idx.msk [tilespmem:v2+s0+$0x4070 ss:$0x1], $0xffff;
	p4 =	slt.u32 s9, $0x1F8;
	[tilespmem:s8+$0x16810] =	vst v8  }
0x1b0: {  	v8 =	vld.idx.msk [tilespmem:v2+s0+$0x4000 ss:$0x1], $0xffff;
	[tilespmem:s8+$0x16820] =	vst v7  }
0x1b1: {  	v7 =	vld.idx.msk [tilespmem:v2+s0+$0x4010 ss:$0x1], $0xffff;
	[tilespmem:s8+$0x16830] =	vst v6  }
0x1b2: {  	v6 =	vld.idx.msk [tilespmem:v2+s0+$0x4020 ss:$0x1], $0xffff;
	[tilespmem:s8+$0x16840] =	vst v4  }
0x1b3: {  	v4 =	vld.idx.msk [tilespmem:v2+s0+$0x4030 ss:$0x1], $0xffff;
	[tilespmem:s8+$0x16850] =	vst v5  }
0x1b4: {  	v5 =	vld.idx.msk [tilespmem:v2+s0+$0x4040 ss:$0x1], $0xffff;
	[tilespmem:s8+$0x16860] =	vst v3;
	s8 =	smov.u32 s0  }
0x1b5: {  	v10 =	vld.idx.msk [tilespmem:v2+s8+$0x4050 ss:$0x1], $0xffff  }
0x1b6: {  	v3 =	vld.idx.msk [tilespmem:v2+s8+$0x4060 ss:$0x1], $0xffff  }
0x1b7: {  	v11 =	vld.idx.msk [tilespmem:v9+s24+$0x0], $0xffff  }
0x1b8: {  	v9 =	vld.idx.msk [tilespmem:v8+s24+$0x0], $0xffff  }
.Ltmp24:
0x1b9: {  	v8 =	vld.idx.msk [tilespmem:v7+s24+$0x0], $0xffff;
	(pc) =	sbr.rel @p4 .LBB2_32-.Ltmp24, $4  }
0x1ba: {  	v7 =	vld.idx.msk [tilespmem:v6+s24+$0x0], $0xffff  }
0x1bb: {  	v6 =	vld.idx.msk [tilespmem:v4+s24+$0x0], $0xffff  }
0x1bc: {  	v4 =	vld.idx.msk [tilespmem:v5+s24+$0x0], $0xffff  }
0x1bd: {  	s14 =	sadd.s32 $0x200, s14;
	v5 =	vld.idx.msk [tilespmem:v10+s24+$0x0], $0xffff;
	[tilespmem:s8+$0x16870] =	vst v11  }
0x1be: {  	_ =	sdelay $0x2  }
0x1bf: {  	[tilespmem:s8+$0x16800] =	vst v9  }
0x1c0: {  	v2 =	vld.idx.msk [tilespmem:v3+s24+$0x0], $0xffff;
	[tilespmem:s8+$0x16810] =	vst v8  }
0x1c1: {  	[tilespmem:s8+$0x16820] =	vst v7  }
0x1c2: {  	[tilespmem:s8+$0x16830] =	vst v6  }
0x1c3: {  	[tilespmem:s8+$0x16840] =	vst v4  }
0x1c4: {  	[tilespmem:s8+$0x16850] =	vst v5  }
0x1c5: {  	s7 =	sor.u32 s5, s7;
	[tilespmem:s8+$0x16860] =	vst v2  }
.LBB2_34:
0x1c6: {  	s0 =	sor.u32 s22, s7  }
0x1c7: {  	s0 =	sshrl.u32 s0, $0x3  }
0x1c8: {  	s0 =	sadd.s32 s2, s0  }
0x1c9: {  	[hbm4b:s0+s4] =	stream.linear.scatter [tilespmem:s29], [sflag:$0x3], $0x2000, $0x38;
	[tilespmem:$0x1A800] =	vst v63  }
.Ltmp25:
0x1ca: {  	_ = 	snop;
	(pc) =	sbr.rel @!p0 .LBB2_35-.Ltmp25, $4  }
0x1cb: {  	s0 =	simm.s32 @p3 $0x4  }
0x1cc: {  	_ =	swait.ge @p3 [sflag:s0], $0x2000  }
0x1cd: {  	[sflag:s0] =	ssyncset.done @p3 $0x0  }
0x1ce: {  	s7 =	sor.u32 $0x6000, s6;
	[sflag:s0] =	ssyncadd.s32 @p3 $0xFFFFE000  }
.LBB2_18:
0x1cf: {  	s0 =	sshll.u32 s6, $0x2  }
0x1d0: {  	s0 =	sshra.s32 s0, $0x2  }
0x1d1: {  	v2 =	vmov s0;
	_ =	sdelay $0x2  }
0x1d2: {  	s9 =	sadd.s32 s6, s21  }
0x1d3: {  	s6 =	simm.s32 $0x0;
	v3 =	vmov s9;
	s31 =	sadd.s32 $0xFFFFFF90, s9  }
0x1d4: {  	s1 =	sadd.s32 $0xFFFFFFA0, s9;
	v3 =	vshrl.u32 v3, $0x6;
	v7 =	vmov s31;
	v4 =	vld.idx.msk [tilespmem:v2+s6+$0x6070 ss:$0x1], $0xffff  }
0x1d5: {  	v10 =	vmov s1;
	v3 =	vbroadcast v3, $0x0;
	v7 =	vshrl.u32 v7, $0x6;
	v5 =	vld.idx.msk [tilespmem:v2+s6+$0x6000 ss:$0x1], $0xffff  }
0x1d6: {  	v10 =	vshrl.u32 v10, $0x6;
	v7 =	vbroadcast v7, $0x0;
	v6 =	vld.idx.msk [tilespmem:v2+s6+$0x6010 ss:$0x1], $0xffff  }
0x1d7: {  	v10 =	vbroadcast v10, $0x0;
	v8 =	vld.idx.msk [tilespmem:v2+s6+$0x6020 ss:$0x1], $0xffff  }
0x1d8: {  	v9 =	vld.idx.msk [tilespmem:v2+s6+$0x6030 ss:$0x1], $0xffff  }
0x1d9: {  	s8 =	sadd.s32 $0xFFFFFFB0, s9;
	v11 =	vld.idx.msk [tilespmem:v2+s6+$0x6040 ss:$0x1], $0xffff  }
0x1da: {  	v13 =	vmov s8;
	v12 =	vld.idx.msk [tilespmem:v2+s6+$0x6050 ss:$0x1], $0xffff  }
0x1db: {  	v13 =	vshrl.u32 v13, $0x6;
	v3 =	vld.idx.msk [tilespmem:v3+s25+$0x0], $0xffff  }
0x1dc: {  	v13 =	vbroadcast v13, $0x0;
	v7 =	vld.idx.msk [tilespmem:v7+s25+$0x0], $0xffff  }
0x1dd: {  	s16 =	sadd.s32 $0xFFFFFFE0, s9;
	v18 =	vld.idx.msk [tilespmem:v10+s25+$0x0], $0xffff  }
0x1de: {  	s14 =	sadd.s32 $0xFFFFFFC0, s9;
	v17 =	vmov s16;
	v4 =	vld.idx.msk [tilespmem:v4+s24+$0x0], $0xffff  }
0x1df: {  	v14 =	vmov s14;
	v10 =	vshrl.u32 v17, $0x6;
	v5 =	vld.idx.msk [tilespmem:v5+s24+$0x0], $0xffff  }
0x1e0: {  	s15 =	sadd.s32 $0xFFFFFFD0, s9;
	v14 =	vshrl.u32 v14, $0x6;
	v63 =	vld.idx.msk [tilespmem:v8+s24+$0x0], $0xffff;
	v8 =	vbroadcast v10, $0x0  }
0x1e1: {  	v16 =	vmov s15;
	v14 =	vbroadcast v14, $0x0;
	v15 =	vld.idx.msk [tilespmem:v2+s6+$0x6060 ss:$0x1], $0xffff  }
0x1e2: {  	v16 =	vshrl.u32 v16, $0x6;
	v13 =	vld.idx.msk [tilespmem:v13+s25+$0x0], $0xffff  }
0x1e3: {  	s31 =	sadd.s32 $0xFFFFFFF0, s9;
	v16 =	vbroadcast v16, $0x0;
	v6 =	vld.idx.msk [tilespmem:v6+s24+$0x0], $0xffff  }
0x1e4: {  	v4 =	vsub.f32 v4, v3;
	v3 =	vld.idx.msk [tilespmem:v11+s24+$0x0], $0xffff;
	v7 =	vsub.f32 v5, v7;
	v11 =	vmov s31  }
0x1e5: {  	v9 =	vld.idx.msk [tilespmem:v9+s24+$0x0], $0xffff;
	v11 =	vshrl.u32 v11, $0x6  }
0x1e6: {  	[tilespmem:s6+$0x18800] =	vst v7;
	v7 =	vld.idx.msk [tilespmem:v8+s25+$0x0], $0xffff;
	v8 =	vbroadcast v11, $0x0  }
0x1e7: {  	v10 =	vld.idx.msk [tilespmem:v14+s25+$0x0], $0xffff;
	_ =	sdelay $0x1  }
0x1e8: {  	v5 =	vld.idx.msk [tilespmem:v16+s25+$0x0], $0xffff;
	v6 =	vsub.f32 v6, v18  }
0x1e9: {  	s7 =	sor.u32 s5, s7;
	[tilespmem:s6+$0x18870] =	vst v4;
	v4 =	vld.idx.msk [tilespmem:v12+s24+$0x0], $0xffff;
	v11 =	vsub.f32 v63, v13  }
0x1ea: {  	s8 =	simm.s32 $0x0;
	s9 =	sadd.s32 $0x80, s9;
	s14 =	simm.s32 $0x200;
	[tilespmem:s6+$0x18810] =	vst v6;
	v6 =	vld.idx.msk [tilespmem:v15+s24+$0x0], $0xffff  }
.LBB2_19:
0x1eb: {  	s15 =	sshra.s32 s14, $0x2;
	s0 =	sadd.s32 $0xFFFFFF90, s9;
	v12 =	vmov s9;
	s8 =	sadd.s32 $0x8, s8;
	[tilespmem:s6+$0x18820] =	vst v11;
	v9 =	vsub.f32 v9, v10;
	v10 =	vld.idx.msk [tilespmem:v8+s25+$0x0], $0xffff  }
0x1ec: {  	s1 =	sadd.s32 $0xFFFFFFB0, s9;
	v8 =	vmov s0;
	s0 =	sadd.s32 $0xFFFFFFA0, s9;
	v11 =	vld.idx.msk [tilespmem:v2+s15+$0x6070 ss:$0x1], $0xffff;
	v12 =	vshrl.u32 v12, $0x6;
	p3 =	slt.u32 s8, $0x1F8  }
0x1ed: {  	s16 =	sadd.s32 $0xFFFFFFE0, s9;
	v15 =	vmov s1;
	s1 =	sadd.s32 $0xFFFFFFD0, s9;
	v13 =	vld.idx.msk [tilespmem:v2+s15+$0x6000 ss:$0x1], $0xffff;
	v14 =	vmov s0;
	s0 =	sadd.s32 $0xFFFFFFC0, s9;
	v12 =	vbroadcast v12, $0x0;
	[tilespmem:s6+$0x18830] =	vst v9  }
0x1ee: {  	v18 =	vmov s16;
	v17 =	vmov s1;
	v9 =	vld.idx.msk [tilespmem:v2+s15+$0x6010 ss:$0x1], $0xffff;
	v16 =	vmov s0;
	s0 =	sadd.s32 $0xFFFFFFF0, s9  }
0x1ef: {  	v8 =	vshrl.u32 v8, $0x6;
	v14 =	vshrl.u32 v14, $0x6;
	v19 =	vld.idx.msk [tilespmem:v2+s15+$0x6020 ss:$0x1], $0xffff;
	v20 =	vmov s0  }
0x1f0: {  	v15 =	vshrl.u32 v15, $0x6;
	v17 =	vshrl.u32 v17, $0x6;
	v16 =	vshrl.u32 v16, $0x6;
	v21 =	vld.idx.msk [tilespmem:v2+s15+$0x6030 ss:$0x1], $0xffff  }
0x1f1: {  	v22 =	vbroadcast v8, $0x0;
	v8 =	vshrl.u32 v18, $0x6;
	v18 =	vshrl.u32 v20, $0x6;
	v23 =	vld.idx.msk [tilespmem:v2+s15+$0x6040 ss:$0x1], $0xffff  }
0x1f2: {  	v3 =	vsub.f32 v3, v5;
	v15 =	vbroadcast v15, $0x0;
	v14 =	vbroadcast v14, $0x0;
	v20 =	vld.idx.msk [tilespmem:v2+s15+$0x6050 ss:$0x1], $0xffff  }
0x1f3: {  	v4 =	vsub.f32 v4, v7;
	v5 =	vbroadcast v16, $0x0;
	v16 =	vbroadcast v17, $0x0;
	v12 =	vld.idx.msk [tilespmem:v12+s25+$0x0], $0xffff  }
0x1f4: {  	v7 =	vbroadcast v8, $0x0;
	v8 =	vbroadcast v18, $0x0;
	v11 =	vld.idx.msk [tilespmem:v11+s24+$0x0], $0xffff;
	[tilespmem:s6+$0x18840] =	vst v3;
	v3 =	vsub.f32 v6, v10  }
0x1f5: {  	v6 =	vld.idx.msk [tilespmem:v2+s15+$0x6060 ss:$0x1], $0xffff;
	[tilespmem:s6+$0x18850] =	vst v4  }
0x1f6: {  	v4 =	vld.idx.msk [tilespmem:v13+s24+$0x0], $0xffff;
	[tilespmem:s6+$0x18860] =	vst v3;
	s6 =	smov.u32 s15  }
0x1f7: {  	v3 =	vld.idx.msk [tilespmem:v22+s25+$0x0], $0xffff  }
0x1f8: {  	v13 =	vld.idx.msk [tilespmem:v9+s24+$0x0], $0xffff  }
0x1f9: {  	v14 =	vld.idx.msk [tilespmem:v14+s25+$0x0], $0xffff  }
0x1fa: {  	v10 =	vsub.f32 v11, v12;
	v17 =	vld.idx.msk [tilespmem:v19+s24+$0x0], $0xffff  }
0x1fb: {  	v11 =	vld.idx.msk [tilespmem:v15+s25+$0x0], $0xffff  }
0x1fc: {  	v9 =	vld.idx.msk [tilespmem:v21+s24+$0x0], $0xffff;
	[tilespmem:s6+$0x18870] =	vst v10  }
0x1fd: {  	v4 =	vsub.f32 v4, v3;
	v10 =	vld.idx.msk [tilespmem:v5+s25+$0x0], $0xffff  }
.Ltmp26:
0x1fe: {  	v3 =	vld.idx.msk [tilespmem:v23+s24+$0x0], $0xffff;
	(pc) =	sbr.rel @p3 .LBB2_19-.Ltmp26, $4  }
0x1ff: {  	v12 =	vsub.f32 v13, v14;
	[tilespmem:s6+$0x18800] =	vst v4;
	v5 =	vld.idx.msk [tilespmem:v16+s25+$0x0], $0xffff  }
0x200: {  	v4 =	vld.idx.msk [tilespmem:v20+s24+$0x0], $0xffff  }
0x201: {  	v11 =	vsub.f32 v17, v11;
	[tilespmem:s6+$0x18810] =	vst v12;
	v7 =	vld.idx.msk [tilespmem:v7+s25+$0x0], $0xffff  }
0x202: {  	s14 =	sadd.s32 $0x200, s14;
	s9 =	sadd.s32 $0x80, s9;
	v6 =	vld.idx.msk [tilespmem:v6+s24+$0x0], $0xffff  }
0x203: {  	_ =	sdelay $0x3  }
0x204: {  	v2 =	vld.idx.msk [tilespmem:v8+s25+$0x0], $0xffff;
	_ =	sdelay $0x1  }
0x205: {  	v63 =	vsub.f32 v9, v10  }
.Ltmp27:
0x206: {  	[tilespmem:s6+$0x18820] =	vst v11;
	v3 =	vsub.f32 v3, v5;
	(pc) =	sbr.rel @!p1 .LBB2_38-.Ltmp27, $4  }
0x207: {  	[tilespmem:s6+$0x18830] =	vst v63;
	v4 =	vsub.f32 v4, v7  }
0x208: {  	[tilespmem:s6+$0x18840] =	vst v3;
	v2 =	vsub.f32 v6, v2  }
0x209: {  	[tilespmem:s6+$0x18850] =	vst v4  }
0x20a: {  	[tilespmem:s6+$0x18860] =	vst v2  }
.Ltmp28:
0x20b: {  	(pc) =	sbr.rel .LBB2_39-.Ltmp28, $2  }
0x20c: {  	_ =	sdelay $0x2  }
0x20d: {  	s6 =	sor.u32 s10, s7;
	s7 =	smov.u32 s3  }
.LBB2_35:
0x20e: {  	s0 =	sshll.u32 s6, $0x2  }
0x20f: {  	s0 =	sshra.s32 s0, $0x2  }
0x210: {  	v2 =	vmov s0;
	_ =	sdelay $0x3  }
0x211: {  	s6 =	simm.s32 $0x0  }
0x212: {  	v4 =	vld.idx.msk [tilespmem:v2+s6+$0x6070 ss:$0x1], $0xffff  }
0x213: {  	v5 =	vld.idx.msk [tilespmem:v2+s6+$0x6000 ss:$0x1], $0xffff  }
0x214: {  	v6 =	vld.idx.msk [tilespmem:v2+s6+$0x6010 ss:$0x1], $0xffff  }
0x215: {  	v7 =	vld.idx.msk [tilespmem:v2+s6+$0x6020 ss:$0x1], $0xffff  }
0x216: {  	v10 =	vld.idx.msk [tilespmem:v2+s6+$0x6030 ss:$0x1], $0xffff  }
0x217: {  	v11 =	vld.idx.msk [tilespmem:v2+s6+$0x6040 ss:$0x1], $0xffff  }
0x218: {  	v12 =	vld.idx.msk [tilespmem:v2+s6+$0x6050 ss:$0x1], $0xffff  }
0x219: {  	v3 =	vld.idx.msk [tilespmem:v2+s6+$0x6060 ss:$0x1], $0xffff  }
0x21a: {  	v13 =	vld.idx.msk [tilespmem:v4+s24+$0x0], $0xffff  }
0x21b: {  	v9 =	vld.idx.msk [tilespmem:v5+s24+$0x0], $0xffff  }
0x21c: {  	v8 =	vld.idx.msk [tilespmem:v6+s24+$0x0], $0xffff  }
0x21d: {  	v7 =	vld.idx.msk [tilespmem:v7+s24+$0x0], $0xffff  }
0x21e: {  	v6 =	vld.idx.msk [tilespmem:v10+s24+$0x0], $0xffff  }
0x21f: {  	v4 =	vld.idx.msk [tilespmem:v11+s24+$0x0], $0xffff  }
0x220: {  	s8 =	simm.s32 $0x0;
	s9 =	simm.s32 $0x200;
	v5 =	vld.idx.msk [tilespmem:v12+s24+$0x0], $0xffff;
	[tilespmem:s6+$0x18870] =	vst v13  }
.LBB2_36:
0x221: {  	s0 =	sshra.s32 s9, $0x2;
	s8 =	sadd.s32 $0x8, s8;
	[tilespmem:s6+$0x18800] =	vst v9;
	v3 =	vld.idx.msk [tilespmem:v3+s24+$0x0], $0xffff  }
0x222: {  	v9 =	vld.idx.msk [tilespmem:v2+s0+$0x6070 ss:$0x1], $0xffff;
	p3 =	slt.u32 s8, $0x1F8;
	[tilespmem:s6+$0x18810] =	vst v8  }
0x223: {  	v8 =	vld.idx.msk [tilespmem:v2+s0+$0x6000 ss:$0x1], $0xffff;
	[tilespmem:s6+$0x18820] =	vst v7  }
0x224: {  	v7 =	vld.idx.msk [tilespmem:v2+s0+$0x6010 ss:$0x1], $0xffff;
	[tilespmem:s6+$0x18830] =	vst v6  }
0x225: {  	v6 =	vld.idx.msk [tilespmem:v2+s0+$0x6020 ss:$0x1], $0xffff;
	[tilespmem:s6+$0x18840] =	vst v4  }
0x226: {  	v4 =	vld.idx.msk [tilespmem:v2+s0+$0x6030 ss:$0x1], $0xffff;
	[tilespmem:s6+$0x18850] =	vst v5  }
0x227: {  	v5 =	vld.idx.msk [tilespmem:v2+s0+$0x6040 ss:$0x1], $0xffff;
	[tilespmem:s6+$0x18860] =	vst v3;
	s6 =	smov.u32 s0  }
0x228: {  	v10 =	vld.idx.msk [tilespmem:v2+s6+$0x6050 ss:$0x1], $0xffff  }
0x229: {  	v3 =	vld.idx.msk [tilespmem:v2+s6+$0x6060 ss:$0x1], $0xffff  }
0x22a: {  	v11 =	vld.idx.msk [tilespmem:v9+s24+$0x0], $0xffff  }
0x22b: {  	v9 =	vld.idx.msk [tilespmem:v8+s24+$0x0], $0xffff  }
.Ltmp29:
0x22c: {  	v8 =	vld.idx.msk [tilespmem:v7+s24+$0x0], $0xffff;
	(pc) =	sbr.rel @p3 .LBB2_36-.Ltmp29, $4  }
0x22d: {  	v7 =	vld.idx.msk [tilespmem:v6+s24+$0x0], $0xffff  }
0x22e: {  	v6 =	vld.idx.msk [tilespmem:v4+s24+$0x0], $0xffff  }
0x22f: {  	v4 =	vld.idx.msk [tilespmem:v5+s24+$0x0], $0xffff  }
0x230: {  	s9 =	sadd.s32 $0x200, s9;
	v5 =	vld.idx.msk [tilespmem:v10+s24+$0x0], $0xffff;
	[tilespmem:s6+$0x18870] =	vst v11  }
0x231: {  	_ =	sdelay $0x2  }
0x232: {  	[tilespmem:s6+$0x18800] =	vst v9  }
0x233: {  	v2 =	vld.idx.msk [tilespmem:v3+s24+$0x0], $0xffff;
	[tilespmem:s6+$0x18810] =	vst v8  }
.Ltmp30:
0x234: {  	[tilespmem:s6+$0x18820] =	vst v7;
	(pc) =	sbr.rel .LBB2_38-.Ltmp30, $4  }
0x235: {  	[tilespmem:s6+$0x18830] =	vst v6  }
0x236: {  	[tilespmem:s6+$0x18840] =	vst v4  }
0x237: {  	[tilespmem:s6+$0x18850] =	vst v5  }
0x238: {  	s7 =	sor.u32 s5, s7;
	[tilespmem:s6+$0x18860] =	vst v2  }
.LBB2_43:
0x239: {  	_ =	sfence.sel $0x180000  }
0x23a: {  	[bflag:$0x0] =	sbarrier.arrive $0xFFFF  }
0x23b: {  	_ =	strace $0x9000004A  }
0x23c: {  	s0 =	stileid.u32;
	[bflag:$0x2] =	sbarrier.arrive $0xFFFF  }
0x23d: {  	p0 =	sne.s32 s0, $0x0;
	s0 =	rddreg [dreg:$0x4]  }
0x23e: {  	s0 =	sadd.s32 @!p0 $0x100000, s0  }
0x23f: {  	[sflag:s0] =	ssyncadd.tile.s32 @!p0 $0x1;
	_ =	shalt  }
.Lfunc_end2:
_tile_overlayer_lowered:
.L_overlay_start_2:
0x240: {  	(tag) =	ssettag $0x2  }
0x241: {  	s0 =	rddreg [dreg:$0x0];
	s2 =	stileid.u32  }
0x242: {  	s1 =	rddreg [dreg:$0x1];
	p0 =	sne.s32 s2, $0x0  }
0x243: {  	s3 =	rddreg [dreg:$0x2];
	[bflag:$0x3] =	sbarrier.arrive $0xFFFF;
	s2 =	simm.s32 @!p0 $0x1C05  }
0x244: {  	[timem:s3], [sflag:s2] =	dma.local @!p0 [hbm:s0], s1  }
0x245: {  	s0 =	simm.s32 @!p0 $0x5  }
0x246: {  	_ =	swait.ge @!p0 [sflag:s0], s1  }
0x247: {  	s1 =	ssub.s32 @!p0 $0x0, s1;
	[sflag:s0] =	ssyncset.done @!p0 $0x0  }
0x248: {  	[sflag:s0] =	ssyncadd.s32 @!p0 s1  }
0x249: {  	[bflag:$0x3] =	sbarrier.arrive $0xFFFF  }
0x24a: {  	_ =	shalt  }

// kernel: sparse-core-data-format-call.cloned.1.call-start
scs
called_computation_lowered:
.L_overlay_start_0:
0x0: {  	s2 =	sld [smem:$0x3FD9]  }
0x1: {  	s3 =	sld [smem:$0x3FFE];
	_ =	sdelay $0x1  }
0x2: {  	s1 =	srdreg.scid  }
0x3: {  	s0 =	sand.u32 $0x1, s1  }
0x4: {  	s15 =	sshll.u32 s0, $0xA;
	s2 =	sadd.s32 s3, s2  }
0x5: {  	s2 =	sadd.s32 s2, s15  }
0x6: {  	[smem:$0x3FC4] =	sst s2  }
0x7: {  	_ = 	snop  }
0x8: {  	s2 =	sld [smem:$0x3FD0];
	_ =	sdelay $0x2  }
0x9: {  	s16 =	simm.s32 $0xA;
	s4 =	simm.s32 $0x10  }
0xa: {  	[smem:s4], [sflag:s16] =	dma.local [hbm:s2], $0x1  }
0xb: {  	_ =	swait.eq [sflag:s16], $0x1  }
0xc: {  	[sflag:s16] =	ssyncset.done $0x0  }
0xd: {  	[sflag:s16] =	ssyncadd.s32 $0xFFFFFFFF  }
0xe: {  	s17 =	sld [smem:$0x10];
	(tm) =	ssettm $0x1  }
0xf: {  	s18 =	sld [smem:$0x3FFB];
	_ =	sdelay $0x3  }
0x10: {  	_ =	strace s18  }
0x11: {  	s3 =	sld [smem:$0x3FFC];
	_ =	sdelay $0x3  }
0x12: {  	_ =	strace s3  }
0x13: {  	s3 =	sld [smem:$0x3FFD];
	_ =	sdelay $0x3  }
0x14: {  	_ =	strace s3  }
0x15: {  	_ =	strace $0x8FFFFFFF  }
0x16: {  	s19 =	sld [smem:$0x3FDB];
	_ =	sdelay $0x1  }
0x17: {  	s20 =	simm.s32 $_scs_section_size  }
0x18: {  	s5 =	simm.s32 $_size__tile_overlayer_lowered;
	s6 =	simm.s32 $_tile_overlayer_lowered  }
0x19: {  	s23 =	simm.s32 $0x1BFF;
	s22 =	sshll.u32 s6, $0x1;
	s3 =	sadd.s32 s20, s19  }
0x1a: {  	s7 =	simm.s32 $0x0;
	s21 =	sshll.u32 s5, $0x1;
	s5 =	sadd.s32 s22, s3  }
0x1b: {  	[timem:s7], [sflag:s23] =	dma.local [hbm:s5], s21  }
0x1c: {  	_ =	swait.ge [sflag:s23], s21  }
0x1d: {  	s4 =	ssub.s32 $0x0, s21;
	[sflag:s23] =	ssyncset.done $0x0  }
0x1e: {  	[sflag:s23] =	ssyncadd.s32 s4;
	_ =	sdelay $0x1  }
0x1f: {  	s24 =	simm.s32 $0x1B8B  }
0x20: {  	_ =	swait.ge [sflag:s24], $0x1  }
0x21: {  	[sflag:s24] =	ssyncset.done $0x0  }
0x22: {  	s26 =	simm.s32 $0x1B8E;
	s25 =	sld [smem:$0x3FFE];
	[sflag:s24] =	ssyncadd.s32 $0xFFFFFFFF  }
0x23: {  	s27 =	simm.s32 $execute0_lowered;
	[smem:$0x3FD2] =	sst s26  }
0x24: {  	s5 =	sshll.u32 s27, $0x1;
	_ =	strace $0x8000004C;
	[dreg:$0x1] =	wrdreg $0xFFFFFFFF  }
0x25: {  	s28 =	simm.s32 $_size_execute0_lowered;
	s3 =	sadd.s32 s3, s5;
	[dreg:$0x0] =	wrdreg $0x0  }
0x26: {  	s5 =	sshll.u32 s28, $0x1;
	[dreg:$0x2] =	wrdreg s3  }
0x27: {  	[dreg:$0x3] =	wrdreg s5  }
0x28: {  	[dreg:$0x4] =	wrdreg $0xC0  }
0x29: {  	_ =	task [dreg:s7], $0x5FFFF  }
0x2a: {  	[dreg:$0x1] =	wrdreg $0xFFFFFFFF  }
0x2b: {  	[dreg:$0x0] =	wrdreg $0x60  }
0x2c: {  	[dreg:$0x2] =	wrdreg s25  }
0x2d: {  	[dreg:$0x3] =	wrdreg s17  }
0x2e: {  	[dreg:$0x4] =	wrdreg $0x9  }
0x2f: {  	_ =	task.clear_ibuf [dreg:s7], $0x5FFFF;
	_ =	strace $0x9000004C  }
0x30: {  	s29 =	simm.s32 $0x9;
	_ =	strace $0x8000004E  }
0x31: {  	_ =	swait.ge [sflag:s29], $0x1  }
0x32: {  	[sflag:s29] =	ssyncadd.s32 $0xFFFFFFFF  }
0x33: {  	_ =	strace $0x9000004E  }
0x34: {  	_ =	sfence  }
0x35: {  	s30 =	sld [smem:$0x0];
	_ =	sdelay $0x2  }
0x36: {  	s31 =	sshll.u32 s1, $0xD;
	s1 =	sshrl.u32 s1, $0x2  }
0x37: {  	s3 =	sand.u32 $0x4000, s31;
	s1 =	sadd.s32 s1, s30  }
0x38: {  	s0 =	sor.u32 s3, s0;
	s1 =	sshll.u32 s1, $0x11  }
0x39: {  	s0 =	sor.u32 s1, s0  }
0x3a: {  	s0 =	sadd.s32 $0x8F2B, s0  }
0x3b: {  	[sflag:s0] =	ssyncadd.remote.s32 $0x1  }
0x3c: {  	_ =	sfence.sel $0xFFFF  }
0x3d: {  	[dreg:$0x0] =	wrdreg $0xFFFFFFFF;
	(pc) =	sbr.abs _section_cstart, $3  }
0x3e: {  	[dreg:$0x1] =	wrdreg $0xFFFFFFFF  }
0x3f: {  	_ =	task.clear_ibuf [dreg:s7], $0x2FFFF;
	_ =	strace $0x9FFFFFFF  }
0x40: {  	(tm) =	ssettm $0x7FFFFFFF  }
0x41: {  	_ =	shalt  }
tec
execute0_lowered:
.L_overlay_start_1:
0x0: {  	(tag) =	ssettag $0x1  }
0x1: {  	s0 =	stileid.u32;
	s1 =	srdreg.scid  }
0x2: {  	s5 =	rddreg [dreg:$0x0];
	s2 =	sshll.u32 s0, $0x5;
	s1 =	sshll.u32 s1, $0x9  }
0x3: {  	s3 =	rddreg [dreg:$0x1];
	s6 =	simm.s32 $0x1;
	s1 =	sor.u32 s2, s1  }
0x4: {  	s8 =	simm.s32 $0x2;
	s14 =	simm.s32 $0x0;
	s2 =	sand.u32 $0x380, s1  }
0x5: {  	s9 =	simm.s32 $0x4000;
	s15 =	simm.s32 $0x0;
	s4 =	ssub.s32 $0x800, s2  }
0x6: {  	s16 =	simm.s32 $0x0;
	s11 =	simm.s32 $0x0;
	s31 =	sand.u32 $0x380, s4  }
0x7: {  	s13 =	simm.s32 $0x0;
	s7 =	sand.u32 $0x3, s0;
	p0 =	sne.s32 s31, $0x0  }
.Ltmp0:
0x8: {  	s4 =	sshrl.u32 s4, $0xA;
	s6 =	simm.s32 @!p0 $0x0;
	(pc) =	sbr.rel .LBB1_1-.Ltmp0, $4  }
0x9: {  	s1 =	rddreg [dreg:$0x2];
	_ =	strace $0x8000004D;
	s6 =	sadd.s32 s6, s4  }
0xa: {  	s4 =	sadd.s32 $0x1A00, s5;
	s5 =	simm.s32 $0x1;
	s6 =	smul.u32 $0x83, s6  }
0xb: {  	s12 =	smov.u32 s7;
	s10 =	smov.u32 s2;
	[sflag:s5] =	ssyncpa.u1 $0x0  }
0xc: {  	p0 =	por $0x0, $0x0;
	[sflag:s8] =	ssyncpa.u1 $0x0;
	s8 =	sadd.s32 $0x1, s6  }
.LBB1_4:
0xd: {  	s16 =	smul.u32 $0x20C000, s16  }
0xe: {  	s19 =	sshll.u32 s14, $0x3;
	s20 =	sand.u32 $0x78, s14;
	s15 =	sshll.u32 s15, $0xE  }
0xf: {  	s30 =	sand.u32 $0x3F00, s14;
	s19 =	sand.u32 $0x400, s19;
	s16 =	sadd.s32 s3, s16  }
0x10: {  	[tilespmem:s18+$0x810 ss:$0x81] =	vst.msk $0xffff, v2;
	s31 =	sand.u32 $0x7, s14;
	s19 =	sor.u32 s20, s19;
	s15 =	sadd.s32 s15, s16  }
0x11: {  	[tilespmem:s18+$0x1020 ss:$0x81] =	vst.msk $0xffff, v0;
	s14 =	sshll.u32 s31, $0x12;
	s19 =	sshrl.u32 s19, $0x3;
	s15 =	sadd.s32 s30, s15  }
0x12: {  	[tilespmem:s18+$0x0 ss:$0x81] =	vst.msk $0xffff, v1;
	s14 =	sor.u32 $0x400, s14;
	s15 =	sadd.s32 s19, s15  }
0x13: {  	[hbm4b:s15+s14] =	stream.strided.scatter [tilespmem:s17], [sflag:$0x2], $0x2000, s9, s14, $0x20;
	[tilespmem:$0x8080] =	vst v63  }
.LBB1_5:
0x14: {  	s17 =	sadd.s32 $0x400, s10  }
0x15: {  	s14 =	simm.s32 $0x1;
	p2 =	sgt.s32 s17, $0x7FF  }
0x16: {  	s14 =	simm.s32 @!p2 $0x0  }
0x17: {  	s18 =	sadd.s32 s14, s11  }
0x18: {  	s20 =	smov.u32 s12;
	s14 =	sadd.s32 $0x4, s12;
	p3 =	sgt.s32 s18, $0x82  }
0x19: {  	s20 =	smov.u32 @p3 s14  }
0x1a: {  	p1 =	slt.u32 s13, $0x2;
	s17 =	smov.u32 @p2 s2;
	p2 =	sgt.s32 s20, $0x3  }
0x1b: {  	s19 =	simm.s32 @!p1 $0x2;
	s20 =	smov.u32 @p2 s7;
	p2 =	sne.s32 s13, s8  }
.Ltmp1:
0x1c: {  	_ =	swait.ge @!p1 [sflag:s19], $0x2000;
	(pc) =	sbr.rel @!p2 .LBB1_6-.Ltmp1, $4  }
0x1d: {  	s15 =	smov.u32 s11;
	[sflag:s19] =	ssyncset.done @!p1 $0x0  }
0x1e: {  	s16 =	smov.u32 s12;
	p0 =	por !p0, !p0;
	[sflag:s19] =	ssyncadd.s32 @!p1 $0xFFFFE000  }
0x1f: {  	s18 =	simm.s32 @p3 $0x0;
	s14 =	smov.u32 s10;
	s10 =	smov.u32 s17  }
0x20: {  	s11 =	smov.u32 s18;
	s13 =	sadd.s32 $0x1, s13;
	s12 =	smov.u32 s20  }
.LBB1_1:
0x21: {  	p1 =	sge.u32 s13, s6  }
0x22: {  	s18 =	smul.u32 @!p1 $0x418000, s12  }
0x23: {  	s31 =	sadd.s32 $0xFFFFFFFF, s13;
	s17 =	sxor.u32 @!p1 $0xFFFFFFFF, s13;
	s19 =	sshll.u32 @!p1 s11, $0xF  }
0x24: {  	s20 =	sshll.u32 @!p1 s10, $0x4;
	s17 =	sshll.u32 @!p1 s17, $0xD;
	s18 =	sadd.s32 @!p1 s4, s18  }
0x25: {  	s20 =	sand.u32 @!p1 $0x7FF0, s20;
	s17 =	sand.u32 @!p1 $0x2000, s17;
	s18 =	sadd.s32 @!p1 s19, s18  }
0x26: {  	s19 =	simm.s32 @!p1 $0x40;
	s18 =	sadd.s32 @!p1 s20, s18;
	s20 =	simm.s32 @!p1 $0x80  }
0x27: {  	[tilespmem:s17], [sflag:$0x1] =	stream.strided.gather @!p1 [hbm4b:s18+s19], $0x2000, s20, s19, $0x38;
	[tilespmem:$0x8080] =	vst v63  }
0x28: {  	p1 =	sge.u32 s31, s6  }
.Ltmp2:
0x29: {  	_ = 	snop;
	(pc) =	sbr.rel @p1 .LBB1_5-.Ltmp2, $1  }
0x2a: {  	_ =	sdelay $0x3  }
0x2b: {  	s17 =	simm.s32 $0x1  }
0x2c: {  	_ =	swait.ge [sflag:s5], $0x2000;
	s17 =	simm.s32 @!p0 $0x0  }
0x2d: {  	[sflag:s5] =	ssyncset.done $0x0;
	s18 =	sshll.u32 s17, $0xD  }
0x2e: {  	[sflag:s5] =	ssyncadd.s32 $0xFFFFE000;
	s21 =	sor.u32 $0x20, s18  }
0x2f: {  	s17 =	smul.u32 $0x8100, s17;
	v3 =	vld [tilespmem:s21+$0x10]  }
0x30: {  	s30 =	sand.u32 $0x1, s13;
	v2 =	vld [tilespmem:s21+$0xFFFFFFF0]  }
0x31: {  	s18 =	smul.u32 $0x8100, s30;
	s17 =	sshrl.u32 s17, $0x2;
	v0 =	vld [tilespmem:s21+$0x0]  }
0x32: {  	v1 =	vld [tilespmem:s21+$0xFFFFFFE0];
	s19 =	sor.u32 $0x4000, s17  }
0x33: {  	s31 =	sshrl.u32 s18, $0x2;
	s18 =	sadd.s32 $0x0, s19  }
0x34: {  	s20 =	simm.s32 $0x4;
	s21 =	sadd.s32 $0x40, s21;
	s17 =	sor.u32 $0x4000, s31;
	[tilespmem:s18+$0x1830 ss:$0x81] =	vst.msk $0xffff, v3  }
.LBB1_3:
0x35: {  	v3 =	vld [tilespmem:s21+$0x10];
	p1 =	sne.s32 s20, $0x1FC;
	[tilespmem:s18+$0x810 ss:$0x81] =	vst.msk $0xffff, v2;
	s22 =	smov.u32 s20;
	s20 =	sadd.s32 $0x4, s20  }
.Ltmp3:
0x36: {  	v2 =	vld [tilespmem:s21+$0xFFFFFFF0];
	[tilespmem:s18+$0x1020 ss:$0x81] =	vst.msk $0xffff, v0;
	(pc) =	sbr.rel @p1 .LBB1_3-.Ltmp3, $4  }
0x37: {  	v0 =	vld [tilespmem:s21+$0x0];
	[tilespmem:s18+$0x0 ss:$0x81] =	vst.msk $0xffff, v1  }
0x38: {  	s18 =	sshra.s32 s22, $0x2;
	v1 =	vld [tilespmem:s21+$0xFFFFFFE0]  }
0x39: {  	s18 =	sadd.s32 s18, s19  }
0x3a: {  	s21 =	sadd.s32 $0x40, s21;
	[tilespmem:s18+$0x1830 ss:$0x81] =	vst.msk $0xffff, v3  }
.Ltmp4:
0x3b: {  	_ = 	snop;
	(pc) =	sbr.rel .LBB1_4-.Ltmp4, $1  }
0x3c: {  	_ =	sdelay $0x3  }
.LBB1_6:
0x3d: {  	_ =	sfence.sel $0x180000  }
0x3e: {  	s2 =	simm.s32 $0x1;
	[bflag:$0x0] =	sbarrier.arrive $0xFFFF  }
0x3f: {  	s31 =	simm.s32 $0x2;
	[sflag:s2] =	ssyncpa.u1 $0x1  }
0x40: {  	[sflag:s31] =	ssyncpa.u1 $0x1  }
0x41: {  	p0 =	sne.s32 s0, $0x0;
	_ =	strace $0x9000004D  }
0x42: {  	s0 =	sadd.s32 @!p0 $0x100000, s1;
	[bflag:$0x2] =	sbarrier.arrive $0xFFFF  }
0x43: {  	[sflag:s0] =	ssyncadd.tile.s32 @!p0 $0x1;
	_ =	shalt  }
.Lfunc_end1:
_tile_overlayer_lowered:
.L_overlay_start_2:
0x44: {  	(tag) =	ssettag $0x2  }
0x45: {  	s0 =	rddreg [dreg:$0x0];
	s2 =	stileid.u32  }
0x46: {  	s1 =	rddreg [dreg:$0x1];
	p0 =	sne.s32 s2, $0x0  }
0x47: {  	s3 =	rddreg [dreg:$0x2];
	[bflag:$0x3] =	sbarrier.arrive $0xFFFF;
	s2 =	simm.s32 @!p0 $0x1C01  }
0x48: {  	[timem:s3], [sflag:s2] =	dma.local @!p0 [hbm:s0], s1  }
0x49: {  	s0 =	simm.s32 @!p0 $0x1  }
0x4a: {  	_ =	swait.ge @!p0 [sflag:s0], s1  }
0x4b: {  	s1 =	ssub.s32 @!p0 $0x0, s1;
	[sflag:s0] =	ssyncset.done @!p0 $0x0  }
0x4c: {  	[sflag:s0] =	ssyncadd.s32 @!p0 s1  }
0x4d: {  	[bflag:$0x3] =	sbarrier.arrive $0xFFFF  }
0x4e: {  	_ =	shalt  }

</sc_bundles>
